<compile_context>
chip_gen: v7x
topology: tpu7x:2x2x1
jax: 0.10.2.dev20260603
libtpu: 0.0.44.dev20260713+nightly
codegen_flags: <defaults>
</compile_context>

<pallas_src>
import functools

import jax
import jax.numpy as jnp
from jax import lax
from jax.experimental import pallas as pl
from jax.experimental.pallas import tpu as pltpu
from jax.experimental.pallas import tpu_sc as plsc

N = 10000
E = 320000
G = 8
NP = 10240
NW = 32
EPW = E // NW
AGG_CFG = {64: (128, 8), 128: (128, 8)}
RPT = NP // 16
BN = 1024
NB = NP // BN

_SC_MESH = dict(core_axis_name="c", subcore_axis_name="s",
                num_cores=2, num_subcores=16)



def _deg_body(dst_hbm, degp_hbm, dstv, degv):
    w = lax.axis_index("c") * 16 + lax.axis_index("s")
    zeros16 = jnp.zeros((16,), jnp.float32)
    ones16 = jnp.ones((16,), jnp.float32)

    def zero(i, _):
        degv[pl.ds(i * 16, 16)] = zeros16
        return _
    lax.fori_loop(0, NP // 16, zero, None)

    pltpu.sync_copy(dst_hbm.at[w], dstv)

    def body(i, _):
        d16 = dstv[pl.ds(i * 16, 16)]
        plsc.addupdate_scatter(degv, [d16], ones16)
        return _
    lax.fori_loop(0, EPW // 16, body, None)

    pltpu.sync_copy(degv, degp_hbm.at[w])


def _deg_call(dst_flat):
    k = pl.kernel(
        _deg_body,
        out_type=jax.ShapeDtypeStruct((NW, NP), jnp.float32),
        mesh=plsc.VectorSubcoreMesh(**_SC_MESH),
        compiler_params=pltpu.CompilerParams(needs_layout_passes=False),
        scratch_types=[
            pltpu.VMEM((EPW,), jnp.int32),
            pltpu.VMEM((NP,), jnp.float32),
        ],
    )
    return k(dst_flat)


def _agg_body(src_hbm, dst_hbm, v_hbm, out_hbm, srcv, dstv, rows, acc,
              gsem, ssem, *, nch, nbuf):
    cid = lax.axis_index("c")
    sid = lax.axis_index("s")
    w = cid * 16 + sid

    pltpu.sync_copy(v_hbm.at[pl.ds(sid * RPT, RPT)],
                    acc.at[pl.ds(sid * RPT, RPT)])
    plsc.subcore_barrier()

    pltpu.sync_copy(src_hbm.at[w], srcv)
    pltpu.sync_copy(dst_hbm.at[w], dstv)

    for j in range(nbuf - 1):
        pltpu.async_copy(v_hbm.at[srcv.at[j]], rows.at[j], gsem.at[j])

    def body(i, _):
        p = lax.rem(i, nbuf)
        nb = lax.rem(i + nbuf - 1, nbuf)

        @pl.when(i > 0)
        def _():
            pltpu.make_async_copy(rows.at[nb], acc.at[dstv.at[i - 1]],
                                  ssem.at[nb]).wait()

        @pl.when(i + nbuf - 1 < nch)
        def _():
            pltpu.async_copy(v_hbm.at[srcv.at[i + nbuf - 1]], rows.at[nb],
                             gsem.at[nb])

        pltpu.make_async_copy(v_hbm.at[srcv.at[i]], rows.at[p],
                              gsem.at[p]).wait()
        pltpu.async_copy(rows.at[p], acc.at[dstv.at[i]], ssem.at[p],
                         add=True)
        return _
    lax.fori_loop(0, nch, body, None)

    lastp = (nch - 1) % nbuf
    pltpu.make_async_copy(rows.at[lastp], acc.at[dstv.at[nch - 1]],
                          ssem.at[lastp]).wait()
    plsc.subcore_barrier()
    pltpu.sync_copy(acc.at[pl.ds(sid * RPT, RPT)],
                    out_hbm.at[cid, pl.ds(sid * RPT, RPT)])


def _agg_call(src_r, dst_r, v, F):
    ch, nbuf = AGG_CFG[F]
    nch = src_r.shape[1]
    k = pl.kernel(
        functools.partial(_agg_body, nch=nch, nbuf=nbuf),
        out_type=jax.ShapeDtypeStruct((2, NP, F), jnp.bfloat16),
        mesh=plsc.VectorSubcoreMesh(**_SC_MESH),
        compiler_params=pltpu.CompilerParams(use_tc_tiling_on_sc=False),
        scratch_types=[
            pltpu.VMEM((nch, ch), jnp.int32),
            pltpu.VMEM((nch, ch), jnp.int32),
            pltpu.VMEM((nbuf, ch, F), jnp.bfloat16),
            pltpu.VMEM_SHARED((NP, F), jnp.bfloat16),
            pltpu.SemaphoreType.DMA((nbuf,)),
            pltpu.SemaphoreType.DMA((nbuf,)),
        ],
    )
    return k(src_r, dst_r, v)



def _tc_a(x_ref, w1_ref, degp_ref, v1_ref, dinv_ref):
    deg = jnp.sum(degp_ref[...], axis=0) + 1.0
    dinv = lax.rsqrt(deg)
    h = jnp.dot(x_ref[...], w1_ref[...], preferred_element_type=jnp.float32)
    v1_ref[...] = (h * dinv[:, None]).astype(jnp.bfloat16)
    dinv_ref[...] = dinv


def _agg_sum(p0_ref, p1_ref, v_ref):
    return (p0_ref[...].astype(jnp.float32) + p1_ref[...].astype(jnp.float32)
            - v_ref[...].astype(jnp.float32))


def _tc_b(p0_ref, p1_ref, v1_ref, dinv_ref, b1_ref, v2_ref):
    dinv = dinv_ref[...][:, None]
    u = dinv * _agg_sum(p0_ref, p1_ref, v1_ref)
    h1 = jnp.maximum(u + b1_ref[...][None, :], 0.0)
    v2_ref[...] = (h1 * dinv).astype(jnp.bfloat16)


def _tc_c(p0_ref, p1_ref, v2_ref, dinv_ref, w2_ref, b2_ref, v3_ref):
    dinv = dinv_ref[...][:, None]
    u = dinv * _agg_sum(p0_ref, p1_ref, v2_ref)
    h2 = jnp.maximum(
        jnp.dot(u, w2_ref[...], preferred_element_type=jnp.float32)
        + b2_ref[...][None, :], 0.0)
    v3_ref[...] = (h2 * dinv).astype(jnp.bfloat16)


def _tc_d(p0_ref, p1_ref, v3_ref, dinv_ref, w3_ref, b3_ref, batch_ref,
          out_ref, sums_ref, cnts_ref):
    i = pl.program_id(0)
    dinv = dinv_ref[...][:, None]
    u = dinv * _agg_sum(p0_ref, p1_ref, v3_ref)
    h3 = jnp.maximum(
        jnp.dot(u, w3_ref[...], preferred_element_type=jnp.float32)
        + b3_ref[...][None, :], 0.0)
    gids = lax.broadcasted_iota(jnp.int32, (G, BN), 0)
    oh = (gids == batch_ref[...][None, :]).astype(jnp.float32)
    psum = jnp.dot(oh, h3, preferred_element_type=jnp.float32)
    pcnt = jnp.sum(oh, axis=1)[:, None]

    @pl.when(i == 0)
    def _():
        sums_ref[...] = psum
        cnts_ref[...] = jnp.broadcast_to(pcnt, (G, 256))

    @pl.when(i > 0)
    def _():
        sums_ref[...] += psum
        cnts_ref[...] += jnp.broadcast_to(pcnt, (G, 256))

    @pl.when(i == pl.num_programs(0) - 1)
    def _():
        out_ref[...] = sums_ref[...] / jnp.maximum(cnts_ref[...], 1.0)


def _row_spec(F):
    return pl.BlockSpec((BN, F), lambda i: (i, 0))


def _full_spec(shape):
    nd = len(shape)
    return pl.BlockSpec(shape, lambda i: (0,) * nd)


_DINV_SPEC = pl.BlockSpec((BN,), lambda i: (i,))



def kernel(x, edge_index, batch, W1, b1, W2, b2, W3, b3):
    f32 = jnp.float32

    def edge_lists(F):
        ch, _ = AGG_CFG[F]
        nch = -(-EPW // ch)
        pad_e = NW * nch * ch - E
        r = jnp.arange(pad_e, dtype=jnp.int32)
        src_p = jnp.concatenate([edge_index[0], r % N])
        dst_p = jnp.concatenate([edge_index[1], N + r % (NP - N)])
        return src_p.reshape(NW, nch, ch), dst_p.reshape(NW, nch, ch)

    src64, dst64 = edge_lists(64)
    src128, dst128 = edge_lists(128)
    dst_flat = edge_index[1].reshape(NW, EPW)
    xp = jnp.pad(x, ((0, NP - N), (0, 0)))
    batchp = jnp.pad(batch, (0, NP - N), constant_values=G)

    degp = _deg_call(dst_flat)

    v1, dinv = pl.pallas_call(
        _tc_a,
        grid=(NB,),
        in_specs=[_row_spec(128), _full_spec((128, 64)),
                  pl.BlockSpec((NW, BN), lambda i: (0, i))],
        out_specs=[_row_spec(64), _DINV_SPEC],
        out_shape=[jax.ShapeDtypeStruct((NP, 64), jnp.bfloat16),
                   jax.ShapeDtypeStruct((NP,), f32)],
    )(xp, W1, degp)

    e1 = _agg_call(src64, dst64, v1, 64)

    v2 = pl.pallas_call(
        _tc_b,
        grid=(NB,),
        in_specs=[_row_spec(64), _row_spec(64), _row_spec(64), _DINV_SPEC,
                  _full_spec((64,))],
        out_specs=_row_spec(64),
        out_shape=jax.ShapeDtypeStruct((NP, 64), jnp.bfloat16),
    )(e1[0], e1[1], v1, dinv, b1)

    e2 = _agg_call(src64, dst64, v2, 64)

    v3 = pl.pallas_call(
        _tc_c,
        grid=(NB,),
        in_specs=[_row_spec(64), _row_spec(64), _row_spec(64), _DINV_SPEC,
                  _full_spec((64, 128)), _full_spec((128,))],
        out_specs=_row_spec(128),
        out_shape=jax.ShapeDtypeStruct((NP, 128), jnp.bfloat16),
    )(e2[0], e2[1], v2, dinv, W2, b2)

    e3 = _agg_call(src128, dst128, v3, 128)

    pooled = pl.pallas_call(
        _tc_d,
        grid=(NB,),
        in_specs=[_row_spec(128), _row_spec(128), _row_spec(128), _DINV_SPEC,
                  _full_spec((128, 256)), _full_spec((256,)),
                  pl.BlockSpec((BN,), lambda i: (i,))],
        out_specs=_full_spec((G, 256)),
        out_shape=jax.ShapeDtypeStruct((G, 256), f32),
        scratch_shapes=[pltpu.VMEM((G, 256), f32), pltpu.VMEM((G, 256), f32)],
    )(e3[0], e3[1], v3, dinv, W3, b3, batchp)

    return pooled

# --- scband reference (transcript-rebuilt; emitter-appended) ---
"""Pipeline reference for scband-matsim-gnn-80307298501313 (READ-ONLY COPY).

The authoritative reference and input builder live on the scoring server;
editing this copy changes nothing except your own understanding.
"""

import jax, jax.numpy as jnp
import numpy as np

N = 10000
E = 320000
NUM_GRAPHS = 8
D_IN = 128


def gcn_conv(x, edge_index, W, b):
    # Faithful PyG GCNConv: add self-loops, symmetric deg^{-1/2} normalization,
    # linear transform, scatter-add aggregation, then bias.
    n = x.shape[0]
    src = edge_index[0]
    dst = edge_index[1]
    loop = jnp.arange(n, dtype=src.dtype)
    src = jnp.concatenate([src, loop])
    dst = jnp.concatenate([dst, loop])
    deg = jnp.zeros((n,), x.dtype).at[dst].add(1.0)
    dinv = jnp.where(deg > 0, 1.0 / jnp.sqrt(deg), 0.0)
    norm = dinv[src] * dinv[dst]
    h = x @ W
    msg = h[src] * norm[:, None]
    out = jnp.zeros((n, W.shape[1]), x.dtype).at[dst].add(msg)
    return out + b


def setup_inputs(seed: int = 0):
    key = jax.random.key(seed)
    ks = jax.random.split(key, 10)
    x = jax.random.normal(ks[0], (N, D_IN), dtype=jnp.float32)
    edge_index = jax.random.randint(ks[1], (2, E), 0, N, dtype=jnp.int32)
    batch = jnp.sort(jax.random.randint(ks[2], (N,), 0, NUM_GRAPHS, dtype=jnp.int32))
    W1 = jax.random.normal(ks[3], (D_IN, 64), dtype=jnp.float32) * 0.05
    b1 = jnp.zeros((64,), dtype=jnp.float32)
    W2 = jax.random.normal(ks[4], (64, 128), dtype=jnp.float32) * 0.05
    b2 = jnp.zeros((128,), dtype=jnp.float32)
    W3 = jax.random.normal(ks[5], (128, 256), dtype=jnp.float32) * 0.05
    b3 = jnp.zeros((256,), dtype=jnp.float32)
    return {"x": x, "edge_index": edge_index, "batch": batch,
            "W1": W1, "b1": b1, "W2": W2, "b2": b2, "W3": W3, "b3": b3}


def reference(x, edge_index, batch, W1, b1, W2, b2, W3, b3):
    h = jax.nn.relu(gcn_conv(x, edge_index, W1, b1))
    h = jax.nn.relu(gcn_conv(h, edge_index, W2, b2))
    h = jax.nn.relu(gcn_conv(h, edge_index, W3, b3))
    # global_mean_pool over batch assignment
    sums = jax.ops.segment_sum(h, batch, num_segments=NUM_GRAPHS)
    counts = jax.ops.segment_sum(jnp.ones((h.shape[0], 1), h.dtype), batch, num_segments=NUM_GRAPHS)
    pooled = sums / jnp.maximum(counts, 1.0)
    return pooled

if __name__ == "__main__":
    import jax
    _d = setup_inputs()
    print(jax.jit(kernel)(*tuple(_d.values())))

</pallas_src>

<mosaic_0001>
#map = affine_map<(d0, d1) -> (0, 0)>
module attributes {stable_mosaic.version = 14 : i64} {
  func.func @_deg_body(%arg0: i32, %arg1: i32, %arg2: memref<32x10000xi32, #tpu.memory_space<hbm>>, %arg3: memref<32x10240xf32, #tpu.memory_space<hbm>>, %arg4: memref<10000xi32, #tpu.memory_space<vmem>>, %arg5: memref<10240xf32, #tpu.memory_space<vmem>>) attributes {dimension_semantics = [#tpu.dimension_semantics<core_parallel>, #tpu.dimension_semantics<subcore_parallel>], iteration_bounds = array<i64: 2, 16>, scalar_prefetch = 0 : i64, scratch_operands = 2 : i64, tpu.core_type = #tpu.core_type<sc_vector_subcore>, window_params = [{transform_indices = #map}, {transform_indices = #map}]} {
    %mul3A = arith.constant 16 : i32
    %mul3A_0 = arith.muli %arg0, %mul3A : i32
    %add3A = arith.addi %mul3A_0, %arg1 : i32
    %broadcast_in_dim3A = arith.constant 0.000000e+00 : f32
    %broadcast_in_dim3A_1 = vector.broadcast %broadcast_in_dim3A : f32 to vector<16xf32>
    %broadcast_in_dim3A_2 = arith.constant 1.000000e+00 : f32
    %broadcast_in_dim3A_3 = vector.broadcast %broadcast_in_dim3A_2 : f32 to vector<16xf32>
    %scan3A = arith.constant 0 : i32
    %scan3A_4 = arith.constant 640 : i32
    %scan3A_5 = arith.addi %scan3A, %scan3A_4 : i32
    %scan3A_6 = arith.constant 1 : i32
    scf.for %scan3A_13 = %scan3A to %scan3A_5 step %scan3A_6  : i32 {
      %mul3A_14 = arith.constant 16 : i32
      %mul3A_15 = arith.muli %scan3A_13, %mul3A_14 : i32
      %swap3A = arith.index_cast %mul3A_15 : i32 to index
      %swap3A_16 = tpu.vector_load %arg5[%swap3A] {strides = array<i32>} : memref<10240xf32, #tpu.memory_space<vmem>>, vector<16xf32>,
      tpu.vector_store %arg5[%swap3A], %broadcast_in_dim3A_1 {strides = array<i32>} : memref<10240xf32, #tpu.memory_space<vmem>>, vector<16xf32>,
    }
    %scan3A_7 = arith.constant 640 : i32
    "tpu.region"() ({
      %run_scoped3A = tpu.sem_alloc : memref<!tpu.dma_semaphore, #tpu.memory_space<semaphore_mem>>
      %dma_start3A = arith.constant 0 : i32
      %dma_start3A_13 = tpu.memref_slice %arg2[%add3A, %dma_start3A] : memref<32x10000xi32, #tpu.memory_space<hbm>> -> memref<1x10000xi32, #tpu.memory_space<hbm>>
      %dma_start3A_14 = tpu.memref_squeeze %dma_start3A_13 : memref<1x10000xi32, #tpu.memory_space<hbm>> -> memref<10000xi32, #tpu.memory_space<hbm>>
      %dma_start3A_15 = arith.constant 0 : i32
      %dma_start3A_16 = tpu.memref_slice %arg2[%add3A, %dma_start3A_15] : memref<32x10000xi32, #tpu.memory_space<hbm>> -> memref<1x10000xi32, #tpu.memory_space<hbm>>
      %dma_start3A_17 = tpu.memref_squeeze %dma_start3A_16 : memref<1x10000xi32, #tpu.memory_space<hbm>> -> memref<10000xi32, #tpu.memory_space<hbm>>
      tpu.enqueue_dma source(%dma_start3A_17 : memref<10000xi32, #tpu.memory_space<hbm>>) target(%arg4 : memref<10000xi32, #tpu.memory_space<vmem>>) target_semaphore(%run_scoped3A : memref<!tpu.dma_semaphore, #tpu.memory_space<semaphore_mem>>)
      %dma_wait3A = arith.constant 0 : i32
      %dma_wait3A_18 = tpu.memref_slice %arg2[%add3A, %dma_wait3A] : memref<32x10000xi32, #tpu.memory_space<hbm>> -> memref<1x10000xi32, #tpu.memory_space<hbm>>
      %dma_wait3A_19 = tpu.memref_squeeze %dma_wait3A_18 : memref<1x10000xi32, #tpu.memory_space<hbm>> -> memref<10000xi32, #tpu.memory_space<hbm>>
      %dma_wait3A_20 = arith.constant 0 : i32
      %dma_wait3A_21 = tpu.memref_slice %arg2[%add3A, %dma_wait3A_20] : memref<32x10000xi32, #tpu.memory_space<hbm>> -> memref<1x10000xi32, #tpu.memory_space<hbm>>
      %dma_wait3A_22 = tpu.memref_squeeze %dma_wait3A_21 : memref<1x10000xi32, #tpu.memory_space<hbm>> -> memref<10000xi32, #tpu.memory_space<hbm>>
      tpu.wait_dma2 semaphore(%run_scoped3A : memref<!tpu.dma_semaphore, #tpu.memory_space<semaphore_mem>>) src(%dma_wait3A_22 : memref<10000xi32, #tpu.memory_space<hbm>>) dst(%arg4 : memref<10000xi32, #tpu.memory_space<vmem>>)
      tpu.yield
    }) : () -> ()
    %scan3A_8 = arith.constant 0 : i32
    %scan3A_9 = arith.constant 625 : i32
    %scan3A_10 = arith.addi %scan3A_8, %scan3A_9 : i32
    %scan3A_11 = arith.constant 1 : i32
    scf.for %scan3A_13 = %scan3A_8 to %scan3A_10 step %scan3A_11  : i32 {
      %mul3A_14 = arith.constant 16 : i32
      %mul3A_15 = arith.muli %scan3A_13, %mul3A_14 : i32
      %get3A = arith.index_cast %mul3A_15 : i32 to index
      %get3A_16 = tpu.vector_load %arg4[%get3A] {strides = array<i32>} : memref<10000xi32, #tpu.memory_space<vmem>>, vector<16xi32>,
      tpu.vector_store_idx %arg5[%get3A_16], %broadcast_in_dim3A_3 {add = true} : memref<10240xf32, #tpu.memory_space<vmem>>[vector<16xi32>], vector<16xf32>,
    }
    %scan3A_12 = arith.constant 625 : i32
    "tpu.region"() ({
      %run_scoped3A = tpu.sem_alloc : memref<!tpu.dma_semaphore, #tpu.memory_space<semaphore_mem>>
      %dma_start3A = arith.constant 0 : i32
      %dma_start3A_13 = tpu.memref_slice %arg3[%add3A, %dma_start3A] : memref<32x10240xf32, #tpu.memory_space<hbm>> -> memref<1x10240xf32, #tpu.memory_space<hbm>>
      %dma_start3A_14 = tpu.memref_squeeze %dma_start3A_13 : memref<1x10240xf32, #tpu.memory_space<hbm>> -> memref<10240xf32, #tpu.memory_space<hbm>>
      %dma_start3A_15 = arith.constant 0 : i32
      %dma_start3A_16 = tpu.memref_slice %arg3[%add3A, %dma_start3A_15] : memref<32x10240xf32, #tpu.memory_space<hbm>> -> memref<1x10240xf32, #tpu.memory_space<hbm>>
      %dma_start3A_17 = tpu.memref_squeeze %dma_start3A_16 : memref<1x10240xf32, #tpu.memory_space<hbm>> -> memref<10240xf32, #tpu.memory_space<hbm>>
      tpu.enqueue_dma source(%arg5 : memref<10240xf32, #tpu.memory_space<vmem>>) target(%dma_start3A_17 : memref<10240xf32, #tpu.memory_space<hbm>>) target_semaphore(%run_scoped3A : memref<!tpu.dma_semaphore, #tpu.memory_space<semaphore_mem>>)
      %dma_wait3A = arith.constant 0 : i32
      %dma_wait3A_18 = tpu.memref_slice %arg3[%add3A, %dma_wait3A] : memref<32x10240xf32, #tpu.memory_space<hbm>> -> memref<1x10240xf32, #tpu.memory_space<hbm>>
      %dma_wait3A_19 = tpu.memref_squeeze %dma_wait3A_18 : memref<1x10240xf32, #tpu.memory_space<hbm>> -> memref<10240xf32, #tpu.memory_space<hbm>>
      %dma_wait3A_20 = arith.constant 0 : i32
      %dma_wait3A_21 = tpu.memref_slice %arg3[%add3A, %dma_wait3A_20] : memref<32x10240xf32, #tpu.memory_space<hbm>> -> memref<1x10240xf32, #tpu.memory_space<hbm>>
      %dma_wait3A_22 = tpu.memref_squeeze %dma_wait3A_21 : memref<1x10240xf32, #tpu.memory_space<hbm>> -> memref<10240xf32, #tpu.memory_space<hbm>>
      tpu.wait_dma2 semaphore(%run_scoped3A : memref<!tpu.dma_semaphore, #tpu.memory_space<semaphore_mem>>) src(%arg5 : memref<10240xf32, #tpu.memory_space<vmem>>) dst(%dma_wait3A_22 : memref<10240xf32, #tpu.memory_space<hbm>>)
      tpu.yield
    }) : () -> ()
    return
  }
}

#map = affine_map<(d0, d1) -> (0, 0, 0)>
#map1 = affine_map<(d0, d1) -> (0, 0)>
module attributes {stable_mosaic.version = 14 : i64} {
  func.func @_agg_body(%arg0: i32, %arg1: i32, %arg2: memref<32x79x128xi32, #tpu.memory_space<hbm>>, %arg3: memref<32x79x128xi32, #tpu.memory_space<hbm>>, %arg4: memref<10240x128xbf16, #tpu.memory_space<hbm>>, %arg5: memref<2x10240x128xbf16, #tpu.memory_space<hbm>>, %arg6: memref<79x128xi32, #tpu.memory_space<vmem>>, %arg7: memref<79x128xi32, #tpu.memory_space<vmem>>, %arg8: memref<8x128x128xbf16, #tpu.memory_space<vmem>>, %arg9: memref<10240x128xbf16, #tpu.memory_space<vmem_shared>>, %arg10: memref<8x!tpu.dma_semaphore, #tpu.memory_space<semaphore_mem>>, %arg11: memref<8x!tpu.dma_semaphore, #tpu.memory_space<semaphore_mem>>) attributes {dimension_semantics = [#tpu.dimension_semantics<core_parallel>, #tpu.dimension_semantics<subcore_parallel>], iteration_bounds = array<i64: 2, 16>, scalar_prefetch = 0 : i64, scratch_operands = 6 : i64, tpu.core_type = #tpu.core_type<sc_vector_subcore>, window_params = [{transform_indices = #map}, {transform_indices = #map}, {transform_indices = #map1}, {transform_indices = #map}]} {
    %mul3A = arith.constant 16 : i32
    %mul3A_0 = arith.muli %arg0, %mul3A : i32
    %add3A = arith.addi %mul3A_0, %arg1 : i32
    %mul3A_1 = arith.constant 640 : i32
    %mul3A_2 = arith.muli %arg1, %mul3A_1 : i32
    %mul3A_3 = arith.constant 640 : i32
    %mul3A_4 = arith.muli %arg1, %mul3A_3 : i32
    "tpu.region"() ({
      %run_scoped3A = tpu.sem_alloc : memref<!tpu.dma_semaphore, #tpu.memory_space<semaphore_mem>>
      %dma_start3A_132 = arith.constant 0 : i32
      %dma_start3A_133 = tpu.memref_slice %arg9[%mul3A_4, %dma_start3A_132] : memref<10240x128xbf16, #tpu.memory_space<vmem_shared>> -> memref<640x128xbf16, #tpu.memory_space<vmem_shared>>
      %dma_start3A_134 = arith.constant 0 : i32
      %dma_start3A_135 = tpu.memref_slice %arg4[%mul3A_2, %dma_start3A_134] : memref<10240x128xbf16, #tpu.memory_space<hbm>> -> memref<640x128xbf16, #tpu.memory_space<hbm>>
      tpu.enqueue_dma source(%dma_start3A_135 : memref<640x128xbf16, #tpu.memory_space<hbm>>) target(%dma_start3A_133 : memref<640x128xbf16, #tpu.memory_space<vmem_shared>>) target_semaphore(%run_scoped3A : memref<!tpu.dma_semaphore, #tpu.memory_space<semaphore_mem>>)
      %dma_wait3A_136 = arith.constant 0 : i32
      %dma_wait3A_137 = tpu.memref_slice %arg9[%mul3A_4, %dma_wait3A_136] : memref<10240x128xbf16, #tpu.memory_space<vmem_shared>> -> memref<640x128xbf16, #tpu.memory_space<vmem_shared>>
      %dma_wait3A_138 = arith.constant 0 : i32
      %dma_wait3A_139 = tpu.memref_slice %arg4[%mul3A_2, %dma_wait3A_138] : memref<10240x128xbf16, #tpu.memory_space<hbm>> -> memref<640x128xbf16, #tpu.memory_space<hbm>>
      tpu.wait_dma2 semaphore(%run_scoped3A : memref<!tpu.dma_semaphore, #tpu.memory_space<semaphore_mem>>) src(%dma_wait3A_139 : memref<640x128xbf16, #tpu.memory_space<hbm>>) dst(%dma_wait3A_137 : memref<640x128xbf16, #tpu.memory_space<vmem_shared>>)
      tpu.yield
    }) : () -> ()
    %barrier3A = arith.constant 0 : index
    tpu.barrier barrier_id(%barrier3A)
    "tpu.region"() ({
      %run_scoped3A = tpu.sem_alloc : memref<!tpu.dma_semaphore, #tpu.memory_space<semaphore_mem>>
      %dma_start3A_132 = arith.constant 0 : i32
      %dma_start3A_133 = arith.constant 0 : i32
      %dma_start3A_134 = tpu.memref_slice %arg2[%add3A, %dma_start3A_132, %dma_start3A_133] : memref<32x79x128xi32, #tpu.memory_space<hbm>> -> memref<1x79x128xi32, #tpu.memory_space<hbm>>
      %dma_start3A_135 = tpu.memref_squeeze %dma_start3A_134 : memref<1x79x128xi32, #tpu.memory_space<hbm>> -> memref<79x128xi32, #tpu.memory_space<hbm>>
      %dma_start3A_136 = arith.constant 0 : i32
      %dma_start3A_137 = arith.constant 0 : i32
      %dma_start3A_138 = tpu.memref_slice %arg2[%add3A, %dma_start3A_136, %dma_start3A_137] : memref<32x79x128xi32, #tpu.memory_space<hbm>> -> memref<1x79x128xi32, #tpu.memory_space<hbm>>
      %dma_start3A_139 = tpu.memref_squeeze %dma_start3A_138 : memref<1x79x128xi32, #tpu.memory_space<hbm>> -> memref<79x128xi32, #tpu.memory_space<hbm>>
      tpu.enqueue_dma source(%dma_start3A_139 : memref<79x128xi32, #tpu.memory_space<hbm>>) target(%arg6 : memref<79x128xi32, #tpu.memory_space<vmem>>) target_semaphore(%run_scoped3A : memref<!tpu.dma_semaphore, #tpu.memory_space<semaphore_mem>>)
      %dma_wait3A_140 = arith.constant 0 : i32
      %dma_wait3A_141 = arith.constant 0 : i32
      %dma_wait3A_142 = tpu.memref_slice %arg2[%add3A, %dma_wait3A_140, %dma_wait3A_141] : memref<32x79x128xi32, #tpu.memory_space<hbm>> -> memref<1x79x128xi32, #tpu.memory_space<hbm>>
      %dma_wait3A_143 = tpu.memref_squeeze %dma_wait3A_142 : memref<1x79x128xi32, #tpu.memory_space<hbm>> -> memref<79x128xi32, #tpu.memory_space<hbm>>
      %dma_wait3A_144 = arith.constant 0 : i32
      %dma_wait3A_145 = arith.constant 0 : i32
      %dma_wait3A_146 = tpu.memref_slice %arg2[%add3A, %dma_wait3A_144, %dma_wait3A_145] : memref<32x79x128xi32, #tpu.memory_space<hbm>> -> memref<1x79x128xi32, #tpu.memory_space<hbm>>
      %dma_wait3A_147 = tpu.memref_squeeze %dma_wait3A_146 : memref<1x79x128xi32, #tpu.memory_space<hbm>> -> memref<79x128xi32, #tpu.memory_space<hbm>>
      tpu.wait_dma2 semaphore(%run_scoped3A : memref<!tpu.dma_semaphore, #tpu.memory_space<semaphore_mem>>) src(%dma_wait3A_147 : memref<79x128xi32, #tpu.memory_space<hbm>>) dst(%arg6 : memref<79x128xi32, #tpu.memory_space<vmem>>)
      tpu.yield
    }) : () -> ()
    "tpu.region"() ({
      %run_scoped3A = tpu.sem_alloc : memref<!tpu.dma_semaphore, #tpu.memory_space<semaphore_mem>>
      %dma_start3A_132 = arith.constant 0 : i32
      %dma_start3A_133 = arith.constant 0 : i32
      %dma_start3A_134 = tpu.memref_slice %arg3[%add3A, %dma_start3A_132, %dma_start3A_133] : memref<32x79x128xi32, #tpu.memory_space<hbm>> -> memref<1x79x128xi32, #tpu.memory_space<hbm>>
      %dma_start3A_135 = tpu.memref_squeeze %dma_start3A_134 : memref<1x79x128xi32, #tpu.memory_space<hbm>> -> memref<79x128xi32, #tpu.memory_space<hbm>>
      %dma_start3A_136 = arith.constant 0 : i32
      %dma_start3A_137 = arith.constant 0 : i32
      %dma_start3A_138 = tpu.memref_slice %arg3[%add3A, %dma_start3A_136, %dma_start3A_137] : memref<32x79x128xi32, #tpu.memory_space<hbm>> -> memref<1x79x128xi32, #tpu.memory_space<hbm>>
      %dma_start3A_139 = tpu.memref_squeeze %dma_start3A_138 : memref<1x79x128xi32, #tpu.memory_space<hbm>> -> memref<79x128xi32, #tpu.memory_space<hbm>>
      tpu.enqueue_dma source(%dma_start3A_139 : memref<79x128xi32, #tpu.memory_space<hbm>>) target(%arg7 : memref<79x128xi32, #tpu.memory_space<vmem>>) target_semaphore(%run_scoped3A : memref<!tpu.dma_semaphore, #tpu.memory_space<semaphore_mem>>)
      %dma_wait3A_140 = arith.constant 0 : i32
      %dma_wait3A_141 = arith.constant 0 : i32
      %dma_wait3A_142 = tpu.memref_slice %arg3[%add3A, %dma_wait3A_140, %dma_wait3A_141] : memref<32x79x128xi32, #tpu.memory_space<hbm>> -> memref<1x79x128xi32, #tpu.memory_space<hbm>>
      %dma_wait3A_143 = tpu.memref_squeeze %dma_wait3A_142 : memref<1x79x128xi32, #tpu.memory_space<hbm>> -> memref<79x128xi32, #tpu.memory_space<hbm>>
      %dma_wait3A_144 = arith.constant 0 : i32
      %dma_wait3A_145 = arith.constant 0 : i32
      %dma_wait3A_146 = tpu.memref_slice %arg3[%add3A, %dma_wait3A_144, %dma_wait3A_145] : memref<32x79x128xi32, #tpu.memory_space<hbm>> -> memref<1x79x128xi32, #tpu.memory_space<hbm>>
      %dma_wait3A_147 = tpu.memref_squeeze %dma_wait3A_146 : memref<1x79x128xi32, #tpu.memory_space<hbm>> -> memref<79x128xi32, #tpu.memory_space<hbm>>
      tpu.wait_dma2 semaphore(%run_scoped3A : memref<!tpu.dma_semaphore, #tpu.memory_space<semaphore_mem>>) src(%dma_wait3A_147 : memref<79x128xi32, #tpu.memory_space<hbm>>) dst(%arg7 : memref<79x128xi32, #tpu.memory_space<vmem>>)
      tpu.yield
    }) : () -> ()
    %dma_start3A = arith.constant 0 : i32
    %dma_start3A_5 = arith.constant 0 : i32
    %dma_start3A_6 = arith.constant 0 : i32
    %dma_start3A_7 = arith.constant 0 : i32
    %dma_start3A_8 = arith.constant 0 : i32
    %dma_start3A_9 = tpu.memref_slice %arg8[%dma_start3A_5, %dma_start3A_7, %dma_start3A_8] : memref<8x128x128xbf16, #tpu.memory_space<vmem>> -> memref<1x128x128xbf16, #tpu.memory_space<vmem>>
    %dma_start3A_10 = tpu.memref_squeeze %dma_start3A_9 : memref<1x128x128xbf16, #tpu.memory_space<vmem>> -> memref<128x128xbf16, #tpu.memory_space<vmem>>
    %dma_start3A_11 = arith.constant 0 : i32
    %dma_start3A_12 = tpu.memref_slice %arg6[%dma_start3A, %dma_start3A_11] : memref<79x128xi32, #tpu.memory_space<vmem>> -> memref<1x128xi32, #tpu.memory_space<vmem>>
    %dma_start3A_13 = tpu.memref_squeeze %dma_start3A_12 : memref<1x128xi32, #tpu.memory_space<vmem>> -> memref<128xi32, #tpu.memory_space<vmem>>
    %dma_start3A_14 = arith.constant 0 : i32
    %dma_start3A_15 = arith.constant 0 : i32
    %dma_start3A_16 = tpu.memref_slice %arg4[%dma_start3A_14, %dma_start3A_15] : memref<10240x128xbf16, #tpu.memory_space<hbm>> -> memref<10240x128xbf16, #tpu.memory_space<hbm>>
    %dma_start3A_17 = tpu.memref_slice %arg10[%dma_start3A_6] : memref<8x!tpu.dma_semaphore, #tpu.memory_space<semaphore_mem>> -> memref<1x!tpu.dma_semaphore, #tpu.memory_space<semaphore_mem>>
    %dma_start3A_18 = tpu.memref_squeeze %dma_start3A_17 : memref<1x!tpu.dma_semaphore, #tpu.memory_space<semaphore_mem>> -> memref<!tpu.dma_semaphore, #tpu.memory_space<semaphore_mem>>
    tpu.enqueue_indirect_dma source(%dma_start3A_16 : memref<10240x128xbf16, #tpu.memory_space<hbm>>) target(%dma_start3A_10 : memref<128x128xbf16, #tpu.memory_space<vmem>>) offsets(%dma_start3A_13 : memref<128xi32, #tpu.memory_space<vmem>>) semaphore(%dma_start3A_18 : memref<!tpu.dma_semaphore, #tpu.memory_space<semaphore_mem>>)
    %dma_start3A_19 = arith.constant 1 : i32
    %dma_start3A_20 = arith.constant 1 : i32
    %dma_start3A_21 = arith.constant 1 : i32
    %dma_start3A_22 = arith.constant 0 : i32
    %dma_start3A_23 = arith.constant 0 : i32
    %dma_start3A_24 = tpu.memref_slice %arg8[%dma_start3A_20, %dma_start3A_22, %dma_start3A_23] : memref<8x128x128xbf16, #tpu.memory_space<vmem>> -> memref<1x128x128xbf16, #tpu.memory_space<vmem>>
    %dma_start3A_25 = tpu.memref_squeeze %dma_start3A_24 : memref<1x128x128xbf16, #tpu.memory_space<vmem>> -> memref<128x128xbf16, #tpu.memory_space<vmem>>
    %dma_start3A_26 = arith.constant 0 : i32
    %dma_start3A_27 = tpu.memref_slice %arg6[%dma_start3A_19, %dma_start3A_26] : memref<79x128xi32, #tpu.memory_space<vmem>> -> memref<1x128xi32, #tpu.memory_space<vmem>>
    %dma_start3A_28 = tpu.memref_squeeze %dma_start3A_27 : memref<1x128xi32, #tpu.memory_space<vmem>> -> memref<128xi32, #tpu.memory_space<vmem>>
    %dma_start3A_29 = arith.constant 0 : i32
    %dma_start3A_30 = arith.constant 0 : i32
    %dma_start3A_31 = tpu.memref_slice %arg4[%dma_start3A_29, %dma_start3A_30] : memref<10240x128xbf16, #tpu.memory_space<hbm>> -> memref<10240x128xbf16, #tpu.memory_space<hbm>>
    %dma_start3A_32 = tpu.memref_slice %arg10[%dma_start3A_21] : memref<8x!tpu.dma_semaphore, #tpu.memory_space<semaphore_mem>> -> memref<1x!tpu.dma_semaphore, #tpu.memory_space<semaphore_mem>>
    %dma_start3A_33 = tpu.memref_squeeze %dma_start3A_32 : memref<1x!tpu.dma_semaphore, #tpu.memory_space<semaphore_mem>> -> memref<!tpu.dma_semaphore, #tpu.memory_space<semaphore_mem>>
    tpu.enqueue_indirect_dma source(%dma_start3A_31 : memref<10240x128xbf16, #tpu.memory_space<hbm>>) target(%dma_start3A_25 : memref<128x128xbf16, #tpu.memory_space<vmem>>) offsets(%dma_start3A_28 : memref<128xi32, #tpu.memory_space<vmem>>) semaphore(%dma_start3A_33 : memref<!tpu.dma_semaphore, #tpu.memory_space<semaphore_mem>>)
    %dma_start3A_34 = arith.constant 2 : i32
    %dma_start3A_35 = arith.constant 2 : i32
    %dma_start3A_36 = arith.constant 2 : i32
    %dma_start3A_37 = arith.constant 0 : i32
    %dma_start3A_38 = arith.constant 0 : i32
    %dma_start3A_39 = tpu.memref_slice %arg8[%dma_start3A_35, %dma_start3A_37, %dma_start3A_38] : memref<8x128x128xbf16, #tpu.memory_space<vmem>> -> memref<1x128x128xbf16, #tpu.memory_space<vmem>>
    %dma_start3A_40 = tpu.memref_squeeze %dma_start3A_39 : memref<1x128x128xbf16, #tpu.memory_space<vmem>> -> memref<128x128xbf16, #tpu.memory_space<vmem>>
    %dma_start3A_41 = arith.constant 0 : i32
    %dma_start3A_42 = tpu.memref_slice %arg6[%dma_start3A_34, %dma_start3A_41] : memref<79x128xi32, #tpu.memory_space<vmem>> -> memref<1x128xi32, #tpu.memory_space<vmem>>
    %dma_start3A_43 = tpu.memref_squeeze %dma_start3A_42 : memref<1x128xi32, #tpu.memory_space<vmem>> -> memref<128xi32, #tpu.memory_space<vmem>>
    %dma_start3A_44 = arith.constant 0 : i32
    %dma_start3A_45 = arith.constant 0 : i32
    %dma_start3A_46 = tpu.memref_slice %arg4[%dma_start3A_44, %dma_start3A_45] : memref<10240x128xbf16, #tpu.memory_space<hbm>> -> memref<10240x128xbf16, #tpu.memory_space<hbm>>
    %dma_start3A_47 = tpu.memref_slice %arg10[%dma_start3A_36] : memref<8x!tpu.dma_semaphore, #tpu.memory_space<semaphore_mem>> -> memref<1x!tpu.dma_semaphore, #tpu.memory_space<semaphore_mem>>
    %dma_start3A_48 = tpu.memref_squeeze %dma_start3A_47 : memref<1x!tpu.dma_semaphore, #tpu.memory_space<semaphore_mem>> -> memref<!tpu.dma_semaphore, #tpu.memory_space<semaphore_mem>>
    tpu.enqueue_indirect_dma source(%dma_start3A_46 : memref<10240x128xbf16, #tpu.memory_space<hbm>>) target(%dma_start3A_40 : memref<128x128xbf16, #tpu.memory_space<vmem>>) offsets(%dma_start3A_43 : memref<128xi32, #tpu.memory_space<vmem>>) semaphore(%dma_start3A_48 : memref<!tpu.dma_semaphore, #tpu.memory_space<semaphore_mem>>)
    %dma_start3A_49 = arith.constant 3 : i32
    %dma_start3A_50 = arith.constant 3 : i32
    %dma_start3A_51 = arith.constant 3 : i32
    %dma_start3A_52 = arith.constant 0 : i32
    %dma_start3A_53 = arith.constant 0 : i32
    %dma_start3A_54 = tpu.memref_slice %arg8[%dma_start3A_50, %dma_start3A_52, %dma_start3A_53] : memref<8x128x128xbf16, #tpu.memory_space<vmem>> -> memref<1x128x128xbf16, #tpu.memory_space<vmem>>
    %dma_start3A_55 = tpu.memref_squeeze %dma_start3A_54 : memref<1x128x128xbf16, #tpu.memory_space<vmem>> -> memref<128x128xbf16, #tpu.memory_space<vmem>>
    %dma_start3A_56 = arith.constant 0 : i32
    %dma_start3A_57 = tpu.memref_slice %arg6[%dma_start3A_49, %dma_start3A_56] : memref<79x128xi32, #tpu.memory_space<vmem>> -> memref<1x128xi32, #tpu.memory_space<vmem>>
    %dma_start3A_58 = tpu.memref_squeeze %dma_start3A_57 : memref<1x128xi32, #tpu.memory_space<vmem>> -> memref<128xi32, #tpu.memory_space<vmem>>
    %dma_start3A_59 = arith.constant 0 : i32
    %dma_start3A_60 = arith.constant 0 : i32
    %dma_start3A_61 = tpu.memref_slice %arg4[%dma_start3A_59, %dma_start3A_60] : memref<10240x128xbf16, #tpu.memory_space<hbm>> -> memref<10240x128xbf16, #tpu.memory_space<hbm>>
    %dma_start3A_62 = tpu.memref_slice %arg10[%dma_start3A_51] : memref<8x!tpu.dma_semaphore, #tpu.memory_space<semaphore_mem>> -> memref<1x!tpu.dma_semaphore, #tpu.memory_space<semaphore_mem>>
    %dma_start3A_63 = tpu.memref_squeeze %dma_start3A_62 : memref<1x!tpu.dma_semaphore, #tpu.memory_space<semaphore_mem>> -> memref<!tpu.dma_semaphore, #tpu.memory_space<semaphore_mem>>
    tpu.enqueue_indirect_dma source(%dma_start3A_61 : memref<10240x128xbf16, #tpu.memory_space<hbm>>) target(%dma_start3A_55 : memref<128x128xbf16, #tpu.memory_space<vmem>>) offsets(%dma_start3A_58 : memref<128xi32, #tpu.memory_space<vmem>>) semaphore(%dma_start3A_63 : memref<!tpu.dma_semaphore, #tpu.memory_space<semaphore_mem>>)
    %dma_start3A_64 = arith.constant 4 : i32
    %dma_start3A_65 = arith.constant 4 : i32
    %dma_start3A_66 = arith.constant 4 : i32
    %dma_start3A_67 = arith.constant 0 : i32
    %dma_start3A_68 = arith.constant 0 : i32
    %dma_start3A_69 = tpu.memref_slice %arg8[%dma_start3A_65, %dma_start3A_67, %dma_start3A_68] : memref<8x128x128xbf16, #tpu.memory_space<vmem>> -> memref<1x128x128xbf16, #tpu.memory_space<vmem>>
    %dma_start3A_70 = tpu.memref_squeeze %dma_start3A_69 : memref<1x128x128xbf16, #tpu.memory_space<vmem>> -> memref<128x128xbf16, #tpu.memory_space<vmem>>
    %dma_start3A_71 = arith.constant 0 : i32
    %dma_start3A_72 = tpu.memref_slice %arg6[%dma_start3A_64, %dma_start3A_71] : memref<79x128xi32, #tpu.memory_space<vmem>> -> memref<1x128xi32, #tpu.memory_space<vmem>>
    %dma_start3A_73 = tpu.memref_squeeze %dma_start3A_72 : memref<1x128xi32, #tpu.memory_space<vmem>> -> memref<128xi32, #tpu.memory_space<vmem>>
    %dma_start3A_74 = arith.constant 0 : i32
    %dma_start3A_75 = arith.constant 0 : i32
    %dma_start3A_76 = tpu.memref_slice %arg4[%dma_start3A_74, %dma_start3A_75] : memref<10240x128xbf16, #tpu.memory_space<hbm>> -> memref<10240x128xbf16, #tpu.memory_space<hbm>>
    %dma_start3A_77 = tpu.memref_slice %arg10[%dma_start3A_66] : memref<8x!tpu.dma_semaphore, #tpu.memory_space<semaphore_mem>> -> memref<1x!tpu.dma_semaphore, #tpu.memory_space<semaphore_mem>>
    %dma_start3A_78 = tpu.memref_squeeze %dma_start3A_77 : memref<1x!tpu.dma_semaphore, #tpu.memory_space<semaphore_mem>> -> memref<!tpu.dma_semaphore, #tpu.memory_space<semaphore_mem>>
    tpu.enqueue_indirect_dma source(%dma_start3A_76 : memref<10240x128xbf16, #tpu.memory_space<hbm>>) target(%dma_start3A_70 : memref<128x128xbf16, #tpu.memory_space<vmem>>) offsets(%dma_start3A_73 : memref<128xi32, #tpu.memory_space<vmem>>) semaphore(%dma_start3A_78 : memref<!tpu.dma_semaphore, #tpu.memory_space<semaphore_mem>>)
    %dma_start3A_79 = arith.constant 5 : i32
    %dma_start3A_80 = arith.constant 5 : i32
    %dma_start3A_81 = arith.constant 5 : i32
    %dma_start3A_82 = arith.constant 0 : i32
    %dma_start3A_83 = arith.constant 0 : i32
    %dma_start3A_84 = tpu.memref_slice %arg8[%dma_start3A_80, %dma_start3A_82, %dma_start3A_83] : memref<8x128x128xbf16, #tpu.memory_space<vmem>> -> memref<1x128x128xbf16, #tpu.memory_space<vmem>>
    %dma_start3A_85 = tpu.memref_squeeze %dma_start3A_84 : memref<1x128x128xbf16, #tpu.memory_space<vmem>> -> memref<128x128xbf16, #tpu.memory_space<vmem>>
    %dma_start3A_86 = arith.constant 0 : i32
    %dma_start3A_87 = tpu.memref_slice %arg6[%dma_start3A_79, %dma_start3A_86] : memref<79x128xi32, #tpu.memory_space<vmem>> -> memref<1x128xi32, #tpu.memory_space<vmem>>
    %dma_start3A_88 = tpu.memref_squeeze %dma_start3A_87 : memref<1x128xi32, #tpu.memory_space<vmem>> -> memref<128xi32, #tpu.memory_space<vmem>>
    %dma_start3A_89 = arith.constant 0 : i32
    %dma_start3A_90 = arith.constant 0 : i32
    %dma_start3A_91 = tpu.memref_slice %arg4[%dma_start3A_89, %dma_start3A_90] : memref<10240x128xbf16, #tpu.memory_space<hbm>> -> memref<10240x128xbf16, #tpu.memory_space<hbm>>
    %dma_start3A_92 = tpu.memref_slice %arg10[%dma_start3A_81] : memref<8x!tpu.dma_semaphore, #tpu.memory_space<semaphore_mem>> -> memref<1x!tpu.dma_semaphore, #tpu.memory_space<semaphore_mem>>
    %dma_start3A_93 = tpu.memref_squeeze %dma_start3A_92 : memref<1x!tpu.dma_semaphore, #tpu.memory_space<semaphore_mem>> -> memref<!tpu.dma_semaphore, #tpu.memory_space<semaphore_mem>>
    tpu.enqueue_indirect_dma source(%dma_start3A_91 : memref<10240x128xbf16, #tpu.memory_space<hbm>>) target(%dma_start3A_85 : memref<128x128xbf16, #tpu.memory_space<vmem>>) offsets(%dma_start3A_88 : memref<128xi32, #tpu.memory_space<vmem>>) semaphore(%dma_start3A_93 : memref<!tpu.dma_semaphore, #tpu.memory_space<semaphore_mem>>)
    %dma_start3A_94 = arith.constant 6 : i32
    %dma_start3A_95 = arith.constant 6 : i32
    %dma_start3A_96 = arith.constant 6 : i32
    %dma_start3A_97 = arith.constant 0 : i32
    %dma_start3A_98 = arith.constant 0 : i32
    %dma_start3A_99 = tpu.memref_slice %arg8[%dma_start3A_95, %dma_start3A_97, %dma_start3A_98] : memref<8x128x128xbf16, #tpu.memory_space<vmem>> -> memref<1x128x128xbf16, #tpu.memory_space<vmem>>
    %dma_start3A_100 = tpu.memref_squeeze %dma_start3A_99 : memref<1x128x128xbf16, #tpu.memory_space<vmem>> -> memref<128x128xbf16, #tpu.memory_space<vmem>>
    %dma_start3A_101 = arith.constant 0 : i32
    %dma_start3A_102 = tpu.memref_slice %arg6[%dma_start3A_94, %dma_start3A_101] : memref<79x128xi32, #tpu.memory_space<vmem>> -> memref<1x128xi32, #tpu.memory_space<vmem>>
    %dma_start3A_103 = tpu.memref_squeeze %dma_start3A_102 : memref<1x128xi32, #tpu.memory_space<vmem>> -> memref<128xi32, #tpu.memory_space<vmem>>
    %dma_start3A_104 = arith.constant 0 : i32
    %dma_start3A_105 = arith.constant 0 : i32
    %dma_start3A_106 = tpu.memref_slice %arg4[%dma_start3A_104, %dma_start3A_105] : memref<10240x128xbf16, #tpu.memory_space<hbm>> -> memref<10240x128xbf16, #tpu.memory_space<hbm>>
    %dma_start3A_107 = tpu.memref_slice %arg10[%dma_start3A_96] : memref<8x!tpu.dma_semaphore, #tpu.memory_space<semaphore_mem>> -> memref<1x!tpu.dma_semaphore, #tpu.memory_space<semaphore_mem>>
    %dma_start3A_108 = tpu.memref_squeeze %dma_start3A_107 : memref<1x!tpu.dma_semaphore, #tpu.memory_space<semaphore_mem>> -> memref<!tpu.dma_semaphore, #tpu.memory_space<semaphore_mem>>
    tpu.enqueue_indirect_dma source(%dma_start3A_106 : memref<10240x128xbf16, #tpu.memory_space<hbm>>) target(%dma_start3A_100 : memref<128x128xbf16, #tpu.memory_space<vmem>>) offsets(%dma_start3A_103 : memref<128xi32, #tpu.memory_space<vmem>>) semaphore(%dma_start3A_108 : memref<!tpu.dma_semaphore, #tpu.memory_space<semaphore_mem>>)
    %scan3A = arith.constant 0 : i32
    %scan3A_109 = arith.constant 79 : i32
    %scan3A_110 = arith.addi %scan3A, %scan3A_109 : i32
    %scan3A_111 = arith.constant 1 : i32
    scf.for %scan3A_132 = %scan3A to %scan3A_110 step %scan3A_111  : i32 {
      %rem3A = arith.constant 8 : i32
      %rem3A_133 = arith.remsi %scan3A_132, %rem3A : i32
      %add3A_134 = arith.constant 8 : i32
      %add3A_135 = arith.addi %scan3A_132, %add3A_134 : i32
      %sub3A = arith.constant 1 : i32
      %sub3A_136 = arith.subi %add3A_135, %sub3A : i32
      %rem3A_137 = arith.constant 8 : i32
      %rem3A_138 = arith.remsi %sub3A_136, %rem3A_137 : i32
      %gt3A = arith.constant 0 : i32
      %gt3A_139 = arith.cmpi sgt, %scan3A_132, %gt3A : i32
      %convert_element_type3A = arith.extui %gt3A_139 : i1 to i32
      %cond3A = arith.constant 0 : i32
      %cond3A_140 = arith.cmpi ne, %convert_element_type3A, %cond3A : i32
      scf.if %cond3A_140 {
        %sub3A_173 = arith.constant 1 : i32
        %sub3A_174 = arith.subi %scan3A_132, %sub3A_173 : i32
        %dma_wait3A_175 = arith.constant 0 : i32
        %dma_wait3A_176 = arith.constant 0 : i32
        %dma_wait3A_177 = tpu.memref_slice %arg8[%rem3A_138, %dma_wait3A_175, %dma_wait3A_176] : memref<8x128x128xbf16, #tpu.memory_space<vmem>> -> memref<1x128x128xbf16, #tpu.memory_space<vmem>>
        %dma_wait3A_178 = tpu.memref_squeeze %dma_wait3A_177 : memref<1x128x128xbf16, #tpu.memory_space<vmem>> -> memref<128x128xbf16, #tpu.memory_space<vmem>>
        %dma_wait3A_179 = arith.constant 0 : i32
        %dma_wait3A_180 = tpu.memref_slice %arg7[%sub3A_174, %dma_wait3A_179] : memref<79x128xi32, #tpu.memory_space<vmem>> -> memref<1x128xi32, #tpu.memory_space<vmem>>
        %dma_wait3A_181 = tpu.memref_squeeze %dma_wait3A_180 : memref<1x128xi32, #tpu.memory_space<vmem>> -> memref<128xi32, #tpu.memory_space<vmem>>
        %dma_wait3A_182 = arith.constant 0 : i32
        %dma_wait3A_183 = arith.constant 0 : i32
        %dma_wait3A_184 = tpu.memref_slice %arg9[%dma_wait3A_182, %dma_wait3A_183] : memref<10240x128xbf16, #tpu.memory_space<vmem_shared>> -> memref<10240x128xbf16, #tpu.memory_space<vmem_shared>>
        %dma_wait3A_185 = tpu.memref_slice %arg11[%rem3A_138] : memref<8x!tpu.dma_semaphore, #tpu.memory_space<semaphore_mem>> -> memref<1x!tpu.dma_semaphore, #tpu.memory_space<semaphore_mem>>
        %dma_wait3A_186 = tpu.memref_squeeze %dma_wait3A_185 : memref<1x!tpu.dma_semaphore, #tpu.memory_space<semaphore_mem>> -> memref<!tpu.dma_semaphore, #tpu.memory_space<semaphore_mem>>
        tpu.wait_indirect_dma semaphore(%dma_wait3A_186 : memref<!tpu.dma_semaphore, #tpu.memory_space<semaphore_mem>>) src(%dma_wait3A_178 : memref<128x128xbf16, #tpu.memory_space<vmem>>) dst(%dma_wait3A_184 : memref<10240x128xbf16, #tpu.memory_space<vmem_shared>>)
      } else {
      }
      %add3A_141 = arith.constant 8 : i32
      %add3A_142 = arith.addi %scan3A_132, %add3A_141 : i32
      %sub3A_143 = arith.constant 1 : i32
      %sub3A_144 = arith.subi %add3A_142, %sub3A_143 : i32
      %lt3A = arith.constant 79 : i32
      %lt3A_145 = arith.cmpi slt, %sub3A_144, %lt3A : i32
      %convert_element_type3A_146 = arith.extui %lt3A_145 : i1 to i32
      %cond3A_147 = arith.constant 0 : i32
      %cond3A_148 = arith.cmpi ne, %convert_element_type3A_146, %cond3A_147 : i32
      scf.if %cond3A_148 {
        %add3A_173 = arith.constant 8 : i32
        %add3A_174 = arith.addi %scan3A_132, %add3A_173 : i32
        %sub3A_175 = arith.constant 1 : i32
        %sub3A_176 = arith.subi %add3A_174, %sub3A_175 : i32
        %dma_start3A_177 = arith.constant 0 : i32
        %dma_start3A_178 = arith.constant 0 : i32
        %dma_start3A_179 = tpu.memref_slice %arg8[%rem3A_138, %dma_start3A_177, %dma_start3A_178] : memref<8x128x128xbf16, #tpu.memory_space<vmem>> -> memref<1x128x128xbf16, #tpu.memory_space<vmem>>
        %dma_start3A_180 = tpu.memref_squeeze %dma_start3A_179 : memref<1x128x128xbf16, #tpu.memory_space<vmem>> -> memref<128x128xbf16, #tpu.memory_space<vmem>>
        %dma_start3A_181 = arith.constant 0 : i32
        %dma_start3A_182 = tpu.memref_slice %arg6[%sub3A_176, %dma_start3A_181] : memref<79x128xi32, #tpu.memory_space<vmem>> -> memref<1x128xi32, #tpu.memory_space<vmem>>
        %dma_start3A_183 = tpu.memref_squeeze %dma_start3A_182 : memref<1x128xi32, #tpu.memory_space<vmem>> -> memref<128xi32, #tpu.memory_space<vmem>>
        %dma_start3A_184 = arith.constant 0 : i32
        %dma_start3A_185 = arith.constant 0 : i32
        %dma_start3A_186 = tpu.memref_slice %arg4[%dma_start3A_184, %dma_start3A_185] : memref<10240x128xbf16, #tpu.memory_space<hbm>> -> memref<10240x128xbf16, #tpu.memory_space<hbm>>
        %dma_start3A_187 = tpu.memref_slice %arg10[%rem3A_138] : memref<8x!tpu.dma_semaphore, #tpu.memory_space<semaphore_mem>> -> memref<1x!tpu.dma_semaphore, #tpu.memory_space<semaphore_mem>>
        %dma_start3A_188 = tpu.memref_squeeze %dma_start3A_187 : memref<1x!tpu.dma_semaphore, #tpu.memory_space<semaphore_mem>> -> memref<!tpu.dma_semaphore, #tpu.memory_space<semaphore_mem>>
        tpu.enqueue_indirect_dma source(%dma_start3A_186 : memref<10240x128xbf16, #tpu.memory_space<hbm>>) target(%dma_start3A_180 : memref<128x128xbf16, #tpu.memory_space<vmem>>) offsets(%dma_start3A_183 : memref<128xi32, #tpu.memory_space<vmem>>) semaphore(%dma_start3A_188 : memref<!tpu.dma_semaphore, #tpu.memory_space<semaphore_mem>>)
      } else {
      }
      %dma_wait3A_149 = arith.constant 0 : i32
      %dma_wait3A_150 = arith.constant 0 : i32
      %dma_wait3A_151 = tpu.memref_slice %arg8[%rem3A_133, %dma_wait3A_149, %dma_wait3A_150] : memref<8x128x128xbf16, #tpu.memory_space<vmem>> -> memref<1x128x128xbf16, #tpu.memory_space<vmem>>
      %dma_wait3A_152 = tpu.memref_squeeze %dma_wait3A_151 : memref<1x128x128xbf16, #tpu.memory_space<vmem>> -> memref<128x128xbf16, #tpu.memory_space<vmem>>
      %dma_wait3A_153 = arith.constant 0 : i32
      %dma_wait3A_154 = tpu.memref_slice %arg6[%scan3A_132, %dma_wait3A_153] : memref<79x128xi32, #tpu.memory_space<vmem>> -> memref<1x128xi32, #tpu.memory_space<vmem>>
      %dma_wait3A_155 = tpu.memref_squeeze %dma_wait3A_154 : memref<1x128xi32, #tpu.memory_space<vmem>> -> memref<128xi32, #tpu.memory_space<vmem>>
      %dma_wait3A_156 = arith.constant 0 : i32
      %dma_wait3A_157 = arith.constant 0 : i32
      %dma_wait3A_158 = tpu.memref_slice %arg4[%dma_wait3A_156, %dma_wait3A_157] : memref<10240x128xbf16, #tpu.memory_space<hbm>> -> memref<10240x128xbf16, #tpu.memory_space<hbm>>
      %dma_wait3A_159 = tpu.memref_slice %arg10[%rem3A_133] : memref<8x!tpu.dma_semaphore, #tpu.memory_space<semaphore_mem>> -> memref<1x!tpu.dma_semaphore, #tpu.memory_space<semaphore_mem>>
      %dma_wait3A_160 = tpu.memref_squeeze %dma_wait3A_159 : memref<1x!tpu.dma_semaphore, #tpu.memory_space<semaphore_mem>> -> memref<!tpu.dma_semaphore, #tpu.memory_space<semaphore_mem>>
      tpu.wait_indirect_dma semaphore(%dma_wait3A_160 : memref<!tpu.dma_semaphore, #tpu.memory_space<semaphore_mem>>) src(%dma_wait3A_158 : memref<10240x128xbf16, #tpu.memory_space<hbm>>) dst(%dma_wait3A_152 : memref<128x128xbf16, #tpu.memory_space<vmem>>)
      %dma_start3A_161 = arith.constant 0 : i32
      %dma_start3A_162 = arith.constant 0 : i32
      %dma_start3A_163 = tpu.memref_slice %arg8[%rem3A_133, %dma_start3A_161, %dma_start3A_162] : memref<8x128x128xbf16, #tpu.memory_space<vmem>> -> memref<1x128x128xbf16, #tpu.memory_space<vmem>>
      %dma_start3A_164 = tpu.memref_squeeze %dma_start3A_163 : memref<1x128x128xbf16, #tpu.memory_space<vmem>> -> memref<128x128xbf16, #tpu.memory_space<vmem>>
      %dma_start3A_165 = arith.constant 0 : i32
      %dma_start3A_166 = tpu.memref_slice %arg7[%scan3A_132, %dma_start3A_165] : memref<79x128xi32, #tpu.memory_space<vmem>> -> memref<1x128xi32, #tpu.memory_space<vmem>>
      %dma_start3A_167 = tpu.memref_squeeze %dma_start3A_166 : memref<1x128xi32, #tpu.memory_space<vmem>> -> memref<128xi32, #tpu.memory_space<vmem>>
      %dma_start3A_168 = arith.constant 0 : i32
      %dma_start3A_169 = arith.constant 0 : i32
      %dma_start3A_170 = tpu.memref_slice %arg9[%dma_start3A_168, %dma_start3A_169] : memref<10240x128xbf16, #tpu.memory_space<vmem_shared>> -> memref<10240x128xbf16, #tpu.memory_space<vmem_shared>>
      %dma_start3A_171 = tpu.memref_slice %arg11[%rem3A_133] : memref<8x!tpu.dma_semaphore, #tpu.memory_space<semaphore_mem>> -> memref<1x!tpu.dma_semaphore, #tpu.memory_space<semaphore_mem>>
      %dma_start3A_172 = tpu.memref_squeeze %dma_start3A_171 : memref<1x!tpu.dma_semaphore, #tpu.memory_space<semaphore_mem>> -> memref<!tpu.dma_semaphore, #tpu.memory_space<semaphore_mem>>
      tpu.enqueue_indirect_dma source(%dma_start3A_164 : memref<128x128xbf16, #tpu.memory_space<vmem>>) target(%dma_start3A_170 : memref<10240x128xbf16, #tpu.memory_space<vmem_shared>>) offsets(%dma_start3A_167 : memref<128xi32, #tpu.memory_space<vmem>>) semaphore(%dma_start3A_172 : memref<!tpu.dma_semaphore, #tpu.memory_space<semaphore_mem>>) {add = true}
    }
    %scan3A_112 = arith.constant 79 : i32
    %dma_wait3A = arith.constant 6 : i32
    %dma_wait3A_113 = arith.constant 78 : i32
    %dma_wait3A_114 = arith.constant 6 : i32
    %dma_wait3A_115 = arith.constant 0 : i32
    %dma_wait3A_116 = arith.constant 0 : i32
    %dma_wait3A_117 = tpu.memref_slice %arg8[%dma_wait3A, %dma_wait3A_115, %dma_wait3A_116] : memref<8x128x128xbf16, #tpu.memory_space<vmem>> -> memref<1x128x128xbf16, #tpu.memory_space<vmem>>
    %dma_wait3A_118 = tpu.memref_squeeze %dma_wait3A_117 : memref<1x128x128xbf16, #tpu.memory_space<vmem>> -> memref<128x128xbf16, #tpu.memory_space<vmem>>
    %dma_wait3A_119 = arith.constant 0 : i32
    %dma_wait3A_120 = tpu.memref_slice %arg7[%dma_wait3A_113, %dma_wait3A_119] : memref<79x128xi32, #tpu.memory_space<vmem>> -> memref<1x128xi32, #tpu.memory_space<vmem>>
    %dma_wait3A_121 = tpu.memref_squeeze %dma_wait3A_120 : memref<1x128xi32, #tpu.memory_space<vmem>> -> memref<128xi32, #tpu.memory_space<vmem>>
    %dma_wait3A_122 = arith.constant 0 : i32
    %dma_wait3A_123 = arith.constant 0 : i32
    %dma_wait3A_124 = tpu.memref_slice %arg9[%dma_wait3A_122, %dma_wait3A_123] : memref<10240x128xbf16, #tpu.memory_space<vmem_shared>> -> memref<10240x128xbf16, #tpu.memory_space<vmem_shared>>
    %dma_wait3A_125 = tpu.memref_slice %arg11[%dma_wait3A_114] : memref<8x!tpu.dma_semaphore, #tpu.memory_space<semaphore_mem>> -> memref<1x!tpu.dma_semaphore, #tpu.memory_space<semaphore_mem>>
    %dma_wait3A_126 = tpu.memref_squeeze %dma_wait3A_125 : memref<1x!tpu.dma_semaphore, #tpu.memory_space<semaphore_mem>> -> memref<!tpu.dma_semaphore, #tpu.memory_space<semaphore_mem>>
    tpu.wait_indirect_dma semaphore(%dma_wait3A_126 : memref<!tpu.dma_semaphore, #tpu.memory_space<semaphore_mem>>) src(%dma_wait3A_118 : memref<128x128xbf16, #tpu.memory_space<vmem>>) dst(%dma_wait3A_124 : memref<10240x128xbf16, #tpu.memory_space<vmem_shared>>)
    %barrier3A_127 = arith.constant 0 : index
    tpu.barrier barrier_id(%barrier3A_127)
    %mul3A_128 = arith.constant 640 : i32
    %mul3A_129 = arith.muli %arg1, %mul3A_128 : i32
    %mul3A_130 = arith.constant 640 : i32
    %mul3A_131 = arith.muli %arg1, %mul3A_130 : i32
    "tpu.region"() ({
      %run_scoped3A = tpu.sem_alloc : memref<!tpu.dma_semaphore, #tpu.memory_space<semaphore_mem>>
      %dma_start3A_132 = arith.constant 0 : i32
      %dma_start3A_133 = tpu.memref_slice %arg5[%arg0, %mul3A_131, %dma_start3A_132] : memref<2x10240x128xbf16, #tpu.memory_space<hbm>> -> memref<1x640x128xbf16, #tpu.memory_space<hbm>>
      %dma_start3A_134 = tpu.memref_squeeze %dma_start3A_133 : memref<1x640x128xbf16, #tpu.memory_space<hbm>> -> memref<640x128xbf16, #tpu.memory_space<hbm>>
      %dma_start3A_135 = arith.constant 0 : i32
      %dma_start3A_136 = tpu.memref_slice %arg9[%mul3A_129, %dma_start3A_135] : memref<10240x128xbf16, #tpu.memory_space<vmem_shared>> -> memref<640x128xbf16, #tpu.memory_space<vmem_shared>>
      tpu.enqueue_dma source(%dma_start3A_136 : memref<640x128xbf16, #tpu.memory_space<vmem_shared>>) target(%dma_start3A_134 : memref<640x128xbf16, #tpu.memory_space<hbm>>) target_semaphore(%run_scoped3A : memref<!tpu.dma_semaphore, #tpu.memory_space<semaphore_mem>>)
      %dma_wait3A_137 = arith.constant 0 : i32
      %dma_wait3A_138 = tpu.memref_slice %arg5[%arg0, %mul3A_131, %dma_wait3A_137] : memref<2x10240x128xbf16, #tpu.memory_space<hbm>> -> memref<1x640x128xbf16, #tpu.memory_space<hbm>>
      %dma_wait3A_139 = tpu.memref_squeeze %dma_wait3A_138 : memref<1x640x128xbf16, #tpu.memory_space<hbm>> -> memref<640x128xbf16, #tpu.memory_space<hbm>>
      %dma_wait3A_140 = arith.constant 0 : i32
      %dma_wait3A_141 = tpu.memref_slice %arg9[%mul3A_129, %dma_wait3A_140] : memref<10240x128xbf16, #tpu.memory_space<vmem_shared>> -> memref<640x128xbf16, #tpu.memory_space<vmem_shared>>
      tpu.wait_dma2 semaphore(%run_scoped3A : memref<!tpu.dma_semaphore, #tpu.memory_space<semaphore_mem>>) src(%dma_wait3A_141 : memref<640x128xbf16, #tpu.memory_space<vmem_shared>>) dst(%dma_wait3A_139 : memref<640x128xbf16, #tpu.memory_space<hbm>>)
      tpu.yield
    }) : () -> ()
    return
  }
}

#map = affine_map<(d0, d1) -> (0, 0, 0)>
#map1 = affine_map<(d0, d1) -> (0, 0)>
module attributes {stable_mosaic.version = 14 : i64} {
  func.func @_agg_body(%arg0: i32, %arg1: i32, %arg2: memref<32x79x128xi32, #tpu.memory_space<hbm>>, %arg3: memref<32x79x128xi32, #tpu.memory_space<hbm>>, %arg4: memref<10240x64xbf16, #tpu.memory_space<hbm>>, %arg5: memref<2x10240x64xbf16, #tpu.memory_space<hbm>>, %arg6: memref<79x128xi32, #tpu.memory_space<vmem>>, %arg7: memref<79x128xi32, #tpu.memory_space<vmem>>, %arg8: memref<8x128x64xbf16, #tpu.memory_space<vmem>>, %arg9: memref<10240x64xbf16, #tpu.memory_space<vmem_shared>>, %arg10: memref<8x!tpu.dma_semaphore, #tpu.memory_space<semaphore_mem>>, %arg11: memref<8x!tpu.dma_semaphore, #tpu.memory_space<semaphore_mem>>) attributes {dimension_semantics = [#tpu.dimension_semantics<core_parallel>, #tpu.dimension_semantics<subcore_parallel>], iteration_bounds = array<i64: 2, 16>, scalar_prefetch = 0 : i64, scratch_operands = 6 : i64, tpu.core_type = #tpu.core_type<sc_vector_subcore>, window_params = [{transform_indices = #map}, {transform_indices = #map}, {transform_indices = #map1}, {transform_indices = #map}]} {
    %mul3A = arith.constant 16 : i32
    %mul3A_0 = arith.muli %arg0, %mul3A : i32
    %add3A = arith.addi %mul3A_0, %arg1 : i32
    %mul3A_1 = arith.constant 640 : i32
    %mul3A_2 = arith.muli %arg1, %mul3A_1 : i32
    %mul3A_3 = arith.constant 640 : i32
    %mul3A_4 = arith.muli %arg1, %mul3A_3 : i32
    "tpu.region"() ({
      %run_scoped3A = tpu.sem_alloc : memref<!tpu.dma_semaphore, #tpu.memory_space<semaphore_mem>>
      %dma_start3A_132 = arith.constant 0 : i32
      %dma_start3A_133 = tpu.memref_slice %arg9[%mul3A_4, %dma_start3A_132] : memref<10240x64xbf16, #tpu.memory_space<vmem_shared>> -> memref<640x64xbf16, #tpu.memory_space<vmem_shared>>
      %dma_start3A_134 = arith.constant 0 : i32
      %dma_start3A_135 = tpu.memref_slice %arg4[%mul3A_2, %dma_start3A_134] : memref<10240x64xbf16, #tpu.memory_space<hbm>> -> memref<640x64xbf16, #tpu.memory_space<hbm>>
      tpu.enqueue_dma source(%dma_start3A_135 : memref<640x64xbf16, #tpu.memory_space<hbm>>) target(%dma_start3A_133 : memref<640x64xbf16, #tpu.memory_space<vmem_shared>>) target_semaphore(%run_scoped3A : memref<!tpu.dma_semaphore, #tpu.memory_space<semaphore_mem>>)
      %dma_wait3A_136 = arith.constant 0 : i32
      %dma_wait3A_137 = tpu.memref_slice %arg9[%mul3A_4, %dma_wait3A_136] : memref<10240x64xbf16, #tpu.memory_space<vmem_shared>> -> memref<640x64xbf16, #tpu.memory_space<vmem_shared>>
      %dma_wait3A_138 = arith.constant 0 : i32
      %dma_wait3A_139 = tpu.memref_slice %arg4[%mul3A_2, %dma_wait3A_138] : memref<10240x64xbf16, #tpu.memory_space<hbm>> -> memref<640x64xbf16, #tpu.memory_space<hbm>>
      tpu.wait_dma2 semaphore(%run_scoped3A : memref<!tpu.dma_semaphore, #tpu.memory_space<semaphore_mem>>) src(%dma_wait3A_139 : memref<640x64xbf16, #tpu.memory_space<hbm>>) dst(%dma_wait3A_137 : memref<640x64xbf16, #tpu.memory_space<vmem_shared>>)
      tpu.yield
    }) : () -> ()
    %barrier3A = arith.constant 0 : index
    tpu.barrier barrier_id(%barrier3A)
    "tpu.region"() ({
      %run_scoped3A = tpu.sem_alloc : memref<!tpu.dma_semaphore, #tpu.memory_space<semaphore_mem>>
      %dma_start3A_132 = arith.constant 0 : i32
      %dma_start3A_133 = arith.constant 0 : i32
      %dma_start3A_134 = tpu.memref_slice %arg2[%add3A, %dma_start3A_132, %dma_start3A_133] : memref<32x79x128xi32, #tpu.memory_space<hbm>> -> memref<1x79x128xi32, #tpu.memory_space<hbm>>
      %dma_start3A_135 = tpu.memref_squeeze %dma_start3A_134 : memref<1x79x128xi32, #tpu.memory_space<hbm>> -> memref<79x128xi32, #tpu.memory_space<hbm>>
      %dma_start3A_136 = arith.constant 0 : i32
      %dma_start3A_137 = arith.constant 0 : i32
      %dma_start3A_138 = tpu.memref_slice %arg2[%add3A, %dma_start3A_136, %dma_start3A_137] : memref<32x79x128xi32, #tpu.memory_space<hbm>> -> memref<1x79x128xi32, #tpu.memory_space<hbm>>
      %dma_start3A_139 = tpu.memref_squeeze %dma_start3A_138 : memref<1x79x128xi32, #tpu.memory_space<hbm>> -> memref<79x128xi32, #tpu.memory_space<hbm>>
      tpu.enqueue_dma source(%dma_start3A_139 : memref<79x128xi32, #tpu.memory_space<hbm>>) target(%arg6 : memref<79x128xi32, #tpu.memory_space<vmem>>) target_semaphore(%run_scoped3A : memref<!tpu.dma_semaphore, #tpu.memory_space<semaphore_mem>>)
      %dma_wait3A_140 = arith.constant 0 : i32
      %dma_wait3A_141 = arith.constant 0 : i32
      %dma_wait3A_142 = tpu.memref_slice %arg2[%add3A, %dma_wait3A_140, %dma_wait3A_141] : memref<32x79x128xi32, #tpu.memory_space<hbm>> -> memref<1x79x128xi32, #tpu.memory_space<hbm>>
      %dma_wait3A_143 = tpu.memref_squeeze %dma_wait3A_142 : memref<1x79x128xi32, #tpu.memory_space<hbm>> -> memref<79x128xi32, #tpu.memory_space<hbm>>
      %dma_wait3A_144 = arith.constant 0 : i32
      %dma_wait3A_145 = arith.constant 0 : i32
      %dma_wait3A_146 = tpu.memref_slice %arg2[%add3A, %dma_wait3A_144, %dma_wait3A_145] : memref<32x79x128xi32, #tpu.memory_space<hbm>> -> memref<1x79x128xi32, #tpu.memory_space<hbm>>
      %dma_wait3A_147 = tpu.memref_squeeze %dma_wait3A_146 : memref<1x79x128xi32, #tpu.memory_space<hbm>> -> memref<79x128xi32, #tpu.memory_space<hbm>>
      tpu.wait_dma2 semaphore(%run_scoped3A : memref<!tpu.dma_semaphore, #tpu.memory_space<semaphore_mem>>) src(%dma_wait3A_147 : memref<79x128xi32, #tpu.memory_space<hbm>>) dst(%arg6 : memref<79x128xi32, #tpu.memory_space<vmem>>)
      tpu.yield
    }) : () -> ()
    "tpu.region"() ({
      %run_scoped3A = tpu.sem_alloc : memref<!tpu.dma_semaphore, #tpu.memory_space<semaphore_mem>>
      %dma_start3A_132 = arith.constant 0 : i32
      %dma_start3A_133 = arith.constant 0 : i32
      %dma_start3A_134 = tpu.memref_slice %arg3[%add3A, %dma_start3A_132, %dma_start3A_133] : memref<32x79x128xi32, #tpu.memory_space<hbm>> -> memref<1x79x128xi32, #tpu.memory_space<hbm>>
      %dma_start3A_135 = tpu.memref_squeeze %dma_start3A_134 : memref<1x79x128xi32, #tpu.memory_space<hbm>> -> memref<79x128xi32, #tpu.memory_space<hbm>>
      %dma_start3A_136 = arith.constant 0 : i32
      %dma_start3A_137 = arith.constant 0 : i32
      %dma_start3A_138 = tpu.memref_slice %arg3[%add3A, %dma_start3A_136, %dma_start3A_137] : memref<32x79x128xi32, #tpu.memory_space<hbm>> -> memref<1x79x128xi32, #tpu.memory_space<hbm>>
      %dma_start3A_139 = tpu.memref_squeeze %dma_start3A_138 : memref<1x79x128xi32, #tpu.memory_space<hbm>> -> memref<79x128xi32, #tpu.memory_space<hbm>>
      tpu.enqueue_dma source(%dma_start3A_139 : memref<79x128xi32, #tpu.memory_space<hbm>>) target(%arg7 : memref<79x128xi32, #tpu.memory_space<vmem>>) target_semaphore(%run_scoped3A : memref<!tpu.dma_semaphore, #tpu.memory_space<semaphore_mem>>)
      %dma_wait3A_140 = arith.constant 0 : i32
      %dma_wait3A_141 = arith.constant 0 : i32
      %dma_wait3A_142 = tpu.memref_slice %arg3[%add3A, %dma_wait3A_140, %dma_wait3A_141] : memref<32x79x128xi32, #tpu.memory_space<hbm>> -> memref<1x79x128xi32, #tpu.memory_space<hbm>>
      %dma_wait3A_143 = tpu.memref_squeeze %dma_wait3A_142 : memref<1x79x128xi32, #tpu.memory_space<hbm>> -> memref<79x128xi32, #tpu.memory_space<hbm>>
      %dma_wait3A_144 = arith.constant 0 : i32
      %dma_wait3A_145 = arith.constant 0 : i32
      %dma_wait3A_146 = tpu.memref_slice %arg3[%add3A, %dma_wait3A_144, %dma_wait3A_145] : memref<32x79x128xi32, #tpu.memory_space<hbm>> -> memref<1x79x128xi32, #tpu.memory_space<hbm>>
      %dma_wait3A_147 = tpu.memref_squeeze %dma_wait3A_146 : memref<1x79x128xi32, #tpu.memory_space<hbm>> -> memref<79x128xi32, #tpu.memory_space<hbm>>
      tpu.wait_dma2 semaphore(%run_scoped3A : memref<!tpu.dma_semaphore, #tpu.memory_space<semaphore_mem>>) src(%dma_wait3A_147 : memref<79x128xi32, #tpu.memory_space<hbm>>) dst(%arg7 : memref<79x128xi32, #tpu.memory_space<vmem>>)
      tpu.yield
    }) : () -> ()
    %dma_start3A = arith.constant 0 : i32
    %dma_start3A_5 = arith.constant 0 : i32
    %dma_start3A_6 = arith.constant 0 : i32
    %dma_start3A_7 = arith.constant 0 : i32
    %dma_start3A_8 = arith.constant 0 : i32
    %dma_start3A_9 = tpu.memref_slice %arg8[%dma_start3A_5, %dma_start3A_7, %dma_start3A_8] : memref<8x128x64xbf16, #tpu.memory_space<vmem>> -> memref<1x128x64xbf16, #tpu.memory_space<vmem>>
    %dma_start3A_10 = tpu.memref_squeeze %dma_start3A_9 : memref<1x128x64xbf16, #tpu.memory_space<vmem>> -> memref<128x64xbf16, #tpu.memory_space<vmem>>
    %dma_start3A_11 = arith.constant 0 : i32
    %dma_start3A_12 = tpu.memref_slice %arg6[%dma_start3A, %dma_start3A_11] : memref<79x128xi32, #tpu.memory_space<vmem>> -> memref<1x128xi32, #tpu.memory_space<vmem>>
    %dma_start3A_13 = tpu.memref_squeeze %dma_start3A_12 : memref<1x128xi32, #tpu.memory_space<vmem>> -> memref<128xi32, #tpu.memory_space<vmem>>
    %dma_start3A_14 = arith.constant 0 : i32
    %dma_start3A_15 = arith.constant 0 : i32
    %dma_start3A_16 = tpu.memref_slice %arg4[%dma_start3A_14, %dma_start3A_15] : memref<10240x64xbf16, #tpu.memory_space<hbm>> -> memref<10240x64xbf16, #tpu.memory_space<hbm>>
    %dma_start3A_17 = tpu.memref_slice %arg10[%dma_start3A_6] : memref<8x!tpu.dma_semaphore, #tpu.memory_space<semaphore_mem>> -> memref<1x!tpu.dma_semaphore, #tpu.memory_space<semaphore_mem>>
    %dma_start3A_18 = tpu.memref_squeeze %dma_start3A_17 : memref<1x!tpu.dma_semaphore, #tpu.memory_space<semaphore_mem>> -> memref<!tpu.dma_semaphore, #tpu.memory_space<semaphore_mem>>
    tpu.enqueue_indirect_dma source(%dma_start3A_16 : memref<10240x64xbf16, #tpu.memory_space<hbm>>) target(%dma_start3A_10 : memref<128x64xbf16, #tpu.memory_space<vmem>>) offsets(%dma_start3A_13 : memref<128xi32, #tpu.memory_space<vmem>>) semaphore(%dma_start3A_18 : memref<!tpu.dma_semaphore, #tpu.memory_space<semaphore_mem>>)
    %dma_start3A_19 = arith.constant 1 : i32
    %dma_start3A_20 = arith.constant 1 : i32
    %dma_start3A_21 = arith.constant 1 : i32
    %dma_start3A_22 = arith.constant 0 : i32
    %dma_start3A_23 = arith.constant 0 : i32
    %dma_start3A_24 = tpu.memref_slice %arg8[%dma_start3A_20, %dma_start3A_22, %dma_start3A_23] : memref<8x128x64xbf16, #tpu.memory_space<vmem>> -> memref<1x128x64xbf16, #tpu.memory_space<vmem>>
    %dma_start3A_25 = tpu.memref_squeeze %dma_start3A_24 : memref<1x128x64xbf16, #tpu.memory_space<vmem>> -> memref<128x64xbf16, #tpu.memory_space<vmem>>
    %dma_start3A_26 = arith.constant 0 : i32
    %dma_start3A_27 = tpu.memref_slice %arg6[%dma_start3A_19, %dma_start3A_26] : memref<79x128xi32, #tpu.memory_space<vmem>> -> memref<1x128xi32, #tpu.memory_space<vmem>>
    %dma_start3A_28 = tpu.memref_squeeze %dma_start3A_27 : memref<1x128xi32, #tpu.memory_space<vmem>> -> memref<128xi32, #tpu.memory_space<vmem>>
    %dma_start3A_29 = arith.constant 0 : i32
    %dma_start3A_30 = arith.constant 0 : i32
    %dma_start3A_31 = tpu.memref_slice %arg4[%dma_start3A_29, %dma_start3A_30] : memref<10240x64xbf16, #tpu.memory_space<hbm>> -> memref<10240x64xbf16, #tpu.memory_space<hbm>>
    %dma_start3A_32 = tpu.memref_slice %arg10[%dma_start3A_21] : memref<8x!tpu.dma_semaphore, #tpu.memory_space<semaphore_mem>> -> memref<1x!tpu.dma_semaphore, #tpu.memory_space<semaphore_mem>>
    %dma_start3A_33 = tpu.memref_squeeze %dma_start3A_32 : memref<1x!tpu.dma_semaphore, #tpu.memory_space<semaphore_mem>> -> memref<!tpu.dma_semaphore, #tpu.memory_space<semaphore_mem>>
    tpu.enqueue_indirect_dma source(%dma_start3A_31 : memref<10240x64xbf16, #tpu.memory_space<hbm>>) target(%dma_start3A_25 : memref<128x64xbf16, #tpu.memory_space<vmem>>) offsets(%dma_start3A_28 : memref<128xi32, #tpu.memory_space<vmem>>) semaphore(%dma_start3A_33 : memref<!tpu.dma_semaphore, #tpu.memory_space<semaphore_mem>>)
    %dma_start3A_34 = arith.constant 2 : i32
    %dma_start3A_35 = arith.constant 2 : i32
    %dma_start3A_36 = arith.constant 2 : i32
    %dma_start3A_37 = arith.constant 0 : i32
    %dma_start3A_38 = arith.constant 0 : i32
    %dma_start3A_39 = tpu.memref_slice %arg8[%dma_start3A_35, %dma_start3A_37, %dma_start3A_38] : memref<8x128x64xbf16, #tpu.memory_space<vmem>> -> memref<1x128x64xbf16, #tpu.memory_space<vmem>>
    %dma_start3A_40 = tpu.memref_squeeze %dma_start3A_39 : memref<1x128x64xbf16, #tpu.memory_space<vmem>> -> memref<128x64xbf16, #tpu.memory_space<vmem>>
    %dma_start3A_41 = arith.constant 0 : i32
    %dma_start3A_42 = tpu.memref_slice %arg6[%dma_start3A_34, %dma_start3A_41] : memref<79x128xi32, #tpu.memory_space<vmem>> -> memref<1x128xi32, #tpu.memory_space<vmem>>
    %dma_start3A_43 = tpu.memref_squeeze %dma_start3A_42 : memref<1x128xi32, #tpu.memory_space<vmem>> -> memref<128xi32, #tpu.memory_space<vmem>>
    %dma_start3A_44 = arith.constant 0 : i32
    %dma_start3A_45 = arith.constant 0 : i32
    %dma_start3A_46 = tpu.memref_slice %arg4[%dma_start3A_44, %dma_start3A_45] : memref<10240x64xbf16, #tpu.memory_space<hbm>> -> memref<10240x64xbf16, #tpu.memory_space<hbm>>
    %dma_start3A_47 = tpu.memref_slice %arg10[%dma_start3A_36] : memref<8x!tpu.dma_semaphore, #tpu.memory_space<semaphore_mem>> -> memref<1x!tpu.dma_semaphore, #tpu.memory_space<semaphore_mem>>
    %dma_start3A_48 = tpu.memref_squeeze %dma_start3A_47 : memref<1x!tpu.dma_semaphore, #tpu.memory_space<semaphore_mem>> -> memref<!tpu.dma_semaphore, #tpu.memory_space<semaphore_mem>>
    tpu.enqueue_indirect_dma source(%dma_start3A_46 : memref<10240x64xbf16, #tpu.memory_space<hbm>>) target(%dma_start3A_40 : memref<128x64xbf16, #tpu.memory_space<vmem>>) offsets(%dma_start3A_43 : memref<128xi32, #tpu.memory_space<vmem>>) semaphore(%dma_start3A_48 : memref<!tpu.dma_semaphore, #tpu.memory_space<semaphore_mem>>)
    %dma_start3A_49 = arith.constant 3 : i32
    %dma_start3A_50 = arith.constant 3 : i32
    %dma_start3A_51 = arith.constant 3 : i32
    %dma_start3A_52 = arith.constant 0 : i32
    %dma_start3A_53 = arith.constant 0 : i32
    %dma_start3A_54 = tpu.memref_slice %arg8[%dma_start3A_50, %dma_start3A_52, %dma_start3A_53] : memref<8x128x64xbf16, #tpu.memory_space<vmem>> -> memref<1x128x64xbf16, #tpu.memory_space<vmem>>
    %dma_start3A_55 = tpu.memref_squeeze %dma_start3A_54 : memref<1x128x64xbf16, #tpu.memory_space<vmem>> -> memref<128x64xbf16, #tpu.memory_space<vmem>>
    %dma_start3A_56 = arith.constant 0 : i32
    %dma_start3A_57 = tpu.memref_slice %arg6[%dma_start3A_49, %dma_start3A_56] : memref<79x128xi32, #tpu.memory_space<vmem>> -> memref<1x128xi32, #tpu.memory_space<vmem>>
    %dma_start3A_58 = tpu.memref_squeeze %dma_start3A_57 : memref<1x128xi32, #tpu.memory_space<vmem>> -> memref<128xi32, #tpu.memory_space<vmem>>
    %dma_start3A_59 = arith.constant 0 : i32
    %dma_start3A_60 = arith.constant 0 : i32
    %dma_start3A_61 = tpu.memref_slice %arg4[%dma_start3A_59, %dma_start3A_60] : memref<10240x64xbf16, #tpu.memory_space<hbm>> -> memref<10240x64xbf16, #tpu.memory_space<hbm>>
    %dma_start3A_62 = tpu.memref_slice %arg10[%dma_start3A_51] : memref<8x!tpu.dma_semaphore, #tpu.memory_space<semaphore_mem>> -> memref<1x!tpu.dma_semaphore, #tpu.memory_space<semaphore_mem>>
    %dma_start3A_63 = tpu.memref_squeeze %dma_start3A_62 : memref<1x!tpu.dma_semaphore, #tpu.memory_space<semaphore_mem>> -> memref<!tpu.dma_semaphore, #tpu.memory_space<semaphore_mem>>
    tpu.enqueue_indirect_dma source(%dma_start3A_61 : memref<10240x64xbf16, #tpu.memory_space<hbm>>) target(%dma_start3A_55 : memref<128x64xbf16, #tpu.memory_space<vmem>>) offsets(%dma_start3A_58 : memref<128xi32, #tpu.memory_space<vmem>>) semaphore(%dma_start3A_63 : memref<!tpu.dma_semaphore, #tpu.memory_space<semaphore_mem>>)
    %dma_start3A_64 = arith.constant 4 : i32
    %dma_start3A_65 = arith.constant 4 : i32
    %dma_start3A_66 = arith.constant 4 : i32
    %dma_start3A_67 = arith.constant 0 : i32
    %dma_start3A_68 = arith.constant 0 : i32
    %dma_start3A_69 = tpu.memref_slice %arg8[%dma_start3A_65, %dma_start3A_67, %dma_start3A_68] : memref<8x128x64xbf16, #tpu.memory_space<vmem>> -> memref<1x128x64xbf16, #tpu.memory_space<vmem>>
    %dma_start3A_70 = tpu.memref_squeeze %dma_start3A_69 : memref<1x128x64xbf16, #tpu.memory_space<vmem>> -> memref<128x64xbf16, #tpu.memory_space<vmem>>
    %dma_start3A_71 = arith.constant 0 : i32
    %dma_start3A_72 = tpu.memref_slice %arg6[%dma_start3A_64, %dma_start3A_71] : memref<79x128xi32, #tpu.memory_space<vmem>> -> memref<1x128xi32, #tpu.memory_space<vmem>>
    %dma_start3A_73 = tpu.memref_squeeze %dma_start3A_72 : memref<1x128xi32, #tpu.memory_space<vmem>> -> memref<128xi32, #tpu.memory_space<vmem>>
    %dma_start3A_74 = arith.constant 0 : i32
    %dma_start3A_75 = arith.constant 0 : i32
    %dma_start3A_76 = tpu.memref_slice %arg4[%dma_start3A_74, %dma_start3A_75] : memref<10240x64xbf16, #tpu.memory_space<hbm>> -> memref<10240x64xbf16, #tpu.memory_space<hbm>>
    %dma_start3A_77 = tpu.memref_slice %arg10[%dma_start3A_66] : memref<8x!tpu.dma_semaphore, #tpu.memory_space<semaphore_mem>> -> memref<1x!tpu.dma_semaphore, #tpu.memory_space<semaphore_mem>>
    %dma_start3A_78 = tpu.memref_squeeze %dma_start3A_77 : memref<1x!tpu.dma_semaphore, #tpu.memory_space<semaphore_mem>> -> memref<!tpu.dma_semaphore, #tpu.memory_space<semaphore_mem>>
    tpu.enqueue_indirect_dma source(%dma_start3A_76 : memref<10240x64xbf16, #tpu.memory_space<hbm>>) target(%dma_start3A_70 : memref<128x64xbf16, #tpu.memory_space<vmem>>) offsets(%dma_start3A_73 : memref<128xi32, #tpu.memory_space<vmem>>) semaphore(%dma_start3A_78 : memref<!tpu.dma_semaphore, #tpu.memory_space<semaphore_mem>>)
    %dma_start3A_79 = arith.constant 5 : i32
    %dma_start3A_80 = arith.constant 5 : i32
    %dma_start3A_81 = arith.constant 5 : i32
    %dma_start3A_82 = arith.constant 0 : i32
    %dma_start3A_83 = arith.constant 0 : i32
    %dma_start3A_84 = tpu.memref_slice %arg8[%dma_start3A_80, %dma_start3A_82, %dma_start3A_83] : memref<8x128x64xbf16, #tpu.memory_space<vmem>> -> memref<1x128x64xbf16, #tpu.memory_space<vmem>>
    %dma_start3A_85 = tpu.memref_squeeze %dma_start3A_84 : memref<1x128x64xbf16, #tpu.memory_space<vmem>> -> memref<128x64xbf16, #tpu.memory_space<vmem>>
    %dma_start3A_86 = arith.constant 0 : i32
    %dma_start3A_87 = tpu.memref_slice %arg6[%dma_start3A_79, %dma_start3A_86] : memref<79x128xi32, #tpu.memory_space<vmem>> -> memref<1x128xi32, #tpu.memory_space<vmem>>
    %dma_start3A_88 = tpu.memref_squeeze %dma_start3A_87 : memref<1x128xi32, #tpu.memory_space<vmem>> -> memref<128xi32, #tpu.memory_space<vmem>>
    %dma_start3A_89 = arith.constant 0 : i32
    %dma_start3A_90 = arith.constant 0 : i32
    %dma_start3A_91 = tpu.memref_slice %arg4[%dma_start3A_89, %dma_start3A_90] : memref<10240x64xbf16, #tpu.memory_space<hbm>> -> memref<10240x64xbf16, #tpu.memory_space<hbm>>
    %dma_start3A_92 = tpu.memref_slice %arg10[%dma_start3A_81] : memref<8x!tpu.dma_semaphore, #tpu.memory_space<semaphore_mem>> -> memref<1x!tpu.dma_semaphore, #tpu.memory_space<semaphore_mem>>
    %dma_start3A_93 = tpu.memref_squeeze %dma_start3A_92 : memref<1x!tpu.dma_semaphore, #tpu.memory_space<semaphore_mem>> -> memref<!tpu.dma_semaphore, #tpu.memory_space<semaphore_mem>>
    tpu.enqueue_indirect_dma source(%dma_start3A_91 : memref<10240x64xbf16, #tpu.memory_space<hbm>>) target(%dma_start3A_85 : memref<128x64xbf16, #tpu.memory_space<vmem>>) offsets(%dma_start3A_88 : memref<128xi32, #tpu.memory_space<vmem>>) semaphore(%dma_start3A_93 : memref<!tpu.dma_semaphore, #tpu.memory_space<semaphore_mem>>)
    %dma_start3A_94 = arith.constant 6 : i32
    %dma_start3A_95 = arith.constant 6 : i32
    %dma_start3A_96 = arith.constant 6 : i32
    %dma_start3A_97 = arith.constant 0 : i32
    %dma_start3A_98 = arith.constant 0 : i32
    %dma_start3A_99 = tpu.memref_slice %arg8[%dma_start3A_95, %dma_start3A_97, %dma_start3A_98] : memref<8x128x64xbf16, #tpu.memory_space<vmem>> -> memref<1x128x64xbf16, #tpu.memory_space<vmem>>
    %dma_start3A_100 = tpu.memref_squeeze %dma_start3A_99 : memref<1x128x64xbf16, #tpu.memory_space<vmem>> -> memref<128x64xbf16, #tpu.memory_space<vmem>>
    %dma_start3A_101 = arith.constant 0 : i32
    %dma_start3A_102 = tpu.memref_slice %arg6[%dma_start3A_94, %dma_start3A_101] : memref<79x128xi32, #tpu.memory_space<vmem>> -> memref<1x128xi32, #tpu.memory_space<vmem>>
    %dma_start3A_103 = tpu.memref_squeeze %dma_start3A_102 : memref<1x128xi32, #tpu.memory_space<vmem>> -> memref<128xi32, #tpu.memory_space<vmem>>
    %dma_start3A_104 = arith.constant 0 : i32
    %dma_start3A_105 = arith.constant 0 : i32
    %dma_start3A_106 = tpu.memref_slice %arg4[%dma_start3A_104, %dma_start3A_105] : memref<10240x64xbf16, #tpu.memory_space<hbm>> -> memref<10240x64xbf16, #tpu.memory_space<hbm>>
    %dma_start3A_107 = tpu.memref_slice %arg10[%dma_start3A_96] : memref<8x!tpu.dma_semaphore, #tpu.memory_space<semaphore_mem>> -> memref<1x!tpu.dma_semaphore, #tpu.memory_space<semaphore_mem>>
    %dma_start3A_108 = tpu.memref_squeeze %dma_start3A_107 : memref<1x!tpu.dma_semaphore, #tpu.memory_space<semaphore_mem>> -> memref<!tpu.dma_semaphore, #tpu.memory_space<semaphore_mem>>
    tpu.enqueue_indirect_dma source(%dma_start3A_106 : memref<10240x64xbf16, #tpu.memory_space<hbm>>) target(%dma_start3A_100 : memref<128x64xbf16, #tpu.memory_space<vmem>>) offsets(%dma_start3A_103 : memref<128xi32, #tpu.memory_space<vmem>>) semaphore(%dma_start3A_108 : memref<!tpu.dma_semaphore, #tpu.memory_space<semaphore_mem>>)
    %scan3A = arith.constant 0 : i32
    %scan3A_109 = arith.constant 79 : i32
    %scan3A_110 = arith.addi %scan3A, %scan3A_109 : i32
    %scan3A_111 = arith.constant 1 : i32
    scf.for %scan3A_132 = %scan3A to %scan3A_110 step %scan3A_111  : i32 {
      %rem3A = arith.constant 8 : i32
      %rem3A_133 = arith.remsi %scan3A_132, %rem3A : i32
      %add3A_134 = arith.constant 8 : i32
      %add3A_135 = arith.addi %scan3A_132, %add3A_134 : i32
      %sub3A = arith.constant 1 : i32
      %sub3A_136 = arith.subi %add3A_135, %sub3A : i32
      %rem3A_137 = arith.constant 8 : i32
      %rem3A_138 = arith.remsi %sub3A_136, %rem3A_137 : i32
      %gt3A = arith.constant 0 : i32
      %gt3A_139 = arith.cmpi sgt, %scan3A_132, %gt3A : i32
      %convert_element_type3A = arith.extui %gt3A_139 : i1 to i32
      %cond3A = arith.constant 0 : i32
      %cond3A_140 = arith.cmpi ne, %convert_element_type3A, %cond3A : i32
      scf.if %cond3A_140 {
        %sub3A_173 = arith.constant 1 : i32
        %sub3A_174 = arith.subi %scan3A_132, %sub3A_173 : i32
        %dma_wait3A_175 = arith.constant 0 : i32
        %dma_wait3A_176 = arith.constant 0 : i32
        %dma_wait3A_177 = tpu.memref_slice %arg8[%rem3A_138, %dma_wait3A_175, %dma_wait3A_176] : memref<8x128x64xbf16, #tpu.memory_space<vmem>> -> memref<1x128x64xbf16, #tpu.memory_space<vmem>>
        %dma_wait3A_178 = tpu.memref_squeeze %dma_wait3A_177 : memref<1x128x64xbf16, #tpu.memory_space<vmem>> -> memref<128x64xbf16, #tpu.memory_space<vmem>>
        %dma_wait3A_179 = arith.constant 0 : i32
        %dma_wait3A_180 = tpu.memref_slice %arg7[%sub3A_174, %dma_wait3A_179] : memref<79x128xi32, #tpu.memory_space<vmem>> -> memref<1x128xi32, #tpu.memory_space<vmem>>
        %dma_wait3A_181 = tpu.memref_squeeze %dma_wait3A_180 : memref<1x128xi32, #tpu.memory_space<vmem>> -> memref<128xi32, #tpu.memory_space<vmem>>
        %dma_wait3A_182 = arith.constant 0 : i32
        %dma_wait3A_183 = arith.constant 0 : i32
        %dma_wait3A_184 = tpu.memref_slice %arg9[%dma_wait3A_182, %dma_wait3A_183] : memref<10240x64xbf16, #tpu.memory_space<vmem_shared>> -> memref<10240x64xbf16, #tpu.memory_space<vmem_shared>>
        %dma_wait3A_185 = tpu.memref_slice %arg11[%rem3A_138] : memref<8x!tpu.dma_semaphore, #tpu.memory_space<semaphore_mem>> -> memref<1x!tpu.dma_semaphore, #tpu.memory_space<semaphore_mem>>
        %dma_wait3A_186 = tpu.memref_squeeze %dma_wait3A_185 : memref<1x!tpu.dma_semaphore, #tpu.memory_space<semaphore_mem>> -> memref<!tpu.dma_semaphore, #tpu.memory_space<semaphore_mem>>
        tpu.wait_indirect_dma semaphore(%dma_wait3A_186 : memref<!tpu.dma_semaphore, #tpu.memory_space<semaphore_mem>>) src(%dma_wait3A_178 : memref<128x64xbf16, #tpu.memory_space<vmem>>) dst(%dma_wait3A_184 : memref<10240x64xbf16, #tpu.memory_space<vmem_shared>>)
      } else {
      }
      %add3A_141 = arith.constant 8 : i32
      %add3A_142 = arith.addi %scan3A_132, %add3A_141 : i32
      %sub3A_143 = arith.constant 1 : i32
      %sub3A_144 = arith.subi %add3A_142, %sub3A_143 : i32
      %lt3A = arith.constant 79 : i32
      %lt3A_145 = arith.cmpi slt, %sub3A_144, %lt3A : i32
      %convert_element_type3A_146 = arith.extui %lt3A_145 : i1 to i32
      %cond3A_147 = arith.constant 0 : i32
      %cond3A_148 = arith.cmpi ne, %convert_element_type3A_146, %cond3A_147 : i32
      scf.if %cond3A_148 {
        %add3A_173 = arith.constant 8 : i32
        %add3A_174 = arith.addi %scan3A_132, %add3A_173 : i32
        %sub3A_175 = arith.constant 1 : i32
        %sub3A_176 = arith.subi %add3A_174, %sub3A_175 : i32
        %dma_start3A_177 = arith.constant 0 : i32
        %dma_start3A_178 = arith.constant 0 : i32
        %dma_start3A_179 = tpu.memref_slice %arg8[%rem3A_138, %dma_start3A_177, %dma_start3A_178] : memref<8x128x64xbf16, #tpu.memory_space<vmem>> -> memref<1x128x64xbf16, #tpu.memory_space<vmem>>
        %dma_start3A_180 = tpu.memref_squeeze %dma_start3A_179 : memref<1x128x64xbf16, #tpu.memory_space<vmem>> -> memref<128x64xbf16, #tpu.memory_space<vmem>>
        %dma_start3A_181 = arith.constant 0 : i32
        %dma_start3A_182 = tpu.memref_slice %arg6[%sub3A_176, %dma_start3A_181] : memref<79x128xi32, #tpu.memory_space<vmem>> -> memref<1x128xi32, #tpu.memory_space<vmem>>
        %dma_start3A_183 = tpu.memref_squeeze %dma_start3A_182 : memref<1x128xi32, #tpu.memory_space<vmem>> -> memref<128xi32, #tpu.memory_space<vmem>>
        %dma_start3A_184 = arith.constant 0 : i32
        %dma_start3A_185 = arith.constant 0 : i32
        %dma_start3A_186 = tpu.memref_slice %arg4[%dma_start3A_184, %dma_start3A_185] : memref<10240x64xbf16, #tpu.memory_space<hbm>> -> memref<10240x64xbf16, #tpu.memory_space<hbm>>
        %dma_start3A_187 = tpu.memref_slice %arg10[%rem3A_138] : memref<8x!tpu.dma_semaphore, #tpu.memory_space<semaphore_mem>> -> memref<1x!tpu.dma_semaphore, #tpu.memory_space<semaphore_mem>>
        %dma_start3A_188 = tpu.memref_squeeze %dma_start3A_187 : memref<1x!tpu.dma_semaphore, #tpu.memory_space<semaphore_mem>> -> memref<!tpu.dma_semaphore, #tpu.memory_space<semaphore_mem>>
        tpu.enqueue_indirect_dma source(%dma_start3A_186 : memref<10240x64xbf16, #tpu.memory_space<hbm>>) target(%dma_start3A_180 : memref<128x64xbf16, #tpu.memory_space<vmem>>) offsets(%dma_start3A_183 : memref<128xi32, #tpu.memory_space<vmem>>) semaphore(%dma_start3A_188 : memref<!tpu.dma_semaphore, #tpu.memory_space<semaphore_mem>>)
      } else {
      }
      %dma_wait3A_149 = arith.constant 0 : i32
      %dma_wait3A_150 = arith.constant 0 : i32
      %dma_wait3A_151 = tpu.memref_slice %arg8[%rem3A_133, %dma_wait3A_149, %dma_wait3A_150] : memref<8x128x64xbf16, #tpu.memory_space<vmem>> -> memref<1x128x64xbf16, #tpu.memory_space<vmem>>
      %dma_wait3A_152 = tpu.memref_squeeze %dma_wait3A_151 : memref<1x128x64xbf16, #tpu.memory_space<vmem>> -> memref<128x64xbf16, #tpu.memory_space<vmem>>
      %dma_wait3A_153 = arith.constant 0 : i32
      %dma_wait3A_154 = tpu.memref_slice %arg6[%scan3A_132, %dma_wait3A_153] : memref<79x128xi32, #tpu.memory_space<vmem>> -> memref<1x128xi32, #tpu.memory_space<vmem>>
      %dma_wait3A_155 = tpu.memref_squeeze %dma_wait3A_154 : memref<1x128xi32, #tpu.memory_space<vmem>> -> memref<128xi32, #tpu.memory_space<vmem>>
      %dma_wait3A_156 = arith.constant 0 : i32
      %dma_wait3A_157 = arith.constant 0 : i32
      %dma_wait3A_158 = tpu.memref_slice %arg4[%dma_wait3A_156, %dma_wait3A_157] : memref<10240x64xbf16, #tpu.memory_space<hbm>> -> memref<10240x64xbf16, #tpu.memory_space<hbm>>
      %dma_wait3A_159 = tpu.memref_slice %arg10[%rem3A_133] : memref<8x!tpu.dma_semaphore, #tpu.memory_space<semaphore_mem>> -> memref<1x!tpu.dma_semaphore, #tpu.memory_space<semaphore_mem>>
      %dma_wait3A_160 = tpu.memref_squeeze %dma_wait3A_159 : memref<1x!tpu.dma_semaphore, #tpu.memory_space<semaphore_mem>> -> memref<!tpu.dma_semaphore, #tpu.memory_space<semaphore_mem>>
      tpu.wait_indirect_dma semaphore(%dma_wait3A_160 : memref<!tpu.dma_semaphore, #tpu.memory_space<semaphore_mem>>) src(%dma_wait3A_158 : memref<10240x64xbf16, #tpu.memory_space<hbm>>) dst(%dma_wait3A_152 : memref<128x64xbf16, #tpu.memory_space<vmem>>)
      %dma_start3A_161 = arith.constant 0 : i32
      %dma_start3A_162 = arith.constant 0 : i32
      %dma_start3A_163 = tpu.memref_slice %arg8[%rem3A_133, %dma_start3A_161, %dma_start3A_162] : memref<8x128x64xbf16, #tpu.memory_space<vmem>> -> memref<1x128x64xbf16, #tpu.memory_space<vmem>>
      %dma_start3A_164 = tpu.memref_squeeze %dma_start3A_163 : memref<1x128x64xbf16, #tpu.memory_space<vmem>> -> memref<128x64xbf16, #tpu.memory_space<vmem>>
      %dma_start3A_165 = arith.constant 0 : i32
      %dma_start3A_166 = tpu.memref_slice %arg7[%scan3A_132, %dma_start3A_165] : memref<79x128xi32, #tpu.memory_space<vmem>> -> memref<1x128xi32, #tpu.memory_space<vmem>>
      %dma_start3A_167 = tpu.memref_squeeze %dma_start3A_166 : memref<1x128xi32, #tpu.memory_space<vmem>> -> memref<128xi32, #tpu.memory_space<vmem>>
      %dma_start3A_168 = arith.constant 0 : i32
      %dma_start3A_169 = arith.constant 0 : i32
      %dma_start3A_170 = tpu.memref_slice %arg9[%dma_start3A_168, %dma_start3A_169] : memref<10240x64xbf16, #tpu.memory_space<vmem_shared>> -> memref<10240x64xbf16, #tpu.memory_space<vmem_shared>>
      %dma_start3A_171 = tpu.memref_slice %arg11[%rem3A_133] : memref<8x!tpu.dma_semaphore, #tpu.memory_space<semaphore_mem>> -> memref<1x!tpu.dma_semaphore, #tpu.memory_space<semaphore_mem>>
      %dma_start3A_172 = tpu.memref_squeeze %dma_start3A_171 : memref<1x!tpu.dma_semaphore, #tpu.memory_space<semaphore_mem>> -> memref<!tpu.dma_semaphore, #tpu.memory_space<semaphore_mem>>
      tpu.enqueue_indirect_dma source(%dma_start3A_164 : memref<128x64xbf16, #tpu.memory_space<vmem>>) target(%dma_start3A_170 : memref<10240x64xbf16, #tpu.memory_space<vmem_shared>>) offsets(%dma_start3A_167 : memref<128xi32, #tpu.memory_space<vmem>>) semaphore(%dma_start3A_172 : memref<!tpu.dma_semaphore, #tpu.memory_space<semaphore_mem>>) {add = true}
    }
    %scan3A_112 = arith.constant 79 : i32
    %dma_wait3A = arith.constant 6 : i32
    %dma_wait3A_113 = arith.constant 78 : i32
    %dma_wait3A_114 = arith.constant 6 : i32
    %dma_wait3A_115 = arith.constant 0 : i32
    %dma_wait3A_116 = arith.constant 0 : i32
    %dma_wait3A_117 = tpu.memref_slice %arg8[%dma_wait3A, %dma_wait3A_115, %dma_wait3A_116] : memref<8x128x64xbf16, #tpu.memory_space<vmem>> -> memref<1x128x64xbf16, #tpu.memory_space<vmem>>
    %dma_wait3A_118 = tpu.memref_squeeze %dma_wait3A_117 : memref<1x128x64xbf16, #tpu.memory_space<vmem>> -> memref<128x64xbf16, #tpu.memory_space<vmem>>
    %dma_wait3A_119 = arith.constant 0 : i32
    %dma_wait3A_120 = tpu.memref_slice %arg7[%dma_wait3A_113, %dma_wait3A_119] : memref<79x128xi32, #tpu.memory_space<vmem>> -> memref<1x128xi32, #tpu.memory_space<vmem>>
    %dma_wait3A_121 = tpu.memref_squeeze %dma_wait3A_120 : memref<1x128xi32, #tpu.memory_space<vmem>> -> memref<128xi32, #tpu.memory_space<vmem>>
    %dma_wait3A_122 = arith.constant 0 : i32
    %dma_wait3A_123 = arith.constant 0 : i32
    %dma_wait3A_124 = tpu.memref_slice %arg9[%dma_wait3A_122, %dma_wait3A_123] : memref<10240x64xbf16, #tpu.memory_space<vmem_shared>> -> memref<10240x64xbf16, #tpu.memory_space<vmem_shared>>
    %dma_wait3A_125 = tpu.memref_slice %arg11[%dma_wait3A_114] : memref<8x!tpu.dma_semaphore, #tpu.memory_space<semaphore_mem>> -> memref<1x!tpu.dma_semaphore, #tpu.memory_space<semaphore_mem>>
    %dma_wait3A_126 = tpu.memref_squeeze %dma_wait3A_125 : memref<1x!tpu.dma_semaphore, #tpu.memory_space<semaphore_mem>> -> memref<!tpu.dma_semaphore, #tpu.memory_space<semaphore_mem>>
    tpu.wait_indirect_dma semaphore(%dma_wait3A_126 : memref<!tpu.dma_semaphore, #tpu.memory_space<semaphore_mem>>) src(%dma_wait3A_118 : memref<128x64xbf16, #tpu.memory_space<vmem>>) dst(%dma_wait3A_124 : memref<10240x64xbf16, #tpu.memory_space<vmem_shared>>)
    %barrier3A_127 = arith.constant 0 : index
    tpu.barrier barrier_id(%barrier3A_127)
    %mul3A_128 = arith.constant 640 : i32
    %mul3A_129 = arith.muli %arg1, %mul3A_128 : i32
    %mul3A_130 = arith.constant 640 : i32
    %mul3A_131 = arith.muli %arg1, %mul3A_130 : i32
    "tpu.region"() ({
      %run_scoped3A = tpu.sem_alloc : memref<!tpu.dma_semaphore, #tpu.memory_space<semaphore_mem>>
      %dma_start3A_132 = arith.constant 0 : i32
      %dma_start3A_133 = tpu.memref_slice %arg5[%arg0, %mul3A_131, %dma_start3A_132] : memref<2x10240x64xbf16, #tpu.memory_space<hbm>> -> memref<1x640x64xbf16, #tpu.memory_space<hbm>>
      %dma_start3A_134 = tpu.memref_squeeze %dma_start3A_133 : memref<1x640x64xbf16, #tpu.memory_space<hbm>> -> memref<640x64xbf16, #tpu.memory_space<hbm>>
      %dma_start3A_135 = arith.constant 0 : i32
      %dma_start3A_136 = tpu.memref_slice %arg9[%mul3A_129, %dma_start3A_135] : memref<10240x64xbf16, #tpu.memory_space<vmem_shared>> -> memref<640x64xbf16, #tpu.memory_space<vmem_shared>>
      tpu.enqueue_dma source(%dma_start3A_136 : memref<640x64xbf16, #tpu.memory_space<vmem_shared>>) target(%dma_start3A_134 : memref<640x64xbf16, #tpu.memory_space<hbm>>) target_semaphore(%run_scoped3A : memref<!tpu.dma_semaphore, #tpu.memory_space<semaphore_mem>>)
      %dma_wait3A_137 = arith.constant 0 : i32
      %dma_wait3A_138 = tpu.memref_slice %arg5[%arg0, %mul3A_131, %dma_wait3A_137] : memref<2x10240x64xbf16, #tpu.memory_space<hbm>> -> memref<1x640x64xbf16, #tpu.memory_space<hbm>>
      %dma_wait3A_139 = tpu.memref_squeeze %dma_wait3A_138 : memref<1x640x64xbf16, #tpu.memory_space<hbm>> -> memref<640x64xbf16, #tpu.memory_space<hbm>>
      %dma_wait3A_140 = arith.constant 0 : i32
      %dma_wait3A_141 = tpu.memref_slice %arg9[%mul3A_129, %dma_wait3A_140] : memref<10240x64xbf16, #tpu.memory_space<vmem_shared>> -> memref<640x64xbf16, #tpu.memory_space<vmem_shared>>
      tpu.wait_dma2 semaphore(%run_scoped3A : memref<!tpu.dma_semaphore, #tpu.memory_space<semaphore_mem>>) src(%dma_wait3A_141 : memref<640x64xbf16, #tpu.memory_space<vmem_shared>>) dst(%dma_wait3A_139 : memref<640x64xbf16, #tpu.memory_space<hbm>>)
      tpu.yield
    }) : () -> ()
    return
  }
}

#map = affine_map<(d0, d1) -> (0, 0, 0)>
#map1 = affine_map<(d0, d1) -> (0, 0)>
module attributes {stable_mosaic.version = 14 : i64} {
  func.func @_agg_body(%arg0: i32, %arg1: i32, %arg2: memref<32x79x128xi32, #tpu.memory_space<hbm>>, %arg3: memref<32x79x128xi32, #tpu.memory_space<hbm>>, %arg4: memref<10240x64xbf16, #tpu.memory_space<hbm>>, %arg5: memref<2x10240x64xbf16, #tpu.memory_space<hbm>>, %arg6: memref<79x128xi32, #tpu.memory_space<vmem>>, %arg7: memref<79x128xi32, #tpu.memory_space<vmem>>, %arg8: memref<8x128x64xbf16, #tpu.memory_space<vmem>>, %arg9: memref<10240x64xbf16, #tpu.memory_space<vmem_shared>>, %arg10: memref<8x!tpu.dma_semaphore, #tpu.memory_space<semaphore_mem>>, %arg11: memref<8x!tpu.dma_semaphore, #tpu.memory_space<semaphore_mem>>) attributes {dimension_semantics = [#tpu.dimension_semantics<core_parallel>, #tpu.dimension_semantics<subcore_parallel>], iteration_bounds = array<i64: 2, 16>, scalar_prefetch = 0 : i64, scratch_operands = 6 : i64, tpu.core_type = #tpu.core_type<sc_vector_subcore>, window_params = [{transform_indices = #map}, {transform_indices = #map}, {transform_indices = #map1}, {transform_indices = #map}]} {
    %mul3A = arith.constant 16 : i32
    %mul3A_0 = arith.muli %arg0, %mul3A : i32
    %add3A = arith.addi %mul3A_0, %arg1 : i32
    %mul3A_1 = arith.constant 640 : i32
    %mul3A_2 = arith.muli %arg1, %mul3A_1 : i32
    %mul3A_3 = arith.constant 640 : i32
    %mul3A_4 = arith.muli %arg1, %mul3A_3 : i32
    "tpu.region"() ({
      %run_scoped3A = tpu.sem_alloc : memref<!tpu.dma_semaphore, #tpu.memory_space<semaphore_mem>>
      %dma_start3A_132 = arith.constant 0 : i32
      %dma_start3A_133 = tpu.memref_slice %arg9[%mul3A_4, %dma_start3A_132] : memref<10240x64xbf16, #tpu.memory_space<vmem_shared>> -> memref<640x64xbf16, #tpu.memory_space<vmem_shared>>
      %dma_start3A_134 = arith.constant 0 : i32
      %dma_start3A_135 = tpu.memref_slice %arg4[%mul3A_2, %dma_start3A_134] : memref<10240x64xbf16, #tpu.memory_space<hbm>> -> memref<640x64xbf16, #tpu.memory_space<hbm>>
      tpu.enqueue_dma source(%dma_start3A_135 : memref<640x64xbf16, #tpu.memory_space<hbm>>) target(%dma_start3A_133 : memref<640x64xbf16, #tpu.memory_space<vmem_shared>>) target_semaphore(%run_scoped3A : memref<!tpu.dma_semaphore, #tpu.memory_space<semaphore_mem>>)
      %dma_wait3A_136 = arith.constant 0 : i32
      %dma_wait3A_137 = tpu.memref_slice %arg9[%mul3A_4, %dma_wait3A_136] : memref<10240x64xbf16, #tpu.memory_space<vmem_shared>> -> memref<640x64xbf16, #tpu.memory_space<vmem_shared>>
      %dma_wait3A_138 = arith.constant 0 : i32
      %dma_wait3A_139 = tpu.memref_slice %arg4[%mul3A_2, %dma_wait3A_138] : memref<10240x64xbf16, #tpu.memory_space<hbm>> -> memref<640x64xbf16, #tpu.memory_space<hbm>>
      tpu.wait_dma2 semaphore(%run_scoped3A : memref<!tpu.dma_semaphore, #tpu.memory_space<semaphore_mem>>) src(%dma_wait3A_139 : memref<640x64xbf16, #tpu.memory_space<hbm>>) dst(%dma_wait3A_137 : memref<640x64xbf16, #tpu.memory_space<vmem_shared>>)
      tpu.yield
    }) : () -> ()
    %barrier3A = arith.constant 0 : index
    tpu.barrier barrier_id(%barrier3A)
    "tpu.region"() ({
      %run_scoped3A = tpu.sem_alloc : memref<!tpu.dma_semaphore, #tpu.memory_space<semaphore_mem>>
      %dma_start3A_132 = arith.constant 0 : i32
      %dma_start3A_133 = arith.constant 0 : i32
      %dma_start3A_134 = tpu.memref_slice %arg2[%add3A, %dma_start3A_132, %dma_start3A_133] : memref<32x79x128xi32, #tpu.memory_space<hbm>> -> memref<1x79x128xi32, #tpu.memory_space<hbm>>
      %dma_start3A_135 = tpu.memref_squeeze %dma_start3A_134 : memref<1x79x128xi32, #tpu.memory_space<hbm>> -> memref<79x128xi32, #tpu.memory_space<hbm>>
      %dma_start3A_136 = arith.constant 0 : i32
      %dma_start3A_137 = arith.constant 0 : i32
      %dma_start3A_138 = tpu.memref_slice %arg2[%add3A, %dma_start3A_136, %dma_start3A_137] : memref<32x79x128xi32, #tpu.memory_space<hbm>> -> memref<1x79x128xi32, #tpu.memory_space<hbm>>
      %dma_start3A_139 = tpu.memref_squeeze %dma_start3A_138 : memref<1x79x128xi32, #tpu.memory_space<hbm>> -> memref<79x128xi32, #tpu.memory_space<hbm>>
      tpu.enqueue_dma source(%dma_start3A_139 : memref<79x128xi32, #tpu.memory_space<hbm>>) target(%arg6 : memref<79x128xi32, #tpu.memory_space<vmem>>) target_semaphore(%run_scoped3A : memref<!tpu.dma_semaphore, #tpu.memory_space<semaphore_mem>>)
      %dma_wait3A_140 = arith.constant 0 : i32
      %dma_wait3A_141 = arith.constant 0 : i32
      %dma_wait3A_142 = tpu.memref_slice %arg2[%add3A, %dma_wait3A_140, %dma_wait3A_141] : memref<32x79x128xi32, #tpu.memory_space<hbm>> -> memref<1x79x128xi32, #tpu.memory_space<hbm>>
      %dma_wait3A_143 = tpu.memref_squeeze %dma_wait3A_142 : memref<1x79x128xi32, #tpu.memory_space<hbm>> -> memref<79x128xi32, #tpu.memory_space<hbm>>
      %dma_wait3A_144 = arith.constant 0 : i32
      %dma_wait3A_145 = arith.constant 0 : i32
      %dma_wait3A_146 = tpu.memref_slice %arg2[%add3A, %dma_wait3A_144, %dma_wait3A_145] : memref<32x79x128xi32, #tpu.memory_space<hbm>> -> memref<1x79x128xi32, #tpu.memory_space<hbm>>
      %dma_wait3A_147 = tpu.memref_squeeze %dma_wait3A_146 : memref<1x79x128xi32, #tpu.memory_space<hbm>> -> memref<79x128xi32, #tpu.memory_space<hbm>>
      tpu.wait_dma2 semaphore(%run_scoped3A : memref<!tpu.dma_semaphore, #tpu.memory_space<semaphore_mem>>) src(%dma_wait3A_147 : memref<79x128xi32, #tpu.memory_space<hbm>>) dst(%arg6 : memref<79x128xi32, #tpu.memory_space<vmem>>)
      tpu.yield
    }) : () -> ()
    "tpu.region"() ({
      %run_scoped3A = tpu.sem_alloc : memref<!tpu.dma_semaphore, #tpu.memory_space<semaphore_mem>>
      %dma_start3A_132 = arith.constant 0 : i32
      %dma_start3A_133 = arith.constant 0 : i32
      %dma_start3A_134 = tpu.memref_slice %arg3[%add3A, %dma_start3A_132, %dma_start3A_133] : memref<32x79x128xi32, #tpu.memory_space<hbm>> -> memref<1x79x128xi32, #tpu.memory_space<hbm>>
      %dma_start3A_135 = tpu.memref_squeeze %dma_start3A_134 : memref<1x79x128xi32, #tpu.memory_space<hbm>> -> memref<79x128xi32, #tpu.memory_space<hbm>>
      %dma_start3A_136 = arith.constant 0 : i32
      %dma_start3A_137 = arith.constant 0 : i32
      %dma_start3A_138 = tpu.memref_slice %arg3[%add3A, %dma_start3A_136, %dma_start3A_137] : memref<32x79x128xi32, #tpu.memory_space<hbm>> -> memref<1x79x128xi32, #tpu.memory_space<hbm>>
      %dma_start3A_139 = tpu.memref_squeeze %dma_start3A_138 : memref<1x79x128xi32, #tpu.memory_space<hbm>> -> memref<79x128xi32, #tpu.memory_space<hbm>>
      tpu.enqueue_dma source(%dma_start3A_139 : memref<79x128xi32, #tpu.memory_space<hbm>>) target(%arg7 : memref<79x128xi32, #tpu.memory_space<vmem>>) target_semaphore(%run_scoped3A : memref<!tpu.dma_semaphore, #tpu.memory_space<semaphore_mem>>)
      %dma_wait3A_140 = arith.constant 0 : i32
      %dma_wait3A_141 = arith.constant 0 : i32
      %dma_wait3A_142 = tpu.memref_slice %arg3[%add3A, %dma_wait3A_140, %dma_wait3A_141] : memref<32x79x128xi32, #tpu.memory_space<hbm>> -> memref<1x79x128xi32, #tpu.memory_space<hbm>>
      %dma_wait3A_143 = tpu.memref_squeeze %dma_wait3A_142 : memref<1x79x128xi32, #tpu.memory_space<hbm>> -> memref<79x128xi32, #tpu.memory_space<hbm>>
      %dma_wait3A_144 = arith.constant 0 : i32
      %dma_wait3A_145 = arith.constant 0 : i32
      %dma_wait3A_146 = tpu.memref_slice %arg3[%add3A, %dma_wait3A_144, %dma_wait3A_145] : memref<32x79x128xi32, #tpu.memory_space<hbm>> -> memref<1x79x128xi32, #tpu.memory_space<hbm>>
      %dma_wait3A_147 = tpu.memref_squeeze %dma_wait3A_146 : memref<1x79x128xi32, #tpu.memory_space<hbm>> -> memref<79x128xi32, #tpu.memory_space<hbm>>
      tpu.wait_dma2 semaphore(%run_scoped3A : memref<!tpu.dma_semaphore, #tpu.memory_space<semaphore_mem>>) src(%dma_wait3A_147 : memref<79x128xi32, #tpu.memory_space<hbm>>) dst(%arg7 : memref<79x128xi32, #tpu.memory_space<vmem>>)
      tpu.yield
    }) : () -> ()
    %dma_start3A = arith.constant 0 : i32
    %dma_start3A_5 = arith.constant 0 : i32
    %dma_start3A_6 = arith.constant 0 : i32
    %dma_start3A_7 = arith.constant 0 : i32
    %dma_start3A_8 = arith.constant 0 : i32
    %dma_start3A_9 = tpu.memref_slice %arg8[%dma_start3A_5, %dma_start3A_7, %dma_start3A_8] : memref<8x128x64xbf16, #tpu.memory_space<vmem>> -> memref<1x128x64xbf16, #tpu.memory_space<vmem>>
    %dma_start3A_10 = tpu.memref_squeeze %dma_start3A_9 : memref<1x128x64xbf16, #tpu.memory_space<vmem>> -> memref<128x64xbf16, #tpu.memory_space<vmem>>
    %dma_start3A_11 = arith.constant 0 : i32
    %dma_start3A_12 = tpu.memref_slice %arg6[%dma_start3A, %dma_start3A_11] : memref<79x128xi32, #tpu.memory_space<vmem>> -> memref<1x128xi32, #tpu.memory_space<vmem>>
    %dma_start3A_13 = tpu.memref_squeeze %dma_start3A_12 : memref<1x128xi32, #tpu.memory_space<vmem>> -> memref<128xi32, #tpu.memory_space<vmem>>
    %dma_start3A_14 = arith.constant 0 : i32
    %dma_start3A_15 = arith.constant 0 : i32
    %dma_start3A_16 = tpu.memref_slice %arg4[%dma_start3A_14, %dma_start3A_15] : memref<10240x64xbf16, #tpu.memory_space<hbm>> -> memref<10240x64xbf16, #tpu.memory_space<hbm>>
    %dma_start3A_17 = tpu.memref_slice %arg10[%dma_start3A_6] : memref<8x!tpu.dma_semaphore, #tpu.memory_space<semaphore_mem>> -> memref<1x!tpu.dma_semaphore, #tpu.memory_space<semaphore_mem>>
    %dma_start3A_18 = tpu.memref_squeeze %dma_start3A_17 : memref<1x!tpu.dma_semaphore, #tpu.memory_space<semaphore_mem>> -> memref<!tpu.dma_semaphore, #tpu.memory_space<semaphore_mem>>
    tpu.enqueue_indirect_dma source(%dma_start3A_16 : memref<10240x64xbf16, #tpu.memory_space<hbm>>) target(%dma_start3A_10 : memref<128x64xbf16, #tpu.memory_space<vmem>>) offsets(%dma_start3A_13 : memref<128xi32, #tpu.memory_space<vmem>>) semaphore(%dma_start3A_18 : memref<!tpu.dma_semaphore, #tpu.memory_space<semaphore_mem>>)
    %dma_start3A_19 = arith.constant 1 : i32
    %dma_start3A_20 = arith.constant 1 : i32
    %dma_start3A_21 = arith.constant 1 : i32
    %dma_start3A_22 = arith.constant 0 : i32
    %dma_start3A_23 = arith.constant 0 : i32
    %dma_start3A_24 = tpu.memref_slice %arg8[%dma_start3A_20, %dma_start3A_22, %dma_start3A_23] : memref<8x128x64xbf16, #tpu.memory_space<vmem>> -> memref<1x128x64xbf16, #tpu.memory_space<vmem>>
    %dma_start3A_25 = tpu.memref_squeeze %dma_start3A_24 : memref<1x128x64xbf16, #tpu.memory_space<vmem>> -> memref<128x64xbf16, #tpu.memory_space<vmem>>
    %dma_start3A_26 = arith.constant 0 : i32
    %dma_start3A_27 = tpu.memref_slice %arg6[%dma_start3A_19, %dma_start3A_26] : memref<79x128xi32, #tpu.memory_space<vmem>> -> memref<1x128xi32, #tpu.memory_space<vmem>>
    %dma_start3A_28 = tpu.memref_squeeze %dma_start3A_27 : memref<1x128xi32, #tpu.memory_space<vmem>> -> memref<128xi32, #tpu.memory_space<vmem>>
    %dma_start3A_29 = arith.constant 0 : i32
    %dma_start3A_30 = arith.constant 0 : i32
    %dma_start3A_31 = tpu.memref_slice %arg4[%dma_start3A_29, %dma_start3A_30] : memref<10240x64xbf16, #tpu.memory_space<hbm>> -> memref<10240x64xbf16, #tpu.memory_space<hbm>>
    %dma_start3A_32 = tpu.memref_slice %arg10[%dma_start3A_21] : memref<8x!tpu.dma_semaphore, #tpu.memory_space<semaphore_mem>> -> memref<1x!tpu.dma_semaphore, #tpu.memory_space<semaphore_mem>>
    %dma_start3A_33 = tpu.memref_squeeze %dma_start3A_32 : memref<1x!tpu.dma_semaphore, #tpu.memory_space<semaphore_mem>> -> memref<!tpu.dma_semaphore, #tpu.memory_space<semaphore_mem>>
    tpu.enqueue_indirect_dma source(%dma_start3A_31 : memref<10240x64xbf16, #tpu.memory_space<hbm>>) target(%dma_start3A_25 : memref<128x64xbf16, #tpu.memory_space<vmem>>) offsets(%dma_start3A_28 : memref<128xi32, #tpu.memory_space<vmem>>) semaphore(%dma_start3A_33 : memref<!tpu.dma_semaphore, #tpu.memory_space<semaphore_mem>>)
    %dma_start3A_34 = arith.constant 2 : i32
    %dma_start3A_35 = arith.constant 2 : i32
    %dma_start3A_36 = arith.constant 2 : i32
    %dma_start3A_37 = arith.constant 0 : i32
    %dma_start3A_38 = arith.constant 0 : i32
    %dma_start3A_39 = tpu.memref_slice %arg8[%dma_start3A_35, %dma_start3A_37, %dma_start3A_38] : memref<8x128x64xbf16, #tpu.memory_space<vmem>> -> memref<1x128x64xbf16, #tpu.memory_space<vmem>>
    %dma_start3A_40 = tpu.memref_squeeze %dma_start3A_39 : memref<1x128x64xbf16, #tpu.memory_space<vmem>> -> memref<128x64xbf16, #tpu.memory_space<vmem>>
    %dma_start3A_41 = arith.constant 0 : i32
    %dma_start3A_42 = tpu.memref_slice %arg6[%dma_start3A_34, %dma_start3A_41] : memref<79x128xi32, #tpu.memory_space<vmem>> -> memref<1x128xi32, #tpu.memory_space<vmem>>
    %dma_start3A_43 = tpu.memref_squeeze %dma_start3A_42 : memref<1x128xi32, #tpu.memory_space<vmem>> -> memref<128xi32, #tpu.memory_space<vmem>>
    %dma_start3A_44 = arith.constant 0 : i32
    %dma_start3A_45 = arith.constant 0 : i32
    %dma_start3A_46 = tpu.memref_slice %arg4[%dma_start3A_44, %dma_start3A_45] : memref<10240x64xbf16, #tpu.memory_space<hbm>> -> memref<10240x64xbf16, #tpu.memory_space<hbm>>
    %dma_start3A_47 = tpu.memref_slice %arg10[%dma_start3A_36] : memref<8x!tpu.dma_semaphore, #tpu.memory_space<semaphore_mem>> -> memref<1x!tpu.dma_semaphore, #tpu.memory_space<semaphore_mem>>
    %dma_start3A_48 = tpu.memref_squeeze %dma_start3A_47 : memref<1x!tpu.dma_semaphore, #tpu.memory_space<semaphore_mem>> -> memref<!tpu.dma_semaphore, #tpu.memory_space<semaphore_mem>>
    tpu.enqueue_indirect_dma source(%dma_start3A_46 : memref<10240x64xbf16, #tpu.memory_space<hbm>>) target(%dma_start3A_40 : memref<128x64xbf16, #tpu.memory_space<vmem>>) offsets(%dma_start3A_43 : memref<128xi32, #tpu.memory_space<vmem>>) semaphore(%dma_start3A_48 : memref<!tpu.dma_semaphore, #tpu.memory_space<semaphore_mem>>)
    %dma_start3A_49 = arith.constant 3 : i32
    %dma_start3A_50 = arith.constant 3 : i32
    %dma_start3A_51 = arith.constant 3 : i32
    %dma_start3A_52 = arith.constant 0 : i32
    %dma_start3A_53 = arith.constant 0 : i32
    %dma_start3A_54 = tpu.memref_slice %arg8[%dma_start3A_50, %dma_start3A_52, %dma_start3A_53] : memref<8x128x64xbf16, #tpu.memory_space<vmem>> -> memref<1x128x64xbf16, #tpu.memory_space<vmem>>
    %dma_start3A_55 = tpu.memref_squeeze %dma_start3A_54 : memref<1x128x64xbf16, #tpu.memory_space<vmem>> -> memref<128x64xbf16, #tpu.memory_space<vmem>>
    %dma_start3A_56 = arith.constant 0 : i32
    %dma_start3A_57 = tpu.memref_slice %arg6[%dma_start3A_49, %dma_start3A_56] : memref<79x128xi32, #tpu.memory_space<vmem>> -> memref<1x128xi32, #tpu.memory_space<vmem>>
    %dma_start3A_58 = tpu.memref_squeeze %dma_start3A_57 : memref<1x128xi32, #tpu.memory_space<vmem>> -> memref<128xi32, #tpu.memory_space<vmem>>
    %dma_start3A_59 = arith.constant 0 : i32
    %dma_start3A_60 = arith.constant 0 : i32
    %dma_start3A_61 = tpu.memref_slice %arg4[%dma_start3A_59, %dma_start3A_60] : memref<10240x64xbf16, #tpu.memory_space<hbm>> -> memref<10240x64xbf16, #tpu.memory_space<hbm>>
    %dma_start3A_62 = tpu.memref_slice %arg10[%dma_start3A_51] : memref<8x!tpu.dma_semaphore, #tpu.memory_space<semaphore_mem>> -> memref<1x!tpu.dma_semaphore, #tpu.memory_space<semaphore_mem>>
    %dma_start3A_63 = tpu.memref_squeeze %dma_start3A_62 : memref<1x!tpu.dma_semaphore, #tpu.memory_space<semaphore_mem>> -> memref<!tpu.dma_semaphore, #tpu.memory_space<semaphore_mem>>
    tpu.enqueue_indirect_dma source(%dma_start3A_61 : memref<10240x64xbf16, #tpu.memory_space<hbm>>) target(%dma_start3A_55 : memref<128x64xbf16, #tpu.memory_space<vmem>>) offsets(%dma_start3A_58 : memref<128xi32, #tpu.memory_space<vmem>>) semaphore(%dma_start3A_63 : memref<!tpu.dma_semaphore, #tpu.memory_space<semaphore_mem>>)
    %dma_start3A_64 = arith.constant 4 : i32
    %dma_start3A_65 = arith.constant 4 : i32
    %dma_start3A_66 = arith.constant 4 : i32
    %dma_start3A_67 = arith.constant 0 : i32
    %dma_start3A_68 = arith.constant 0 : i32
    %dma_start3A_69 = tpu.memref_slice %arg8[%dma_start3A_65, %dma_start3A_67, %dma_start3A_68] : memref<8x128x64xbf16, #tpu.memory_space<vmem>> -> memref<1x128x64xbf16, #tpu.memory_space<vmem>>
    %dma_start3A_70 = tpu.memref_squeeze %dma_start3A_69 : memref<1x128x64xbf16, #tpu.memory_space<vmem>> -> memref<128x64xbf16, #tpu.memory_space<vmem>>
    %dma_start3A_71 = arith.constant 0 : i32
    %dma_start3A_72 = tpu.memref_slice %arg6[%dma_start3A_64, %dma_start3A_71] : memref<79x128xi32, #tpu.memory_space<vmem>> -> memref<1x128xi32, #tpu.memory_space<vmem>>
    %dma_start3A_73 = tpu.memref_squeeze %dma_start3A_72 : memref<1x128xi32, #tpu.memory_space<vmem>> -> memref<128xi32, #tpu.memory_space<vmem>>
    %dma_start3A_74 = arith.constant 0 : i32
    %dma_start3A_75 = arith.constant 0 : i32
    %dma_start3A_76 = tpu.memref_slice %arg4[%dma_start3A_74, %dma_start3A_75] : memref<10240x64xbf16, #tpu.memory_space<hbm>> -> memref<10240x64xbf16, #tpu.memory_space<hbm>>
    %dma_start3A_77 = tpu.memref_slice %arg10[%dma_start3A_66] : memref<8x!tpu.dma_semaphore, #tpu.memory_space<semaphore_mem>> -> memref<1x!tpu.dma_semaphore, #tpu.memory_space<semaphore_mem>>
    %dma_start3A_78 = tpu.memref_squeeze %dma_start3A_77 : memref<1x!tpu.dma_semaphore, #tpu.memory_space<semaphore_mem>> -> memref<!tpu.dma_semaphore, #tpu.memory_space<semaphore_mem>>
    tpu.enqueue_indirect_dma source(%dma_start3A_76 : memref<10240x64xbf16, #tpu.memory_space<hbm>>) target(%dma_start3A_70 : memref<128x64xbf16, #tpu.memory_space<vmem>>) offsets(%dma_start3A_73 : memref<128xi32, #tpu.memory_space<vmem>>) semaphore(%dma_start3A_78 : memref<!tpu.dma_semaphore, #tpu.memory_space<semaphore_mem>>)
    %dma_start3A_79 = arith.constant 5 : i32
    %dma_start3A_80 = arith.constant 5 : i32
    %dma_start3A_81 = arith.constant 5 : i32
    %dma_start3A_82 = arith.constant 0 : i32
    %dma_start3A_83 = arith.constant 0 : i32
    %dma_start3A_84 = tpu.memref_slice %arg8[%dma_start3A_80, %dma_start3A_82, %dma_start3A_83] : memref<8x128x64xbf16, #tpu.memory_space<vmem>> -> memref<1x128x64xbf16, #tpu.memory_space<vmem>>
    %dma_start3A_85 = tpu.memref_squeeze %dma_start3A_84 : memref<1x128x64xbf16, #tpu.memory_space<vmem>> -> memref<128x64xbf16, #tpu.memory_space<vmem>>
    %dma_start3A_86 = arith.constant 0 : i32
    %dma_start3A_87 = tpu.memref_slice %arg6[%dma_start3A_79, %dma_start3A_86] : memref<79x128xi32, #tpu.memory_space<vmem>> -> memref<1x128xi32, #tpu.memory_space<vmem>>
    %dma_start3A_88 = tpu.memref_squeeze %dma_start3A_87 : memref<1x128xi32, #tpu.memory_space<vmem>> -> memref<128xi32, #tpu.memory_space<vmem>>
    %dma_start3A_89 = arith.constant 0 : i32
    %dma_start3A_90 = arith.constant 0 : i32
    %dma_start3A_91 = tpu.memref_slice %arg4[%dma_start3A_89, %dma_start3A_90] : memref<10240x64xbf16, #tpu.memory_space<hbm>> -> memref<10240x64xbf16, #tpu.memory_space<hbm>>
    %dma_start3A_92 = tpu.memref_slice %arg10[%dma_start3A_81] : memref<8x!tpu.dma_semaphore, #tpu.memory_space<semaphore_mem>> -> memref<1x!tpu.dma_semaphore, #tpu.memory_space<semaphore_mem>>
    %dma_start3A_93 = tpu.memref_squeeze %dma_start3A_92 : memref<1x!tpu.dma_semaphore, #tpu.memory_space<semaphore_mem>> -> memref<!tpu.dma_semaphore, #tpu.memory_space<semaphore_mem>>
    tpu.enqueue_indirect_dma source(%dma_start3A_91 : memref<10240x64xbf16, #tpu.memory_space<hbm>>) target(%dma_start3A_85 : memref<128x64xbf16, #tpu.memory_space<vmem>>) offsets(%dma_start3A_88 : memref<128xi32, #tpu.memory_space<vmem>>) semaphore(%dma_start3A_93 : memref<!tpu.dma_semaphore, #tpu.memory_space<semaphore_mem>>)
    %dma_start3A_94 = arith.constant 6 : i32
    %dma_start3A_95 = arith.constant 6 : i32
    %dma_start3A_96 = arith.constant 6 : i32
    %dma_start3A_97 = arith.constant 0 : i32
    %dma_start3A_98 = arith.constant 0 : i32
    %dma_start3A_99 = tpu.memref_slice %arg8[%dma_start3A_95, %dma_start3A_97, %dma_start3A_98] : memref<8x128x64xbf16, #tpu.memory_space<vmem>> -> memref<1x128x64xbf16, #tpu.memory_space<vmem>>
    %dma_start3A_100 = tpu.memref_squeeze %dma_start3A_99 : memref<1x128x64xbf16, #tpu.memory_space<vmem>> -> memref<128x64xbf16, #tpu.memory_space<vmem>>
    %dma_start3A_101 = arith.constant 0 : i32
    %dma_start3A_102 = tpu.memref_slice %arg6[%dma_start3A_94, %dma_start3A_101] : memref<79x128xi32, #tpu.memory_space<vmem>> -> memref<1x128xi32, #tpu.memory_space<vmem>>
    %dma_start3A_103 = tpu.memref_squeeze %dma_start3A_102 : memref<1x128xi32, #tpu.memory_space<vmem>> -> memref<128xi32, #tpu.memory_space<vmem>>
    %dma_start3A_104 = arith.constant 0 : i32
    %dma_start3A_105 = arith.constant 0 : i32
    %dma_start3A_106 = tpu.memref_slice %arg4[%dma_start3A_104, %dma_start3A_105] : memref<10240x64xbf16, #tpu.memory_space<hbm>> -> memref<10240x64xbf16, #tpu.memory_space<hbm>>
    %dma_start3A_107 = tpu.memref_slice %arg10[%dma_start3A_96] : memref<8x!tpu.dma_semaphore, #tpu.memory_space<semaphore_mem>> -> memref<1x!tpu.dma_semaphore, #tpu.memory_space<semaphore_mem>>
    %dma_start3A_108 = tpu.memref_squeeze %dma_start3A_107 : memref<1x!tpu.dma_semaphore, #tpu.memory_space<semaphore_mem>> -> memref<!tpu.dma_semaphore, #tpu.memory_space<semaphore_mem>>
    tpu.enqueue_indirect_dma source(%dma_start3A_106 : memref<10240x64xbf16, #tpu.memory_space<hbm>>) target(%dma_start3A_100 : memref<128x64xbf16, #tpu.memory_space<vmem>>) offsets(%dma_start3A_103 : memref<128xi32, #tpu.memory_space<vmem>>) semaphore(%dma_start3A_108 : memref<!tpu.dma_semaphore, #tpu.memory_space<semaphore_mem>>)
    %scan3A = arith.constant 0 : i32
    %scan3A_109 = arith.constant 79 : i32
    %scan3A_110 = arith.addi %scan3A, %scan3A_109 : i32
    %scan3A_111 = arith.constant 1 : i32
    scf.for %scan3A_132 = %scan3A to %scan3A_110 step %scan3A_111  : i32 {
      %rem3A = arith.constant 8 : i32
      %rem3A_133 = arith.remsi %scan3A_132, %rem3A : i32
      %add3A_134 = arith.constant 8 : i32
      %add3A_135 = arith.addi %scan3A_132, %add3A_134 : i32
      %sub3A = arith.constant 1 : i32
      %sub3A_136 = arith.subi %add3A_135, %sub3A : i32
      %rem3A_137 = arith.constant 8 : i32
      %rem3A_138 = arith.remsi %sub3A_136, %rem3A_137 : i32
      %gt3A = arith.constant 0 : i32
      %gt3A_139 = arith.cmpi sgt, %scan3A_132, %gt3A : i32
      %convert_element_type3A = arith.extui %gt3A_139 : i1 to i32
      %cond3A = arith.constant 0 : i32
      %cond3A_140 = arith.cmpi ne, %convert_element_type3A, %cond3A : i32
      scf.if %cond3A_140 {
        %sub3A_173 = arith.constant 1 : i32
        %sub3A_174 = arith.subi %scan3A_132, %sub3A_173 : i32
        %dma_wait3A_175 = arith.constant 0 : i32
        %dma_wait3A_176 = arith.constant 0 : i32
        %dma_wait3A_177 = tpu.memref_slice %arg8[%rem3A_138, %dma_wait3A_175, %dma_wait3A_176] : memref<8x128x64xbf16, #tpu.memory_space<vmem>> -> memref<1x128x64xbf16, #tpu.memory_space<vmem>>
        %dma_wait3A_178 = tpu.memref_squeeze %dma_wait3A_177 : memref<1x128x64xbf16, #tpu.memory_space<vmem>> -> memref<128x64xbf16, #tpu.memory_space<vmem>>
        %dma_wait3A_179 = arith.constant 0 : i32
        %dma_wait3A_180 = tpu.memref_slice %arg7[%sub3A_174, %dma_wait3A_179] : memref<79x128xi32, #tpu.memory_space<vmem>> -> memref<1x128xi32, #tpu.memory_space<vmem>>
        %dma_wait3A_181 = tpu.memref_squeeze %dma_wait3A_180 : memref<1x128xi32, #tpu.memory_space<vmem>> -> memref<128xi32, #tpu.memory_space<vmem>>
        %dma_wait3A_182 = arith.constant 0 : i32
        %dma_wait3A_183 = arith.constant 0 : i32
        %dma_wait3A_184 = tpu.memref_slice %arg9[%dma_wait3A_182, %dma_wait3A_183] : memref<10240x64xbf16, #tpu.memory_space<vmem_shared>> -> memref<10240x64xbf16, #tpu.memory_space<vmem_shared>>
        %dma_wait3A_185 = tpu.memref_slice %arg11[%rem3A_138] : memref<8x!tpu.dma_semaphore, #tpu.memory_space<semaphore_mem>> -> memref<1x!tpu.dma_semaphore, #tpu.memory_space<semaphore_mem>>
        %dma_wait3A_186 = tpu.memref_squeeze %dma_wait3A_185 : memref<1x!tpu.dma_semaphore, #tpu.memory_space<semaphore_mem>> -> memref<!tpu.dma_semaphore, #tpu.memory_space<semaphore_mem>>
        tpu.wait_indirect_dma semaphore(%dma_wait3A_186 : memref<!tpu.dma_semaphore, #tpu.memory_space<semaphore_mem>>) src(%dma_wait3A_178 : memref<128x64xbf16, #tpu.memory_space<vmem>>) dst(%dma_wait3A_184 : memref<10240x64xbf16, #tpu.memory_space<vmem_shared>>)
      } else {
      }
      %add3A_141 = arith.constant 8 : i32
      %add3A_142 = arith.addi %scan3A_132, %add3A_141 : i32
      %sub3A_143 = arith.constant 1 : i32
      %sub3A_144 = arith.subi %add3A_142, %sub3A_143 : i32
      %lt3A = arith.constant 79 : i32
      %lt3A_145 = arith.cmpi slt, %sub3A_144, %lt3A : i32
      %convert_element_type3A_146 = arith.extui %lt3A_145 : i1 to i32
      %cond3A_147 = arith.constant 0 : i32
      %cond3A_148 = arith.cmpi ne, %convert_element_type3A_146, %cond3A_147 : i32
      scf.if %cond3A_148 {
        %add3A_173 = arith.constant 8 : i32
        %add3A_174 = arith.addi %scan3A_132, %add3A_173 : i32
        %sub3A_175 = arith.constant 1 : i32
        %sub3A_176 = arith.subi %add3A_174, %sub3A_175 : i32
        %dma_start3A_177 = arith.constant 0 : i32
        %dma_start3A_178 = arith.constant 0 : i32
        %dma_start3A_179 = tpu.memref_slice %arg8[%rem3A_138, %dma_start3A_177, %dma_start3A_178] : memref<8x128x64xbf16, #tpu.memory_space<vmem>> -> memref<1x128x64xbf16, #tpu.memory_space<vmem>>
        %dma_start3A_180 = tpu.memref_squeeze %dma_start3A_179 : memref<1x128x64xbf16, #tpu.memory_space<vmem>> -> memref<128x64xbf16, #tpu.memory_space<vmem>>
        %dma_start3A_181 = arith.constant 0 : i32
        %dma_start3A_182 = tpu.memref_slice %arg6[%sub3A_176, %dma_start3A_181] : memref<79x128xi32, #tpu.memory_space<vmem>> -> memref<1x128xi32, #tpu.memory_space<vmem>>
        %dma_start3A_183 = tpu.memref_squeeze %dma_start3A_182 : memref<1x128xi32, #tpu.memory_space<vmem>> -> memref<128xi32, #tpu.memory_space<vmem>>
        %dma_start3A_184 = arith.constant 0 : i32
        %dma_start3A_185 = arith.constant 0 : i32
        %dma_start3A_186 = tpu.memref_slice %arg4[%dma_start3A_184, %dma_start3A_185] : memref<10240x64xbf16, #tpu.memory_space<hbm>> -> memref<10240x64xbf16, #tpu.memory_space<hbm>>
        %dma_start3A_187 = tpu.memref_slice %arg10[%rem3A_138] : memref<8x!tpu.dma_semaphore, #tpu.memory_space<semaphore_mem>> -> memref<1x!tpu.dma_semaphore, #tpu.memory_space<semaphore_mem>>
        %dma_start3A_188 = tpu.memref_squeeze %dma_start3A_187 : memref<1x!tpu.dma_semaphore, #tpu.memory_space<semaphore_mem>> -> memref<!tpu.dma_semaphore, #tpu.memory_space<semaphore_mem>>
        tpu.enqueue_indirect_dma source(%dma_start3A_186 : memref<10240x64xbf16, #tpu.memory_space<hbm>>) target(%dma_start3A_180 : memref<128x64xbf16, #tpu.memory_space<vmem>>) offsets(%dma_start3A_183 : memref<128xi32, #tpu.memory_space<vmem>>) semaphore(%dma_start3A_188 : memref<!tpu.dma_semaphore, #tpu.memory_space<semaphore_mem>>)
      } else {
      }
      %dma_wait3A_149 = arith.constant 0 : i32
      %dma_wait3A_150 = arith.constant 0 : i32
      %dma_wait3A_151 = tpu.memref_slice %arg8[%rem3A_133, %dma_wait3A_149, %dma_wait3A_150] : memref<8x128x64xbf16, #tpu.memory_space<vmem>> -> memref<1x128x64xbf16, #tpu.memory_space<vmem>>
      %dma_wait3A_152 = tpu.memref_squeeze %dma_wait3A_151 : memref<1x128x64xbf16, #tpu.memory_space<vmem>> -> memref<128x64xbf16, #tpu.memory_space<vmem>>
      %dma_wait3A_153 = arith.constant 0 : i32
      %dma_wait3A_154 = tpu.memref_slice %arg6[%scan3A_132, %dma_wait3A_153] : memref<79x128xi32, #tpu.memory_space<vmem>> -> memref<1x128xi32, #tpu.memory_space<vmem>>
      %dma_wait3A_155 = tpu.memref_squeeze %dma_wait3A_154 : memref<1x128xi32, #tpu.memory_space<vmem>> -> memref<128xi32, #tpu.memory_space<vmem>>
      %dma_wait3A_156 = arith.constant 0 : i32
      %dma_wait3A_157 = arith.constant 0 : i32
      %dma_wait3A_158 = tpu.memref_slice %arg4[%dma_wait3A_156, %dma_wait3A_157] : memref<10240x64xbf16, #tpu.memory_space<hbm>> -> memref<10240x64xbf16, #tpu.memory_space<hbm>>
      %dma_wait3A_159 = tpu.memref_slice %arg10[%rem3A_133] : memref<8x!tpu.dma_semaphore, #tpu.memory_space<semaphore_mem>> -> memref<1x!tpu.dma_semaphore, #tpu.memory_space<semaphore_mem>>
      %dma_wait3A_160 = tpu.memref_squeeze %dma_wait3A_159 : memref<1x!tpu.dma_semaphore, #tpu.memory_space<semaphore_mem>> -> memref<!tpu.dma_semaphore, #tpu.memory_space<semaphore_mem>>
      tpu.wait_indirect_dma semaphore(%dma_wait3A_160 : memref<!tpu.dma_semaphore, #tpu.memory_space<semaphore_mem>>) src(%dma_wait3A_158 : memref<10240x64xbf16, #tpu.memory_space<hbm>>) dst(%dma_wait3A_152 : memref<128x64xbf16, #tpu.memory_space<vmem>>)
      %dma_start3A_161 = arith.constant 0 : i32
      %dma_start3A_162 = arith.constant 0 : i32
      %dma_start3A_163 = tpu.memref_slice %arg8[%rem3A_133, %dma_start3A_161, %dma_start3A_162] : memref<8x128x64xbf16, #tpu.memory_space<vmem>> -> memref<1x128x64xbf16, #tpu.memory_space<vmem>>
      %dma_start3A_164 = tpu.memref_squeeze %dma_start3A_163 : memref<1x128x64xbf16, #tpu.memory_space<vmem>> -> memref<128x64xbf16, #tpu.memory_space<vmem>>
      %dma_start3A_165 = arith.constant 0 : i32
      %dma_start3A_166 = tpu.memref_slice %arg7[%scan3A_132, %dma_start3A_165] : memref<79x128xi32, #tpu.memory_space<vmem>> -> memref<1x128xi32, #tpu.memory_space<vmem>>
      %dma_start3A_167 = tpu.memref_squeeze %dma_start3A_166 : memref<1x128xi32, #tpu.memory_space<vmem>> -> memref<128xi32, #tpu.memory_space<vmem>>
      %dma_start3A_168 = arith.constant 0 : i32
      %dma_start3A_169 = arith.constant 0 : i32
      %dma_start3A_170 = tpu.memref_slice %arg9[%dma_start3A_168, %dma_start3A_169] : memref<10240x64xbf16, #tpu.memory_space<vmem_shared>> -> memref<10240x64xbf16, #tpu.memory_space<vmem_shared>>
      %dma_start3A_171 = tpu.memref_slice %arg11[%rem3A_133] : memref<8x!tpu.dma_semaphore, #tpu.memory_space<semaphore_mem>> -> memref<1x!tpu.dma_semaphore, #tpu.memory_space<semaphore_mem>>
      %dma_start3A_172 = tpu.memref_squeeze %dma_start3A_171 : memref<1x!tpu.dma_semaphore, #tpu.memory_space<semaphore_mem>> -> memref<!tpu.dma_semaphore, #tpu.memory_space<semaphore_mem>>
      tpu.enqueue_indirect_dma source(%dma_start3A_164 : memref<128x64xbf16, #tpu.memory_space<vmem>>) target(%dma_start3A_170 : memref<10240x64xbf16, #tpu.memory_space<vmem_shared>>) offsets(%dma_start3A_167 : memref<128xi32, #tpu.memory_space<vmem>>) semaphore(%dma_start3A_172 : memref<!tpu.dma_semaphore, #tpu.memory_space<semaphore_mem>>) {add = true}
    }
    %scan3A_112 = arith.constant 79 : i32
    %dma_wait3A = arith.constant 6 : i32
    %dma_wait3A_113 = arith.constant 78 : i32
    %dma_wait3A_114 = arith.constant 6 : i32
    %dma_wait3A_115 = arith.constant 0 : i32
    %dma_wait3A_116 = arith.constant 0 : i32
    %dma_wait3A_117 = tpu.memref_slice %arg8[%dma_wait3A, %dma_wait3A_115, %dma_wait3A_116] : memref<8x128x64xbf16, #tpu.memory_space<vmem>> -> memref<1x128x64xbf16, #tpu.memory_space<vmem>>
    %dma_wait3A_118 = tpu.memref_squeeze %dma_wait3A_117 : memref<1x128x64xbf16, #tpu.memory_space<vmem>> -> memref<128x64xbf16, #tpu.memory_space<vmem>>
    %dma_wait3A_119 = arith.constant 0 : i32
    %dma_wait3A_120 = tpu.memref_slice %arg7[%dma_wait3A_113, %dma_wait3A_119] : memref<79x128xi32, #tpu.memory_space<vmem>> -> memref<1x128xi32, #tpu.memory_space<vmem>>
    %dma_wait3A_121 = tpu.memref_squeeze %dma_wait3A_120 : memref<1x128xi32, #tpu.memory_space<vmem>> -> memref<128xi32, #tpu.memory_space<vmem>>
    %dma_wait3A_122 = arith.constant 0 : i32
    %dma_wait3A_123 = arith.constant 0 : i32
    %dma_wait3A_124 = tpu.memref_slice %arg9[%dma_wait3A_122, %dma_wait3A_123] : memref<10240x64xbf16, #tpu.memory_space<vmem_shared>> -> memref<10240x64xbf16, #tpu.memory_space<vmem_shared>>
    %dma_wait3A_125 = tpu.memref_slice %arg11[%dma_wait3A_114] : memref<8x!tpu.dma_semaphore, #tpu.memory_space<semaphore_mem>> -> memref<1x!tpu.dma_semaphore, #tpu.memory_space<semaphore_mem>>
    %dma_wait3A_126 = tpu.memref_squeeze %dma_wait3A_125 : memref<1x!tpu.dma_semaphore, #tpu.memory_space<semaphore_mem>> -> memref<!tpu.dma_semaphore, #tpu.memory_space<semaphore_mem>>
    tpu.wait_indirect_dma semaphore(%dma_wait3A_126 : memref<!tpu.dma_semaphore, #tpu.memory_space<semaphore_mem>>) src(%dma_wait3A_118 : memref<128x64xbf16, #tpu.memory_space<vmem>>) dst(%dma_wait3A_124 : memref<10240x64xbf16, #tpu.memory_space<vmem_shared>>)
    %barrier3A_127 = arith.constant 0 : index
    tpu.barrier barrier_id(%barrier3A_127)
    %mul3A_128 = arith.constant 640 : i32
    %mul3A_129 = arith.muli %arg1, %mul3A_128 : i32
    %mul3A_130 = arith.constant 640 : i32
    %mul3A_131 = arith.muli %arg1, %mul3A_130 : i32
    "tpu.region"() ({
      %run_scoped3A = tpu.sem_alloc : memref<!tpu.dma_semaphore, #tpu.memory_space<semaphore_mem>>
      %dma_start3A_132 = arith.constant 0 : i32
      %dma_start3A_133 = tpu.memref_slice %arg5[%arg0, %mul3A_131, %dma_start3A_132] : memref<2x10240x64xbf16, #tpu.memory_space<hbm>> -> memref<1x640x64xbf16, #tpu.memory_space<hbm>>
      %dma_start3A_134 = tpu.memref_squeeze %dma_start3A_133 : memref<1x640x64xbf16, #tpu.memory_space<hbm>> -> memref<640x64xbf16, #tpu.memory_space<hbm>>
      %dma_start3A_135 = arith.constant 0 : i32
      %dma_start3A_136 = tpu.memref_slice %arg9[%mul3A_129, %dma_start3A_135] : memref<10240x64xbf16, #tpu.memory_space<vmem_shared>> -> memref<640x64xbf16, #tpu.memory_space<vmem_shared>>
      tpu.enqueue_dma source(%dma_start3A_136 : memref<640x64xbf16, #tpu.memory_space<vmem_shared>>) target(%dma_start3A_134 : memref<640x64xbf16, #tpu.memory_space<hbm>>) target_semaphore(%run_scoped3A : memref<!tpu.dma_semaphore, #tpu.memory_space<semaphore_mem>>)
      %dma_wait3A_137 = arith.constant 0 : i32
      %dma_wait3A_138 = tpu.memref_slice %arg5[%arg0, %mul3A_131, %dma_wait3A_137] : memref<2x10240x64xbf16, #tpu.memory_space<hbm>> -> memref<1x640x64xbf16, #tpu.memory_space<hbm>>
      %dma_wait3A_139 = tpu.memref_squeeze %dma_wait3A_138 : memref<1x640x64xbf16, #tpu.memory_space<hbm>> -> memref<640x64xbf16, #tpu.memory_space<hbm>>
      %dma_wait3A_140 = arith.constant 0 : i32
      %dma_wait3A_141 = tpu.memref_slice %arg9[%mul3A_129, %dma_wait3A_140] : memref<10240x64xbf16, #tpu.memory_space<vmem_shared>> -> memref<640x64xbf16, #tpu.memory_space<vmem_shared>>
      tpu.wait_dma2 semaphore(%run_scoped3A : memref<!tpu.dma_semaphore, #tpu.memory_space<semaphore_mem>>) src(%dma_wait3A_141 : memref<640x64xbf16, #tpu.memory_space<vmem_shared>>) dst(%dma_wait3A_139 : memref<640x64xbf16, #tpu.memory_space<hbm>>)
      tpu.yield
    }) : () -> ()
    return
  }
}

module attributes {stable_mosaic.version = 14 : i64} {
  func.func @_tc_a(%arg0: i32, %arg1: memref<1024x128xf32, #tpu.memory_space<vmem>>, %arg2: memref<128x64xf32, #tpu.memory_space<vmem>>, %arg3: memref<32x1024xf32, #tpu.memory_space<vmem>>, %arg4: memref<1024x64xbf16, #tpu.memory_space<vmem>>, %arg5: memref<1024xf32, #tpu.memory_space<vmem>>) attributes {dimension_semantics = [#tpu.dimension_semantics<arbitrary>], iteration_bounds = array<i64: 10>, scalar_prefetch = 0 : i64, scratch_operands = 0 : i64, tpu.core_type = #tpu.core_type<tc>, window_params = [{transform_indices = @transform_0, window_bounds = array<i64: 1024, 128>}, {pipeline_mode = #tpu.pipeline_mode<synchronous>, transform_indices = @transform_1, window_bounds = array<i64: 128, 64>}, {transform_indices = @transform_2, window_bounds = array<i64: 32, 1024>}, {transform_indices = @transform_3, window_bounds = array<i64: 1024, 64>}, {transform_indices = @transform_4, window_bounds = array<i64: 1024>}]} {
    %get3A = arith.constant 0 : index
    %get3A_0 = arith.constant 0 : index
    %get3A_1 = vector.load %arg3[%get3A, %get3A_0] : memref<32x1024xf32, #tpu.memory_space<vmem>>, vector<32x1024xf32>
    %reduce_sum3A = arith.constant dense<0.000000e+00> : vector<1024xf32>
    %reduce_sum3A_2 = vector.multi_reduction <add>, %get3A_1, %reduce_sum3A [0] : vector<32x1024xf32> to vector<1024xf32>
    %add3A = arith.constant 1.000000e+00 : f32
    %add3A_3 = vector.broadcast %add3A : f32 to vector<1024xf32>
    %add3A_4 = arith.addf %reduce_sum3A_2, %add3A_3 : vector<1024xf32>
    %rsqrt3A = math.rsqrt %add3A_4 : vector<1024xf32>
    %get3A_5 = arith.constant 0 : index
    %get3A_6 = arith.constant 0 : index
    %get3A_7 = vector.load %arg1[%get3A_5, %get3A_6] : memref<1024x128xf32, #tpu.memory_space<vmem>>, vector<1024x128xf32>
    %get3A_8 = arith.constant 0 : index
    %get3A_9 = arith.constant 0 : index
    %get3A_10 = vector.load %arg2[%get3A_8, %get3A_9] : memref<128x64xf32, #tpu.memory_space<vmem>>, vector<128x64xf32>
    %dot_general3A = arith.constant dense<0.000000e+00> : vector<1024x64xf32>
    %dot_general3A_11 = tpu.matmul %get3A_7, %get3A_10, %dot_general3A {dimension_numbers = #tpu.dot_dimension_numbers<[1], [0], [0], [1], [0, 0, 1, 1], [], []>, transpose_lhs_hint = false} : vector<1024x128xf32>, vector<128x64xf32>, vector<1024x64xf32> -> vector<1024x64xf32>
    %broadcast_in_dim3A = vector.shape_cast %rsqrt3A : vector<1024xf32> to vector<1024x1xf32>
    %mul3A = vector.broadcast %broadcast_in_dim3A : vector<1024x1xf32> to vector<1024x64xf32>
    %mul3A_12 = arith.mulf %dot_general3A_11, %mul3A : vector<1024x64xf32>
    %convert_element_type3A = arith.truncf %mul3A_12 : vector<1024x64xf32> to vector<1024x64xbf16>
    %swap3A = arith.constant 0 : index
    %swap3A_13 = arith.constant 0 : index
    %swap3A_14 = vector.load %arg4[%swap3A, %swap3A_13] : memref<1024x64xbf16, #tpu.memory_space<vmem>>, vector<1024x64xbf16>
    tpu.vector_store %arg4[%swap3A, %swap3A_13], %convert_element_type3A {strides = array<i32>} : memref<1024x64xbf16, #tpu.memory_space<vmem>>, vector<1024x64xbf16>,
    %swap3A_15 = arith.constant 0 : index
    %swap3A_16 = vector.load %arg5[%swap3A_15] : memref<1024xf32, #tpu.memory_space<vmem>>, vector<1024xf32>
    tpu.vector_store %arg5[%swap3A_15], %rsqrt3A {strides = array<i32>} : memref<1024xf32, #tpu.memory_space<vmem>>, vector<1024xf32>,
    return
  }
  func.func @transform_0(%arg0: i32) -> (i32, i32) {
    %c0_i32 = arith.constant 0 : i32
    %c0_i32_0 = arith.constant 0 : i32
    return %arg0, %c0_i32 : i32, i32
  }
  func.func @transform_1(%arg0: i32) -> (i32, i32) {
    %c0_i32 = arith.constant 0 : i32
    %c0_i32_0 = arith.constant 0 : i32
    %c0_i32_1 = arith.constant 0 : i32
    return %c0_i32, %c0_i32_0 : i32, i32
  }
  func.func @transform_2(%arg0: i32) -> (i32, i32) {
    %c0_i32 = arith.constant 0 : i32
    %c0_i32_0 = arith.constant 0 : i32
    return %c0_i32, %arg0 : i32, i32
  }
  func.func @transform_3(%arg0: i32) -> (i32, i32) {
    %c0_i32 = arith.constant 0 : i32
    %c0_i32_0 = arith.constant 0 : i32
    return %arg0, %c0_i32 : i32, i32
  }
  func.func @transform_4(%arg0: i32) -> i32 {
    %c0_i32 = arith.constant 0 : i32
    return %arg0 : i32
  }
}

module attributes {stable_mosaic.version = 14 : i64} {
  func.func @_tc_b(%arg0: i32, %arg1: memref<1024x64xbf16, #tpu.memory_space<vmem>>, %arg2: memref<1024x64xbf16, #tpu.memory_space<vmem>>, %arg3: memref<1024x64xbf16, #tpu.memory_space<vmem>>, %arg4: memref<1024xf32, #tpu.memory_space<vmem>>, %arg5: memref<64xf32, #tpu.memory_space<vmem>>, %arg6: memref<1024x64xbf16, #tpu.memory_space<vmem>>) attributes {dimension_semantics = [#tpu.dimension_semantics<arbitrary>], iteration_bounds = array<i64: 10>, scalar_prefetch = 0 : i64, scratch_operands = 0 : i64, tpu.core_type = #tpu.core_type<tc>, window_params = [{transform_indices = @transform_0, window_bounds = array<i64: 1024, 64>}, {transform_indices = @transform_1, window_bounds = array<i64: 1024, 64>}, {transform_indices = @transform_2, window_bounds = array<i64: 1024, 64>}, {transform_indices = @transform_3, window_bounds = array<i64: 1024>}, {pipeline_mode = #tpu.pipeline_mode<synchronous>, transform_indices = @transform_4, window_bounds = array<i64: 64>}, {transform_indices = @transform_5, window_bounds = array<i64: 1024, 64>}]} {
    %get3A = arith.constant 0 : index
    %get3A_0 = vector.load %arg4[%get3A] : memref<1024xf32, #tpu.memory_space<vmem>>, vector<1024xf32>
    %broadcast_in_dim3A = vector.shape_cast %get3A_0 : vector<1024xf32> to vector<1024x1xf32>
    %get3A_1 = arith.constant 0 : index
    %get3A_2 = arith.constant 0 : index
    %get3A_3 = vector.load %arg1[%get3A_1, %get3A_2] : memref<1024x64xbf16, #tpu.memory_space<vmem>>, vector<1024x64xbf16>
    %convert_element_type3A = arith.extf %get3A_3 : vector<1024x64xbf16> to vector<1024x64xf32>
    %get3A_4 = arith.constant 0 : index
    %get3A_5 = arith.constant 0 : index
    %get3A_6 = vector.load %arg2[%get3A_4, %get3A_5] : memref<1024x64xbf16, #tpu.memory_space<vmem>>, vector<1024x64xbf16>
    %convert_element_type3A_7 = arith.extf %get3A_6 : vector<1024x64xbf16> to vector<1024x64xf32>
    %add3A = arith.addf %convert_element_type3A, %convert_element_type3A_7 : vector<1024x64xf32>
    %get3A_8 = arith.constant 0 : index
    %get3A_9 = arith.constant 0 : index
    %get3A_10 = vector.load %arg3[%get3A_8, %get3A_9] : memref<1024x64xbf16, #tpu.memory_space<vmem>>, vector<1024x64xbf16>
    %convert_element_type3A_11 = arith.extf %get3A_10 : vector<1024x64xbf16> to vector<1024x64xf32>
    %sub3A = arith.subf %add3A, %convert_element_type3A_11 : vector<1024x64xf32>
    %mul3A = vector.broadcast %broadcast_in_dim3A : vector<1024x1xf32> to vector<1024x64xf32>
    %mul3A_12 = arith.mulf %mul3A, %sub3A : vector<1024x64xf32>
    %get3A_13 = arith.constant 0 : index
    %get3A_14 = vector.load %arg5[%get3A_13] : memref<64xf32, #tpu.memory_space<vmem>>, vector<64xf32>
    %broadcast_in_dim3A_15 = vector.shape_cast %get3A_14 : vector<64xf32> to vector<1x64xf32>
    %add3A_16 = vector.broadcast %broadcast_in_dim3A_15 : vector<1x64xf32> to vector<1024x64xf32>
    %add3A_17 = arith.addf %mul3A_12, %add3A_16 : vector<1024x64xf32>
    %max3A = arith.constant 0.000000e+00 : f32
    %max3A_18 = vector.broadcast %max3A : f32 to vector<1024x64xf32>
    %max3A_19 = arith.maximumf %add3A_17, %max3A_18 : vector<1024x64xf32>
    %mul3A_20 = vector.broadcast %broadcast_in_dim3A : vector<1024x1xf32> to vector<1024x64xf32>
    %mul3A_21 = arith.mulf %max3A_19, %mul3A_20 : vector<1024x64xf32>
    %convert_element_type3A_22 = arith.truncf %mul3A_21 : vector<1024x64xf32> to vector<1024x64xbf16>
    %swap3A = arith.constant 0 : index
    %swap3A_23 = arith.constant 0 : index
    %swap3A_24 = vector.load %arg6[%swap3A, %swap3A_23] : memref<1024x64xbf16, #tpu.memory_space<vmem>>, vector<1024x64xbf16>
    tpu.vector_store %arg6[%swap3A, %swap3A_23], %convert_element_type3A_22 {strides = array<i32>} : memref<1024x64xbf16, #tpu.memory_space<vmem>>, vector<1024x64xbf16>,
    return
  }
  func.func @transform_0(%arg0: i32) -> (i32, i32) {
    %c0_i32 = arith.constant 0 : i32
    %c0_i32_0 = arith.constant 0 : i32
    return %arg0, %c0_i32 : i32, i32
  }
  func.func @transform_1(%arg0: i32) -> (i32, i32) {
    %c0_i32 = arith.constant 0 : i32
    %c0_i32_0 = arith.constant 0 : i32
    return %arg0, %c0_i32 : i32, i32
  }
  func.func @transform_2(%arg0: i32) -> (i32, i32) {
    %c0_i32 = arith.constant 0 : i32
    %c0_i32_0 = arith.constant 0 : i32
    return %arg0, %c0_i32 : i32, i32
  }
  func.func @transform_3(%arg0: i32) -> i32 {
    %c0_i32 = arith.constant 0 : i32
    return %arg0 : i32
  }
  func.func @transform_4(%arg0: i32) -> i32 {
    %c0_i32 = arith.constant 0 : i32
    %c0_i32_0 = arith.constant 0 : i32
    return %c0_i32 : i32
  }
  func.func @transform_5(%arg0: i32) -> (i32, i32) {
    %c0_i32 = arith.constant 0 : i32
    %c0_i32_0 = arith.constant 0 : i32
    return %arg0, %c0_i32 : i32, i32
  }
}

module attributes {stable_mosaic.version = 14 : i64} {
  func.func @_tc_c(%arg0: i32, %arg1: memref<1024x64xbf16, #tpu.memory_space<vmem>>, %arg2: memref<1024x64xbf16, #tpu.memory_space<vmem>>, %arg3: memref<1024x64xbf16, #tpu.memory_space<vmem>>, %arg4: memref<1024xf32, #tpu.memory_space<vmem>>, %arg5: memref<64x128xf32, #tpu.memory_space<vmem>>, %arg6: memref<128xf32, #tpu.memory_space<vmem>>, %arg7: memref<1024x128xbf16, #tpu.memory_space<vmem>>) attributes {dimension_semantics = [#tpu.dimension_semantics<arbitrary>], iteration_bounds = array<i64: 10>, scalar_prefetch = 0 : i64, scratch_operands = 0 : i64, tpu.core_type = #tpu.core_type<tc>, window_params = [{transform_indices = @transform_0, window_bounds = array<i64: 1024, 64>}, {transform_indices = @transform_1, window_bounds = array<i64: 1024, 64>}, {transform_indices = @transform_2, window_bounds = array<i64: 1024, 64>}, {transform_indices = @transform_3, window_bounds = array<i64: 1024>}, {pipeline_mode = #tpu.pipeline_mode<synchronous>, transform_indices = @transform_4, window_bounds = array<i64: 64, 128>}, {pipeline_mode = #tpu.pipeline_mode<synchronous>, transform_indices = @transform_5, window_bounds = array<i64: 128>}, {transform_indices = @transform_6, window_bounds = array<i64: 1024, 128>}]} {
    %get3A = arith.constant 0 : index
    %get3A_0 = vector.load %arg4[%get3A] : memref<1024xf32, #tpu.memory_space<vmem>>, vector<1024xf32>
    %broadcast_in_dim3A = vector.shape_cast %get3A_0 : vector<1024xf32> to vector<1024x1xf32>
    %get3A_1 = arith.constant 0 : index
    %get3A_2 = arith.constant 0 : index
    %get3A_3 = vector.load %arg1[%get3A_1, %get3A_2] : memref<1024x64xbf16, #tpu.memory_space<vmem>>, vector<1024x64xbf16>
    %convert_element_type3A = arith.extf %get3A_3 : vector<1024x64xbf16> to vector<1024x64xf32>
    %get3A_4 = arith.constant 0 : index
    %get3A_5 = arith.constant 0 : index
    %get3A_6 = vector.load %arg2[%get3A_4, %get3A_5] : memref<1024x64xbf16, #tpu.memory_space<vmem>>, vector<1024x64xbf16>
    %convert_element_type3A_7 = arith.extf %get3A_6 : vector<1024x64xbf16> to vector<1024x64xf32>
    %add3A = arith.addf %convert_element_type3A, %convert_element_type3A_7 : vector<1024x64xf32>
    %get3A_8 = arith.constant 0 : index
    %get3A_9 = arith.constant 0 : index
    %get3A_10 = vector.load %arg3[%get3A_8, %get3A_9] : memref<1024x64xbf16, #tpu.memory_space<vmem>>, vector<1024x64xbf16>
    %convert_element_type3A_11 = arith.extf %get3A_10 : vector<1024x64xbf16> to vector<1024x64xf32>
    %sub3A = arith.subf %add3A, %convert_element_type3A_11 : vector<1024x64xf32>
    %mul3A = vector.broadcast %broadcast_in_dim3A : vector<1024x1xf32> to vector<1024x64xf32>
    %mul3A_12 = arith.mulf %mul3A, %sub3A : vector<1024x64xf32>
    %get3A_13 = arith.constant 0 : index
    %get3A_14 = arith.constant 0 : index
    %get3A_15 = vector.load %arg5[%get3A_13, %get3A_14] : memref<64x128xf32, #tpu.memory_space<vmem>>, vector<64x128xf32>
    %dot_general3A = arith.constant dense<0.000000e+00> : vector<1024x128xf32>
    %dot_general3A_16 = tpu.matmul %mul3A_12, %get3A_15, %dot_general3A {dimension_numbers = #tpu.dot_dimension_numbers<[1], [0], [0], [1], [0, 0, 1, 1], [], []>, transpose_lhs_hint = false} : vector<1024x64xf32>, vector<64x128xf32>, vector<1024x128xf32> -> vector<1024x128xf32>
    %get3A_17 = arith.constant 0 : index
    %get3A_18 = vector.load %arg6[%get3A_17] : memref<128xf32, #tpu.memory_space<vmem>>, vector<128xf32>
    %broadcast_in_dim3A_19 = vector.shape_cast %get3A_18 : vector<128xf32> to vector<1x128xf32>
    %add3A_20 = vector.broadcast %broadcast_in_dim3A_19 : vector<1x128xf32> to vector<1024x128xf32>
    %add3A_21 = arith.addf %dot_general3A_16, %add3A_20 : vector<1024x128xf32>
    %max3A = arith.constant 0.000000e+00 : f32
    %max3A_22 = vector.broadcast %max3A : f32 to vector<1024x128xf32>
    %max3A_23 = arith.maximumf %add3A_21, %max3A_22 : vector<1024x128xf32>
    %mul3A_24 = vector.broadcast %broadcast_in_dim3A : vector<1024x1xf32> to vector<1024x128xf32>
    %mul3A_25 = arith.mulf %max3A_23, %mul3A_24 : vector<1024x128xf32>
    %convert_element_type3A_26 = arith.truncf %mul3A_25 : vector<1024x128xf32> to vector<1024x128xbf16>
    %swap3A = arith.constant 0 : index
    %swap3A_27 = arith.constant 0 : index
    %swap3A_28 = vector.load %arg7[%swap3A, %swap3A_27] : memref<1024x128xbf16, #tpu.memory_space<vmem>>, vector<1024x128xbf16>
    tpu.vector_store %arg7[%swap3A, %swap3A_27], %convert_element_type3A_26 {strides = array<i32>} : memref<1024x128xbf16, #tpu.memory_space<vmem>>, vector<1024x128xbf16>,
    return
  }
  func.func @transform_0(%arg0: i32) -> (i32, i32) {
    %c0_i32 = arith.constant 0 : i32
    %c0_i32_0 = arith.constant 0 : i32
    return %arg0, %c0_i32 : i32, i32
  }
  func.func @transform_1(%arg0: i32) -> (i32, i32) {
    %c0_i32 = arith.constant 0 : i32
    %c0_i32_0 = arith.constant 0 : i32
    return %arg0, %c0_i32 : i32, i32
  }
  func.func @transform_2(%arg0: i32) -> (i32, i32) {
    %c0_i32 = arith.constant 0 : i32
    %c0_i32_0 = arith.constant 0 : i32
    return %arg0, %c0_i32 : i32, i32
  }
  func.func @transform_3(%arg0: i32) -> i32 {
    %c0_i32 = arith.constant 0 : i32
    return %arg0 : i32
  }
  func.func @transform_4(%arg0: i32) -> (i32, i32) {
    %c0_i32 = arith.constant 0 : i32
    %c0_i32_0 = arith.constant 0 : i32
    %c0_i32_1 = arith.constant 0 : i32
    return %c0_i32, %c0_i32_0 : i32, i32
  }
  func.func @transform_5(%arg0: i32) -> i32 {
    %c0_i32 = arith.constant 0 : i32
    %c0_i32_0 = arith.constant 0 : i32
    return %c0_i32 : i32
  }
  func.func @transform_6(%arg0: i32) -> (i32, i32) {
    %c0_i32 = arith.constant 0 : i32
    %c0_i32_0 = arith.constant 0 : i32
    return %arg0, %c0_i32 : i32, i32
  }
}

module attributes {stable_mosaic.version = 14 : i64} {
  func.func @_tc_d(%arg0: i32, %arg1: memref<1024x128xbf16, #tpu.memory_space<vmem>>, %arg2: memref<1024x128xbf16, #tpu.memory_space<vmem>>, %arg3: memref<1024x128xbf16, #tpu.memory_space<vmem>>, %arg4: memref<1024xf32, #tpu.memory_space<vmem>>, %arg5: memref<128x256xf32, #tpu.memory_space<vmem>>, %arg6: memref<256xf32, #tpu.memory_space<vmem>>, %arg7: memref<1024xi32, #tpu.memory_space<vmem>>, %arg8: memref<8x256xf32, #tpu.memory_space<vmem>>, %arg9: memref<8x256xf32, #tpu.memory_space<vmem>>, %arg10: memref<8x256xf32, #tpu.memory_space<vmem>>) attributes {dimension_semantics = [#tpu.dimension_semantics<arbitrary>], iteration_bounds = array<i64: 10>, scalar_prefetch = 0 : i64, scratch_operands = 2 : i64, tpu.core_type = #tpu.core_type<tc>, window_params = [{transform_indices = @transform_0, window_bounds = array<i64: 1024, 128>}, {transform_indices = @transform_1, window_bounds = array<i64: 1024, 128>}, {transform_indices = @transform_2, window_bounds = array<i64: 1024, 128>}, {transform_indices = @transform_3, window_bounds = array<i64: 1024>}, {pipeline_mode = #tpu.pipeline_mode<synchronous>, transform_indices = @transform_4, window_bounds = array<i64: 128, 256>}, {pipeline_mode = #tpu.pipeline_mode<synchronous>, transform_indices = @transform_5, window_bounds = array<i64: 256>}, {transform_indices = @transform_6, window_bounds = array<i64: 1024>}, {pipeline_mode = #tpu.pipeline_mode<synchronous>, transform_indices = @transform_7, window_bounds = array<i64: 8, 256>}]} {
    %get3A = arith.constant 0 : index
    %get3A_0 = vector.load %arg4[%get3A] : memref<1024xf32, #tpu.memory_space<vmem>>, vector<1024xf32>
    %broadcast_in_dim3A = vector.shape_cast %get3A_0 : vector<1024xf32> to vector<1024x1xf32>
    %get3A_1 = arith.constant 0 : index
    %get3A_2 = arith.constant 0 : index
    %get3A_3 = vector.load %arg1[%get3A_1, %get3A_2] : memref<1024x128xbf16, #tpu.memory_space<vmem>>, vector<1024x128xbf16>
    %convert_element_type3A = arith.extf %get3A_3 : vector<1024x128xbf16> to vector<1024x128xf32>
    %get3A_4 = arith.constant 0 : index
    %get3A_5 = arith.constant 0 : index
    %get3A_6 = vector.load %arg2[%get3A_4, %get3A_5] : memref<1024x128xbf16, #tpu.memory_space<vmem>>, vector<1024x128xbf16>
    %convert_element_type3A_7 = arith.extf %get3A_6 : vector<1024x128xbf16> to vector<1024x128xf32>
    %add3A = arith.addf %convert_element_type3A, %convert_element_type3A_7 : vector<1024x128xf32>
    %get3A_8 = arith.constant 0 : index
    %get3A_9 = arith.constant 0 : index
    %get3A_10 = vector.load %arg3[%get3A_8, %get3A_9] : memref<1024x128xbf16, #tpu.memory_space<vmem>>, vector<1024x128xbf16>
    %convert_element_type3A_11 = arith.extf %get3A_10 : vector<1024x128xbf16> to vector<1024x128xf32>
    %sub3A = arith.subf %add3A, %convert_element_type3A_11 : vector<1024x128xf32>
    %mul3A = vector.broadcast %broadcast_in_dim3A : vector<1024x1xf32> to vector<1024x128xf32>
    %mul3A_12 = arith.mulf %mul3A, %sub3A : vector<1024x128xf32>
    %get3A_13 = arith.constant 0 : index
    %get3A_14 = arith.constant 0 : index
    %get3A_15 = vector.load %arg5[%get3A_13, %get3A_14] : memref<128x256xf32, #tpu.memory_space<vmem>>, vector<128x256xf32>
    %dot_general3A = arith.constant dense<0.000000e+00> : vector<1024x256xf32>
    %dot_general3A_16 = tpu.matmul %mul3A_12, %get3A_15, %dot_general3A {dimension_numbers = #tpu.dot_dimension_numbers<[1], [0], [0], [1], [0, 0, 1, 1], [], []>, transpose_lhs_hint = false} : vector<1024x128xf32>, vector<128x256xf32>, vector<1024x256xf32> -> vector<1024x256xf32>
    %get3A_17 = arith.constant 0 : index
    %get3A_18 = vector.load %arg6[%get3A_17] : memref<256xf32, #tpu.memory_space<vmem>>, vector<256xf32>
    %broadcast_in_dim3A_19 = vector.shape_cast %get3A_18 : vector<256xf32> to vector<1x256xf32>
    %add3A_20 = vector.broadcast %broadcast_in_dim3A_19 : vector<1x256xf32> to vector<1024x256xf32>
    %add3A_21 = arith.addf %dot_general3A_16, %add3A_20 : vector<1024x256xf32>
    %max3A = arith.constant 0.000000e+00 : f32
    %max3A_22 = vector.broadcast %max3A : f32 to vector<1024x256xf32>
    %max3A_23 = arith.maximumf %add3A_21, %max3A_22 : vector<1024x256xf32>
    %iota3A = tpu.iota {dimensions = array<i32: 0>} : vector<8x1024xi32>
    %get3A_24 = arith.constant 0 : index
    %get3A_25 = vector.load %arg7[%get3A_24] : memref<1024xi32, #tpu.memory_space<vmem>>, vector<1024xi32>
    %broadcast_in_dim3A_26 = vector.shape_cast %get3A_25 : vector<1024xi32> to vector<1x1024xi32>
    %eq3A = vector.broadcast %broadcast_in_dim3A_26 : vector<1x1024xi32> to vector<8x1024xi32>
    %eq3A_27 = arith.cmpi eq, %iota3A, %eq3A : vector<8x1024xi32>
    %convert_element_type3A_28 = arith.extui %eq3A_27 : vector<8x1024xi1> to vector<8x1024xi32>
    %convert_element_type3A_29 = arith.sitofp %convert_element_type3A_28 : vector<8x1024xi32> to vector<8x1024xf32>
    %dot_general3A_30 = arith.constant dense<0.000000e+00> : vector<8x256xf32>
    %dot_general3A_31 = tpu.matmul %convert_element_type3A_29, %max3A_23, %dot_general3A_30 {dimension_numbers = #tpu.dot_dimension_numbers<[1], [0], [0], [1], [0, 0, 1, 1], [], []>, transpose_lhs_hint = false} : vector<8x1024xf32>, vector<1024x256xf32>, vector<8x256xf32> -> vector<8x256xf32>
    %reduce_sum3A = arith.constant dense<0.000000e+00> : vector<8xf32>
    %reduce_sum3A_32 = vector.multi_reduction <add>, %convert_element_type3A_29, %reduce_sum3A [1] : vector<8x1024xf32> to vector<8xf32>
    %broadcast_in_dim3A_33 = vector.shape_cast %reduce_sum3A_32 : vector<8xf32> to vector<8x1xf32>
    %eq3A_34 = arith.constant 0 : i32
    %eq3A_35 = arith.cmpi eq, %arg0, %eq3A_34 : i32
    %convert_element_type3A_36 = arith.extui %eq3A_35 : i1 to i32
    %cond3A = arith.constant 0 : i32
    %cond3A_37 = arith.cmpi ne, %convert_element_type3A_36, %cond3A : i32
    scf.if %cond3A_37 {
      %swap3A = arith.constant 0 : index
      %swap3A_47 = arith.constant 0 : index
      %swap3A_48 = vector.load %arg9[%swap3A, %swap3A_47] : memref<8x256xf32, #tpu.memory_space<vmem>>, vector<8x256xf32>
      tpu.vector_store %arg9[%swap3A, %swap3A_47], %dot_general3A_31 {strides = array<i32>} : memref<8x256xf32, #tpu.memory_space<vmem>>, vector<8x256xf32>,
      %broadcast_in_dim3A_49 = vector.shape_cast %broadcast_in_dim3A_33 : vector<8x1xf32> to vector<8x1xf32>
      %broadcast_in_dim3A_50 = vector.broadcast %broadcast_in_dim3A_49 : vector<8x1xf32> to vector<8x256xf32>
      %swap3A_51 = arith.constant 0 : index
      %swap3A_52 = arith.constant 0 : index
      %swap3A_53 = vector.load %arg10[%swap3A_51, %swap3A_52] : memref<8x256xf32, #tpu.memory_space<vmem>>, vector<8x256xf32>
      tpu.vector_store %arg10[%swap3A_51, %swap3A_52], %broadcast_in_dim3A_50 {strides = array<i32>} : memref<8x256xf32, #tpu.memory_space<vmem>>, vector<8x256xf32>,
    } else {
    }
    %gt3A = arith.constant 0 : i32
    %gt3A_38 = arith.cmpi sgt, %arg0, %gt3A : i32
    %convert_element_type3A_39 = arith.extui %gt3A_38 : i1 to i32
    %cond3A_40 = arith.constant 0 : i32
    %cond3A_41 = arith.cmpi ne, %convert_element_type3A_39, %cond3A_40 : i32
    scf.if %cond3A_41 {
      %get3A_47 = arith.constant 0 : index
      %get3A_48 = arith.constant 0 : index
      %get3A_49 = vector.load %arg9[%get3A_47, %get3A_48] : memref<8x256xf32, #tpu.memory_space<vmem>>, vector<8x256xf32>
      %add3A_50 = arith.addf %get3A_49, %dot_general3A_31 : vector<8x256xf32>
      %swap3A = arith.constant 0 : index
      %swap3A_51 = arith.constant 0 : index
      %swap3A_52 = vector.load %arg9[%swap3A, %swap3A_51] : memref<8x256xf32, #tpu.memory_space<vmem>>, vector<8x256xf32>
      tpu.vector_store %arg9[%swap3A, %swap3A_51], %add3A_50 {strides = array<i32>} : memref<8x256xf32, #tpu.memory_space<vmem>>, vector<8x256xf32>,
      %get3A_53 = arith.constant 0 : index
      %get3A_54 = arith.constant 0 : index
      %get3A_55 = vector.load %arg10[%get3A_53, %get3A_54] : memref<8x256xf32, #tpu.memory_space<vmem>>, vector<8x256xf32>
      %broadcast_in_dim3A_56 = vector.shape_cast %broadcast_in_dim3A_33 : vector<8x1xf32> to vector<8x1xf32>
      %broadcast_in_dim3A_57 = vector.broadcast %broadcast_in_dim3A_56 : vector<8x1xf32> to vector<8x256xf32>
      %add3A_58 = arith.addf %get3A_55, %broadcast_in_dim3A_57 : vector<8x256xf32>
      %swap3A_59 = arith.constant 0 : index
      %swap3A_60 = arith.constant 0 : index
      %swap3A_61 = vector.load %arg10[%swap3A_59, %swap3A_60] : memref<8x256xf32, #tpu.memory_space<vmem>>, vector<8x256xf32>
      tpu.vector_store %arg10[%swap3A_59, %swap3A_60], %add3A_58 {strides = array<i32>} : memref<8x256xf32, #tpu.memory_space<vmem>>, vector<8x256xf32>,
    } else {
    }
    %eq3A_42 = arith.constant 9 : i32
    %eq3A_43 = arith.cmpi eq, %arg0, %eq3A_42 : i32
    %convert_element_type3A_44 = arith.extui %eq3A_43 : i1 to i32
    %cond3A_45 = arith.constant 0 : i32
    %cond3A_46 = arith.cmpi ne, %convert_element_type3A_44, %cond3A_45 : i32
    scf.if %cond3A_46 {
      %get3A_47 = arith.constant 0 : index
      %get3A_48 = arith.constant 0 : index
      %get3A_49 = vector.load %arg9[%get3A_47, %get3A_48] : memref<8x256xf32, #tpu.memory_space<vmem>>, vector<8x256xf32>
      %get3A_50 = arith.constant 0 : index
      %get3A_51 = arith.constant 0 : index
      %get3A_52 = vector.load %arg10[%get3A_50, %get3A_51] : memref<8x256xf32, #tpu.memory_space<vmem>>, vector<8x256xf32>
      %max3A_53 = arith.constant 1.000000e+00 : f32
      %max3A_54 = vector.broadcast %max3A_53 : f32 to vector<8x256xf32>
      %max3A_55 = arith.maximumf %get3A_52, %max3A_54 : vector<8x256xf32>
      %div3A = arith.divf %get3A_49, %max3A_55 : vector<8x256xf32>
      %swap3A = arith.constant 0 : index
      %swap3A_56 = arith.constant 0 : index
      %swap3A_57 = vector.load %arg8[%swap3A, %swap3A_56] : memref<8x256xf32, #tpu.memory_space<vmem>>, vector<8x256xf32>
      tpu.vector_store %arg8[%swap3A, %swap3A_56], %div3A {strides = array<i32>} : memref<8x256xf32, #tpu.memory_space<vmem>>, vector<8x256xf32>,
    } else {
    }
    return
  }
  func.func @transform_0(%arg0: i32) -> (i32, i32) {
    %c0_i32 = arith.constant 0 : i32
    %c0_i32_0 = arith.constant 0 : i32
    return %arg0, %c0_i32 : i32, i32
  }
  func.func @transform_1(%arg0: i32) -> (i32, i32) {
    %c0_i32 = arith.constant 0 : i32
    %c0_i32_0 = arith.constant 0 : i32
    return %arg0, %c0_i32 : i32, i32
  }
  func.func @transform_2(%arg0: i32) -> (i32, i32) {
    %c0_i32 = arith.constant 0 : i32
    %c0_i32_0 = arith.constant 0 : i32
    return %arg0, %c0_i32 : i32, i32
  }
  func.func @transform_3(%arg0: i32) -> i32 {
    %c0_i32 = arith.constant 0 : i32
    return %arg0 : i32
  }
  func.func @transform_4(%arg0: i32) -> (i32, i32) {
    %c0_i32 = arith.constant 0 : i32
    %c0_i32_0 = arith.constant 0 : i32
    %c0_i32_1 = arith.constant 0 : i32
    return %c0_i32, %c0_i32_0 : i32, i32
  }
  func.func @transform_5(%arg0: i32) -> i32 {
    %c0_i32 = arith.constant 0 : i32
    %c0_i32_0 = arith.constant 0 : i32
    return %c0_i32 : i32
  }
  func.func @transform_6(%arg0: i32) -> i32 {
    %c0_i32 = arith.constant 0 : i32
    return %arg0 : i32
  }
  func.func @transform_7(%arg0: i32) -> (i32, i32) {
    %c0_i32 = arith.constant 0 : i32
    %c0_i32_0 = arith.constant 0 : i32
    %c0_i32_1 = arith.constant 0 : i32
    return %c0_i32, %c0_i32_0 : i32, i32
  }
}

</mosaic_0001>

<sc_bundles>
// kernel: kernel.10.cloned.1.call-start
scs
__scs_entry_jumppad:
0x0: {  	(pc) =	sbr.rel $0x88, $3  }
0x1: {  	(tag) =	ssettag $0x0;
	lr =	simm.s32 $0x1  }
0x2: {  	[smem:$0x3F98] =	sst lr;
	_ =	strace $0xD0000000  }
0x3: {  	_ = 	snop  }
0x4: {  	_ = 	snop  }
0x5: {  	_ = 	snop  }
0x6: {  	_ = 	snop  }
0x7: {  	_ = 	snop  }
__scs_overlays_trampoline_lowered:
0x8: {  	[smem:$0x3FA7] =	sst s0  }
0x9: {  	[smem:$0x3FA8] =	sst s1  }
0xa: {  	[smem:$0x3FA9] =	sst s2  }
0xb: {  	[smem:$0x3FAA] =	sst s3  }
0xc: {  	[smem:$0x3FAB] =	sst s4  }
0xd: {  	[smem:$0x3FAC] =	sst s5  }
0xe: {  	[smem:$0x3FAD] =	sst s6  }
0xf: {  	[smem:$0x3FAE] =	sst s7  }
0x10: {  	[smem:$0x3FAF] =	sst s8  }
0x11: {  	[smem:$0x3FB0] =	sst s9;
	s0 =	simm.s32 @!p0 $0x0  }
0x12: {  	s1 =	sld [smem:$0x3F96];
	s0 =	simm.s32 @p0 $0x1  }
0x13: {  	[smem:$0x3FB1] =	sst s0;
	s0 =	simm.s32 @!p1 $0x0  }
0x14: {  	s2 =	sld [smem:$0x3F95];
	s0 =	simm.s32 @p1 $0x1  }
0x15: {  	[smem:$0x3FB2] =	sst s0;
	s0 =	simm.s32 @!p2 $0x0  }
0x16: {  	s3 =	sld [smem:$0x3FDB];
	s0 =	simm.s32 @p2 $0x1  }
0x17: {  	s4 =	simm.s32 $0x1BF5;
	[smem:$0x3FB4] =	sst s0  }
0x18: {  	s0 =	sld [smem:$0x3F97];
	_ =	swait.ge [sflag:s4], $0x0  }
0x19: {  	s7 =	sld [smem:$0x3F98]  }
0x1a: {  	s8 =	sadd.s32 $0xFFFFE003, lr  }
0x1b: {  	s9 =	sadd.s32 $0xFFFFFEF7, lr;
	s5 =	simm.s32 $0xFFFFFFFF;
	p2 =	slt.u32 s8, $0xFFFFF086  }
0x1c: {  	p1 =	slt.u32 s9, $0xF7A;
	s5 =	simm.s32 @!p2 $0x0  }
0x1d: {  	s5 =	simm.s32 @p1 $0x1;
	p0 =	seq.s32 s7, s2  }
0x1e: {  	s7 =	smul.u32 @!p0 $0xF7A, s2;
	p2 =	seq.s32 @!p0 s5, $0x0  }
0x1f: {  	s9 =	smul.u32 $0xF7A, s1;
	s8 =	simm.s32 @!p0 $0x1BF5;
	p2 =	por !p2, p0  }
0x20: {  	[sflag:s8] =	ssyncset.s32 @!p0 $0xFFFFF086;
	s6 =	sadd.s32 @!p0 s3, s7;
	s7 =	simm.s32 @!p0 $0x108  }
0x21: {  	s3 =	sadd.s32 s3, s9;
	s6 =	sadd.s32 @!p0 $0x88, s6;
	s7 =	simm.s32 @p2 $0x1082  }
0x22: {  	[simem:s7], [sflag:s8] =	dma.local @!p0 [hbm:s6], $0xF7A  }
0x23: {  	s9 =	sor.u32 $0xD0000000, s2;
	s6 =	simm.s32 $0x108;
	_ =	swait.ge @!p0 [sflag:s8], $0x0  }
0x24: {  	s3 =	sadd.s32 $0x88, s3;
	s6 =	simm.s32 @!p1 $0x1082;
	[sflag:s4] =	ssyncset.s32 $0xFFFFF086  }
0x25: {  	[simem:s6], [sflag:s4] =	dma.local [hbm:s3], $0xF7A  }
0x26: {  	[smem:$0x3F98] =	sst s1;
	(tag) =	ssettag s2;
	_ =	strace s9  }
0x27: {  	s1 =	sld [smem:$0x3FA8]  }
0x28: {  	s2 =	sld [smem:$0x3FA9]  }
0x29: {  	s4 =	sld [smem:$0x3FAB]  }
0x2a: {  	p0 =	seq.s32 s5, $0x0;
	s5 =	sld [smem:$0x3FAC]  }
0x2b: {  	s6 =	sld [smem:$0x3FAD]  }
0x2c: {  	s7 =	sld [smem:$0x3FAE]  }
0x2d: {  	s3 =	simm.s32 $0x108;
	s8 =	sld [smem:$0x3FAF]  }
0x2e: {  	s3 =	simm.s32 @!p0 $0x1082;
	s9 =	sld [smem:$0x3FB0]  }
0x2f: {  	lr =	sadd.s32 s0, s3;
	s0 =	sld [smem:$0x3FA7]  }
0x30: {  	s3 =	sld [smem:$0x3FAA]  }
0x31: {  	[smem:$0x3FB3] =	sst s10  }
0x32: {  	s10 =	sld [smem:$0x3FB1];
	_ =	sdelay $0x3  }
0x33: {  	p0 =	seq.s32 s10, $0x1;
	s10 =	sld [smem:$0x3FB3];
	_ =	sdelay $0x3  }
0x34: {  	[smem:$0x3FB3] =	sst s10  }
0x35: {  	s10 =	sld [smem:$0x3FB2];
	_ =	sdelay $0x3  }
0x36: {  	p1 =	seq.s32 s10, $0x1;
	s10 =	sld [smem:$0x3FB3];
	_ =	sdelay $0x3  }
0x37: {  	[smem:$0x3FB3] =	sst s10  }
0x38: {  	s10 =	sld [smem:$0x3FB4]  }
0x39: {  	_ = 	snop;
	(pc) =	sbr.ind lr, $3  }
0x3a: {  	_ = 	snop  }
0x3b: {  	_ = 	snop  }
0x3c: {  	p2 =	seq.s32 s10, $0x1;
	s10 =	sld [smem:$0x3FB3]  }
0x3d: {  	_ =	shalt  }
0x3e: {  	_ =	shalt  }
0x3f: {  	_ =	shalt  }
0x40: {  	_ =	shalt  }
0x41: {  	_ =	shalt  }
0x42: {  	_ =	shalt  }
0x43: {  	_ =	shalt  }
0x44: {  	_ =	shalt  }
0x45: {  	_ =	shalt  }
0x46: {  	_ =	shalt  }
0x47: {  	_ =	shalt  }
0x48: {  	_ =	shalt  }
0x49: {  	_ =	shalt  }
0x4a: {  	_ =	shalt  }
0x4b: {  	_ =	shalt  }
0x4c: {  	_ =	shalt  }
0x4d: {  	_ =	shalt  }
0x4e: {  	_ =	shalt  }
0x4f: {  	_ =	shalt  }
0x50: {  	_ =	shalt  }
0x51: {  	_ =	shalt  }
0x52: {  	_ =	shalt  }
0x53: {  	_ =	shalt  }
0x54: {  	_ =	shalt  }
0x55: {  	_ =	shalt  }
0x56: {  	_ =	shalt  }
0x57: {  	_ =	shalt  }
0x58: {  	_ =	shalt  }
0x59: {  	_ =	shalt  }
0x5a: {  	_ =	shalt  }
0x5b: {  	_ =	shalt  }
0x5c: {  	_ =	shalt  }
0x5d: {  	_ =	shalt  }
0x5e: {  	_ =	shalt  }
0x5f: {  	_ =	shalt  }
0x60: {  	_ =	shalt  }
0x61: {  	_ =	shalt  }
0x62: {  	_ =	shalt  }
0x63: {  	_ =	shalt  }
0x64: {  	_ =	shalt  }
0x65: {  	_ =	shalt  }
0x66: {  	_ =	shalt  }
0x67: {  	_ =	shalt  }
0x68: {  	_ =	shalt  }
0x69: {  	_ =	shalt  }
0x6a: {  	_ =	shalt  }
0x6b: {  	_ =	shalt  }
0x6c: {  	_ =	shalt  }
0x6d: {  	_ =	shalt  }
0x6e: {  	_ =	shalt  }
0x6f: {  	_ =	shalt  }
0x70: {  	_ =	shalt  }
0x71: {  	_ =	shalt  }
0x72: {  	_ =	shalt  }
0x73: {  	_ =	shalt  }
0x74: {  	_ =	shalt  }
0x75: {  	_ =	shalt  }
0x76: {  	_ =	shalt  }
0x77: {  	_ =	shalt  }
0x78: {  	_ =	shalt  }
0x79: {  	_ =	shalt  }
0x7a: {  	_ =	shalt  }
0x7b: {  	_ =	shalt  }
0x7c: {  	_ =	shalt  }
0x7d: {  	_ =	shalt  }
0x7e: {  	_ =	shalt  }
0x7f: {  	_ =	shalt  }
0x80: {  	_ =	shalt  }
0x81: {  	_ =	shalt  }
0x82: {  	_ =	shalt  }
0x83: {  	_ =	shalt  }
0x84: {  	_ =	shalt  }
0x85: {  	_ =	shalt  }
0x86: {  	_ =	shalt  }
0x87: {  	_ =	shalt  }
.Lfunc_end0:
.L_simem_size_0:
called_computation_lowered:
.L_overlay_start_0:
0x88: {  	s2 =	sld [smem:$0x3FD9]  }
0x89: {  	s3 =	sld [smem:$0x3FFE];
	_ =	sdelay $0x1  }
0x8a: {  	s1 =	srdreg.scid  }
0x8b: {  	s0 =	sand.u32 $0x1, s1  }
0x8c: {  	s16 =	sshll.u32 s0, $0xA;
	s2 =	sadd.s32 s3, s2  }
0x8d: {  	s2 =	sadd.s32 s2, s16  }
0x8e: {  	[smem:$0x3FBF] =	sst s2  }
0x8f: {  	_ = 	snop  }
0x90: {  	(tm) =	ssettm $0x1  }
0x91: {  	s17 =	sld [smem:$0x3FFB];
	_ =	sdelay $0x3  }
0x92: {  	_ =	strace s17  }
0x93: {  	s2 =	sld [smem:$0x3FFC];
	_ =	sdelay $0x3  }
0x94: {  	_ =	strace s2  }
0x95: {  	s2 =	sld [smem:$0x3FFD];
	_ =	sdelay $0x3  }
0x96: {  	_ =	strace s2  }
0x97: {  	_ =	strace $0x8FFFFFFF  }
0x98: {  	s18 =	sld [smem:$0x3FDB];
	_ =	sdelay $0x1  }
0x99: {  	s19 =	simm.s32 $_scs_section_size  }
0x9a: {  	s4 =	simm.s32 $_size__tile_overlayer_lowered;
	s5 =	simm.s32 $_tile_overlayer_lowered  }
0x9b: {  	s22 =	simm.s32 $0x1BFF;
	s21 =	sshll.u32 s5, $0x1;
	s2 =	sadd.s32 s19, s18  }
0x9c: {  	s6 =	simm.s32 $0x0;
	s20 =	sshll.u32 s4, $0x1;
	s4 =	sadd.s32 s21, s2  }
0x9d: {  	[timem:s6], [sflag:s22] =	dma.local [hbm:s4], s20  }
0x9e: {  	_ =	swait.ge [sflag:s22], s20  }
0x9f: {  	s3 =	ssub.s32 $0x0, s20;
	[sflag:s22] =	ssyncset.done $0x0  }
0xa0: {  	[sflag:s22] =	ssyncadd.s32 s3;
	_ =	sdelay $0x1  }
0xa1: {  	s23 =	simm.s32 $0x1B8B  }
0xa2: {  	_ =	swait.ge [sflag:s23], $0x1  }
0xa3: {  	[sflag:s23] =	ssyncset.done $0x0  }
0xa4: {  	s25 =	simm.s32 $0x1B8E;
	s24 =	sld [smem:$0x3FFE];
	[sflag:s23] =	ssyncadd.s32 $0xFFFFFFFF  }
0xa5: {  	s26 =	simm.s32 $execute0_lowered;
	[smem:$0x3FD2] =	sst s25  }
0xa6: {  	s4 =	sshll.u32 s26, $0x1;
	_ =	strace $0x80000046;
	[dreg:$0x1] =	wrdreg $0xFFFFFFFF  }
0xa7: {  	s28 =	simm.s32 $_size_execute0_lowered;
	s2 =	sadd.s32 s2, s4;
	[dreg:$0x0] =	wrdreg $0x0  }
0xa8: {  	s4 =	sshll.u32 s28, $0x1;
	[dreg:$0x2] =	wrdreg s2  }
0xa9: {  	[dreg:$0x3] =	wrdreg s4  }
0xaa: {  	[dreg:$0x4] =	wrdreg $0xC0  }
0xab: {  	_ =	task [dreg:s6], $0x5FFFF  }
0xac: {  	[dreg:$0x1] =	wrdreg $0xFFFFFFFF  }
0xad: {  	[dreg:$0x0] =	wrdreg $0x60  }
0xae: {  	[dreg:$0x2] =	wrdreg s24  }
0xaf: {  	[dreg:$0x3] =	wrdreg $0x9  }
0xb0: {  	_ =	task.clear_ibuf [dreg:s6], $0x4FFFF;
	_ =	strace $0x90000046  }
0xb1: {  	s29 =	simm.s32 $0x9;
	_ =	strace $0x80000048  }
0xb2: {  	_ =	swait.ge [sflag:s29], $0x1  }
0xb3: {  	[sflag:s29] =	ssyncadd.s32 $0xFFFFFFFF  }
0xb4: {  	_ =	strace $0x90000048  }
0xb5: {  	_ =	sfence  }
0xb6: {  	s30 =	sld [smem:$0x0];
	_ =	sdelay $0x2  }
0xb7: {  	s31 =	sshll.u32 s1, $0xD;
	s1 =	sshrl.u32 s1, $0x2  }
0xb8: {  	s3 =	sand.u32 $0x4000, s31;
	s1 =	sadd.s32 s1, s30  }
0xb9: {  	s0 =	sor.u32 s3, s0;
	s1 =	sshll.u32 s1, $0x11  }
0xba: {  	s0 =	sor.u32 s1, s0  }
0xbb: {  	s0 =	sadd.s32 $0x8F2B, s0  }
0xbc: {  	[sflag:s0] =	ssyncadd.remote.s32 $0x1  }
0xbd: {  	_ =	sfence.sel $0xFFFF  }
0xbe: {  	[dreg:$0x0] =	wrdreg $0xFFFFFFFF;
	(pc) =	sbr.abs _section_cstart, $3  }
0xbf: {  	[dreg:$0x1] =	wrdreg $0xFFFFFFFF  }
0xc0: {  	_ =	task.clear_ibuf [dreg:s6], $0x2FFFF;
	_ =	strace $0x9FFFFFFF  }
0xc1: {  	(tm) =	ssettm $0x7FFFFFFF  }
tec
execute0_lowered:
.L_overlay_start_1:
0x0: {  	(tag) =	ssettag $0x1  }
0x1: {  	s0 =	srdreg.scid  }
0x2: {  	s3 =	sand.u32 $0x1, s0  }
0x3: {  	s0 =	stileid.u32;
	s1 =	sshll.u32 s3, $0x4  }
0x4: {  	s4 =	rddreg [dreg:$0x0];
	s8 =	simm.s32 $0x1;
	s2 =	sor.u32 s0, s1  }
0x5: {  	s9 =	simm.s32 $0x2780;
	s6 =	sshll.u32 s0, $0x7;
	s5 =	sshrl.u32 s2, $0x3  }
0x6: {  	s3 =	ssub.s32 $0x2, s3;
	s1 =	rddreg [dreg:$0x1];
	s7 =	smul.u32 $0x13C00, s5  }
0x7: {  	s30 =	sshrl.u32 s3, $0x1;
	s2 =	simm.s32 $0x0;
	s5 =	smul.u32 $0x14000, s5  }
0x8: {  	s6 =	sand.u32 $0x380, s6;
	s31 =	ssub.s32 s3, s30;
	[smem:$0x7FF] =	sst s2  }
0x9: {  	_ =	strace $0x80000047;
	s7 =	sor.u32 s6, s7;
	s5 =	sor.u32 s6, s5  }
0xa: {  	s6 =	simm.s32 $0x80;
	s7 =	sshrl.u32 s7, $0x3;
	s5 =	sshrl.u32 s5, $0x3  }
0xb: {  	s29 =	sadd.s32 s7, s4;
	s4 =	sadd.s32 s5, s4;
	s5 =	smax.u32 s31, $0x1  }
0xc: {  	v0 =	vimm.f32 $0.0e+00;
	v1 =	vimm.f32 $1.000000000e+00;
	s7 =	simm.s32 $0x400;
	s3 =	sadd.s32 $0x2A00, s29;
	s4 =	sadd.s32 $0xC800, s4  }
.LBB2_1:
0xd: {  	s10 =	simm.s32 $0x40;
	s11 =	simm.s32 $0x0  }
.LBB2_2:
0xe: {  	p0 =	sne.s32 s10, $0x9FC0;
	[tilespmem:s11+$0x2780] =	vst v0;
	s11 =	smov.u32 s10;
	s10 =	sadd.s32 $0x40, s10  }
.Ltmp0:
0xf: {  	(pc) =	sbr.rel @p0 .LBB2_2-.Ltmp0, $2  }
0x10: {  	_ =	sdelay $0x2  }
0x11: {  	s11 =	sshra.s32 s11, $0x2  }
0x12: {  	[tilespmem:s11+$0x2780] =	vst v0;
	s10 =	simm.s32 $0x0  }
0x13: {  	[tilespmem:s10], [sflag:$0x1] =	stream.strided.gather [hbm4b:s3+s6], $0x2780, s7, s6, $0x38;
	[tilespmem:$0x4F80] =	vst v63  }
0x14: {  	_ =	swait.ge [sflag:s8], $0x2780  }
0x15: {  	[sflag:s8] =	ssyncset.done $0x0  }
0x16: {  	s11 =	simm.s32 $0x0;
	s10 =	simm.s32 $0x40;
	[sflag:s8] =	ssyncadd.s32 $0xFFFFD880  }
.LBB2_4:
0x17: {  	p0 =	sne.s32 s10, $0x9C00;
	v2 =	vld [tilespmem:s11+$0x0];
	_ =	sdelay $0x3  }
.Ltmp1:
0x18: {  	(pc) =	sbr.rel @p0 .LBB2_4-.Ltmp1, $2  }
0x19: {  	_ =	sdelay $0x2  }
0x1a: {  	s11 =	sshra.s32 s10, $0x2;
	s10 =	sadd.s32 $0x40, s10;
	[tilespmem:v2+s9+$0x0] =	vst.idx.add.f32.msk $0xffff, v1  }
0x1b: {  	v2 =	vld [tilespmem:s11+$0x0];
	_ =	sdelay $0x5  }
0x1c: {  	s2 =	sadd.s32 $0x1, s2  }
0x1d: {  	p0 =	sne.s32 s2, s5  }
.Ltmp2:
0x1e: {  	[tilespmem:v2+s9+$0x0] =	vst.idx.add.f32.msk $0xffff, v1;
	(pc) =	sbr.rel @p0 .LBB2_1-.Ltmp2, $4  }
0x1f: {  	[hbm4b:s4+s6] =	stream.strided.scatter [tilespmem:s9], [sflag:$0x1], $0x2800, s7, s6, $0x38;
	[tilespmem:$0x4F80] =	vst v63  }
0x20: {  	_ =	swait.ge [sflag:s8], $0x2800  }
0x21: {  	[sflag:s8] =	ssyncset.done $0x0  }
0x22: {  	[sflag:s8] =	ssyncadd.s32 $0xFFFFD800  }
0x23: {  	_ =	sfence.sel $0x180000  }
0x24: {  	[bflag:$0x0] =	sbarrier.arrive $0xFFFF  }
0x25: {  	p0 =	sne.s32 s0, $0x0;
	_ =	strace $0x90000047  }
0x26: {  	s0 =	sadd.s32 @!p0 $0x100000, s1;
	[bflag:$0x2] =	sbarrier.arrive $0xFFFF  }
0x27: {  	[sflag:s0] =	ssyncadd.tile.s32 @!p0 $0x1;
	_ =	shalt  }
.Lfunc_end2:
_tile_overlayer_lowered:
.L_overlay_start_2:
0x28: {  	(tag) =	ssettag $0x2  }
0x29: {  	s0 =	rddreg [dreg:$0x0];
	s2 =	stileid.u32  }
0x2a: {  	s1 =	rddreg [dreg:$0x1];
	p0 =	sne.s32 s2, $0x0  }
0x2b: {  	s3 =	rddreg [dreg:$0x2];
	[bflag:$0x3] =	sbarrier.arrive $0xFFFF;
	s2 =	simm.s32 @!p0 $0x1C01  }
0x2c: {  	[timem:s3], [sflag:s2] =	dma.local @!p0 [hbm:s0], s1  }
0x2d: {  	s0 =	simm.s32 @!p0 $0x1  }
0x2e: {  	_ =	swait.ge @!p0 [sflag:s0], s1  }
0x2f: {  	s1 =	ssub.s32 @!p0 $0x0, s1;
	[sflag:s0] =	ssyncset.done @!p0 $0x0  }
0x30: {  	[sflag:s0] =	ssyncadd.s32 @!p0 s1  }
0x31: {  	[bflag:$0x3] =	sbarrier.arrive $0xFFFF  }
0x32: {  	_ =	shalt  }

// kernel: kernel.13.cloned.1.call-start
scs
__scs_entry_jumppad:
0x0: {  	(pc) =	sbr.rel $0x88, $3  }
0x1: {  	(tag) =	ssettag $0x0;
	lr =	simm.s32 $0x1  }
0x2: {  	[smem:$0x3F98] =	sst lr;
	_ =	strace $0xD0000000  }
0x3: {  	_ = 	snop  }
0x4: {  	_ = 	snop  }
0x5: {  	_ = 	snop  }
0x6: {  	_ = 	snop  }
0x7: {  	_ = 	snop  }
__scs_overlays_trampoline_lowered:
0x8: {  	[smem:$0x3FA7] =	sst s0  }
0x9: {  	[smem:$0x3FA8] =	sst s1  }
0xa: {  	[smem:$0x3FA9] =	sst s2  }
0xb: {  	[smem:$0x3FAA] =	sst s3  }
0xc: {  	[smem:$0x3FAB] =	sst s4  }
0xd: {  	[smem:$0x3FAC] =	sst s5  }
0xe: {  	[smem:$0x3FAD] =	sst s6  }
0xf: {  	[smem:$0x3FAE] =	sst s7  }
0x10: {  	[smem:$0x3FAF] =	sst s8  }
0x11: {  	[smem:$0x3FB0] =	sst s9;
	s0 =	simm.s32 @!p0 $0x0  }
0x12: {  	s1 =	sld [smem:$0x3F96];
	s0 =	simm.s32 @p0 $0x1  }
0x13: {  	[smem:$0x3FB1] =	sst s0;
	s0 =	simm.s32 @!p1 $0x0  }
0x14: {  	s2 =	sld [smem:$0x3F95];
	s0 =	simm.s32 @p1 $0x1  }
0x15: {  	[smem:$0x3FB2] =	sst s0;
	s0 =	simm.s32 @!p2 $0x0  }
0x16: {  	s3 =	sld [smem:$0x3FDB];
	s0 =	simm.s32 @p2 $0x1  }
0x17: {  	s4 =	simm.s32 $0x1BF5;
	[smem:$0x3FB4] =	sst s0  }
0x18: {  	s0 =	sld [smem:$0x3F97];
	_ =	swait.ge [sflag:s4], $0x0  }
0x19: {  	s7 =	sld [smem:$0x3F98]  }
0x1a: {  	s8 =	sadd.s32 $0xFFFFE003, lr  }
0x1b: {  	s9 =	sadd.s32 $0xFFFFFEF7, lr;
	s5 =	simm.s32 $0xFFFFFFFF;
	p2 =	slt.u32 s8, $0xFFFFF086  }
0x1c: {  	p1 =	slt.u32 s9, $0xF7A;
	s5 =	simm.s32 @!p2 $0x0  }
0x1d: {  	s5 =	simm.s32 @p1 $0x1;
	p0 =	seq.s32 s7, s2  }
0x1e: {  	s7 =	smul.u32 @!p0 $0xF7A, s2;
	p2 =	seq.s32 @!p0 s5, $0x0  }
0x1f: {  	s9 =	smul.u32 $0xF7A, s1;
	s8 =	simm.s32 @!p0 $0x1BF5;
	p2 =	por !p2, p0  }
0x20: {  	[sflag:s8] =	ssyncset.s32 @!p0 $0xFFFFF086;
	s6 =	sadd.s32 @!p0 s3, s7;
	s7 =	simm.s32 @!p0 $0x108  }
0x21: {  	s3 =	sadd.s32 s3, s9;
	s6 =	sadd.s32 @!p0 $0x88, s6;
	s7 =	simm.s32 @p2 $0x1082  }
0x22: {  	[simem:s7], [sflag:s8] =	dma.local @!p0 [hbm:s6], $0xF7A  }
0x23: {  	s9 =	sor.u32 $0xD0000000, s2;
	s6 =	simm.s32 $0x108;
	_ =	swait.ge @!p0 [sflag:s8], $0x0  }
0x24: {  	s3 =	sadd.s32 $0x88, s3;
	s6 =	simm.s32 @!p1 $0x1082;
	[sflag:s4] =	ssyncset.s32 $0xFFFFF086  }
0x25: {  	[simem:s6], [sflag:s4] =	dma.local [hbm:s3], $0xF7A  }
0x26: {  	[smem:$0x3F98] =	sst s1;
	(tag) =	ssettag s2;
	_ =	strace s9  }
0x27: {  	s1 =	sld [smem:$0x3FA8]  }
0x28: {  	s2 =	sld [smem:$0x3FA9]  }
0x29: {  	s4 =	sld [smem:$0x3FAB]  }
0x2a: {  	p0 =	seq.s32 s5, $0x0;
	s5 =	sld [smem:$0x3FAC]  }
0x2b: {  	s6 =	sld [smem:$0x3FAD]  }
0x2c: {  	s7 =	sld [smem:$0x3FAE]  }
0x2d: {  	s3 =	simm.s32 $0x108;
	s8 =	sld [smem:$0x3FAF]  }
0x2e: {  	s3 =	simm.s32 @!p0 $0x1082;
	s9 =	sld [smem:$0x3FB0]  }
0x2f: {  	lr =	sadd.s32 s0, s3;
	s0 =	sld [smem:$0x3FA7]  }
0x30: {  	s3 =	sld [smem:$0x3FAA]  }
0x31: {  	[smem:$0x3FB3] =	sst s10  }
0x32: {  	s10 =	sld [smem:$0x3FB1];
	_ =	sdelay $0x3  }
0x33: {  	p0 =	seq.s32 s10, $0x1;
	s10 =	sld [smem:$0x3FB3];
	_ =	sdelay $0x3  }
0x34: {  	[smem:$0x3FB3] =	sst s10  }
0x35: {  	s10 =	sld [smem:$0x3FB2];
	_ =	sdelay $0x3  }
0x36: {  	p1 =	seq.s32 s10, $0x1;
	s10 =	sld [smem:$0x3FB3];
	_ =	sdelay $0x3  }
0x37: {  	[smem:$0x3FB3] =	sst s10  }
0x38: {  	s10 =	sld [smem:$0x3FB4]  }
0x39: {  	_ = 	snop;
	(pc) =	sbr.ind lr, $3  }
0x3a: {  	_ = 	snop  }
0x3b: {  	_ = 	snop  }
0x3c: {  	p2 =	seq.s32 s10, $0x1;
	s10 =	sld [smem:$0x3FB3]  }
0x3d: {  	_ =	shalt  }
0x3e: {  	_ =	shalt  }
0x3f: {  	_ =	shalt  }
0x40: {  	_ =	shalt  }
0x41: {  	_ =	shalt  }
0x42: {  	_ =	shalt  }
0x43: {  	_ =	shalt  }
0x44: {  	_ =	shalt  }
0x45: {  	_ =	shalt  }
0x46: {  	_ =	shalt  }
0x47: {  	_ =	shalt  }
0x48: {  	_ =	shalt  }
0x49: {  	_ =	shalt  }
0x4a: {  	_ =	shalt  }
0x4b: {  	_ =	shalt  }
0x4c: {  	_ =	shalt  }
0x4d: {  	_ =	shalt  }
0x4e: {  	_ =	shalt  }
0x4f: {  	_ =	shalt  }
0x50: {  	_ =	shalt  }
0x51: {  	_ =	shalt  }
0x52: {  	_ =	shalt  }
0x53: {  	_ =	shalt  }
0x54: {  	_ =	shalt  }
0x55: {  	_ =	shalt  }
0x56: {  	_ =	shalt  }
0x57: {  	_ =	shalt  }
0x58: {  	_ =	shalt  }
0x59: {  	_ =	shalt  }
0x5a: {  	_ =	shalt  }
0x5b: {  	_ =	shalt  }
0x5c: {  	_ =	shalt  }
0x5d: {  	_ =	shalt  }
0x5e: {  	_ =	shalt  }
0x5f: {  	_ =	shalt  }
0x60: {  	_ =	shalt  }
0x61: {  	_ =	shalt  }
0x62: {  	_ =	shalt  }
0x63: {  	_ =	shalt  }
0x64: {  	_ =	shalt  }
0x65: {  	_ =	shalt  }
0x66: {  	_ =	shalt  }
0x67: {  	_ =	shalt  }
0x68: {  	_ =	shalt  }
0x69: {  	_ =	shalt  }
0x6a: {  	_ =	shalt  }
0x6b: {  	_ =	shalt  }
0x6c: {  	_ =	shalt  }
0x6d: {  	_ =	shalt  }
0x6e: {  	_ =	shalt  }
0x6f: {  	_ =	shalt  }
0x70: {  	_ =	shalt  }
0x71: {  	_ =	shalt  }
0x72: {  	_ =	shalt  }
0x73: {  	_ =	shalt  }
0x74: {  	_ =	shalt  }
0x75: {  	_ =	shalt  }
0x76: {  	_ =	shalt  }
0x77: {  	_ =	shalt  }
0x78: {  	_ =	shalt  }
0x79: {  	_ =	shalt  }
0x7a: {  	_ =	shalt  }
0x7b: {  	_ =	shalt  }
0x7c: {  	_ =	shalt  }
0x7d: {  	_ =	shalt  }
0x7e: {  	_ =	shalt  }
0x7f: {  	_ =	shalt  }
0x80: {  	_ =	shalt  }
0x81: {  	_ =	shalt  }
0x82: {  	_ =	shalt  }
0x83: {  	_ =	shalt  }
0x84: {  	_ =	shalt  }
0x85: {  	_ =	shalt  }
0x86: {  	_ =	shalt  }
0x87: {  	_ =	shalt  }
.Lfunc_end0:
.L_simem_size_0:
called_computation.1_lowered:
.L_overlay_start_0:
0x88: {  	s2 =	sld [smem:$0x3FD9]  }
0x89: {  	s3 =	sld [smem:$0x3FFE];
	_ =	sdelay $0x1  }
0x8a: {  	s1 =	srdreg.scid  }
0x8b: {  	s0 =	sand.u32 $0x1, s1  }
0x8c: {  	s16 =	sshll.u32 s0, $0xA;
	s2 =	sadd.s32 s3, s2  }
0x8d: {  	s2 =	sadd.s32 s2, s16  }
0x8e: {  	[smem:$0x3FBF] =	sst s2  }
0x8f: {  	_ = 	snop  }
0x90: {  	(tm) =	ssettm $0x1  }
0x91: {  	s17 =	sld [smem:$0x3FFB];
	_ =	sdelay $0x3  }
0x92: {  	_ =	strace s17  }
0x93: {  	s2 =	sld [smem:$0x3FFC];
	_ =	sdelay $0x3  }
0x94: {  	_ =	strace s2  }
0x95: {  	s2 =	sld [smem:$0x3FFD];
	_ =	sdelay $0x3  }
0x96: {  	_ =	strace s2  }
0x97: {  	_ =	strace $0x8FFFFFFF  }
0x98: {  	s18 =	sld [smem:$0x3FDB];
	_ =	sdelay $0x1  }
0x99: {  	s19 =	simm.s32 $_scs_section_size  }
0x9a: {  	s4 =	simm.s32 $_size__tile_overlayer_lowered;
	s5 =	simm.s32 $_tile_overlayer_lowered  }
0x9b: {  	s22 =	simm.s32 $0x1BFF;
	s21 =	sshll.u32 s5, $0x1;
	s2 =	sadd.s32 s19, s18  }
0x9c: {  	s6 =	simm.s32 $0x0;
	s20 =	sshll.u32 s4, $0x1;
	s4 =	sadd.s32 s21, s2  }
0x9d: {  	[timem:s6], [sflag:s22] =	dma.local [hbm:s4], s20  }
0x9e: {  	_ =	swait.ge [sflag:s22], s20  }
0x9f: {  	s3 =	ssub.s32 $0x0, s20;
	[sflag:s22] =	ssyncset.done $0x0  }
0xa0: {  	[sflag:s22] =	ssyncadd.s32 s3;
	_ =	sdelay $0x1  }
0xa1: {  	s23 =	simm.s32 $0x1B8B  }
0xa2: {  	_ =	swait.ge [sflag:s23], $0x1  }
0xa3: {  	[sflag:s23] =	ssyncset.done $0x0  }
0xa4: {  	s25 =	simm.s32 $0x1B8E;
	s24 =	sld [smem:$0x3FFE];
	[sflag:s23] =	ssyncadd.s32 $0xFFFFFFFF  }
0xa5: {  	s26 =	simm.s32 $execute0_lowered;
	[smem:$0x3FD2] =	sst s25  }
0xa6: {  	s4 =	sshll.u32 s26, $0x1;
	_ =	strace $0x80000049;
	[dreg:$0x1] =	wrdreg $0xFFFFFFFF  }
0xa7: {  	s28 =	simm.s32 $_size_execute0_lowered;
	s2 =	sadd.s32 s2, s4;
	[dreg:$0x0] =	wrdreg $0x0  }
0xa8: {  	s4 =	sshll.u32 s28, $0x1;
	[dreg:$0x2] =	wrdreg s2  }
0xa9: {  	[dreg:$0x3] =	wrdreg s4  }
0xaa: {  	[dreg:$0x4] =	wrdreg $0xC0  }
0xab: {  	_ =	task [dreg:s6], $0x5FFFF  }
0xac: {  	[dreg:$0x1] =	wrdreg $0xFFFFFFFF  }
0xad: {  	[dreg:$0x0] =	wrdreg $0x60  }
0xae: {  	[dreg:$0x2] =	wrdreg s24  }
0xaf: {  	[dreg:$0x3] =	wrdreg $0xCF000  }
0xb0: {  	[dreg:$0x4] =	wrdreg $0x9  }
0xb1: {  	_ =	task.clear_ibuf [dreg:s6], $0x5FFFF;
	_ =	strace $0x90000049  }
0xb2: {  	s29 =	simm.s32 $0x9;
	_ =	strace $0x8000004B  }
0xb3: {  	_ =	swait.ge [sflag:s29], $0x1  }
0xb4: {  	[sflag:s29] =	ssyncadd.s32 $0xFFFFFFFF  }
0xb5: {  	_ =	strace $0x9000004B  }
0xb6: {  	_ =	sfence  }
0xb7: {  	s30 =	sld [smem:$0x0];
	_ =	sdelay $0x2  }
0xb8: {  	s31 =	sshll.u32 s1, $0xD;
	s1 =	sshrl.u32 s1, $0x2  }
0xb9: {  	s3 =	sand.u32 $0x4000, s31;
	s1 =	sadd.s32 s1, s30  }
0xba: {  	s0 =	sor.u32 s3, s0;
	s1 =	sshll.u32 s1, $0x11  }
0xbb: {  	s0 =	sor.u32 s1, s0  }
0xbc: {  	s0 =	sadd.s32 $0x8F2B, s0  }
0xbd: {  	[sflag:s0] =	ssyncadd.remote.s32 $0x1  }
0xbe: {  	_ =	sfence.sel $0xFFFF  }
0xbf: {  	[dreg:$0x0] =	wrdreg $0xFFFFFFFF;
	(pc) =	sbr.abs _section_cstart, $3  }
0xc0: {  	[dreg:$0x1] =	wrdreg $0xFFFFFFFF  }
0xc1: {  	_ =	task.clear_ibuf [dreg:s6], $0x2FFFF;
	_ =	strace $0x9FFFFFFF  }
0xc2: {  	(tm) =	ssettm $0x7FFFFFFF  }
0xc3: {  	_ =	shalt  }
tec
execute0_lowered:
.L_overlay_start_1:
0x0: {  	(tag) =	ssettag $0x1  }
0x1: {  	s0 =	srdreg.scid;
	s5 =	rddreg [dreg:$0x0]  }
0x2: {  	s10 =	stileid.u32;
	s2 =	rddreg [dreg:$0x1]  }
0x3: {  	s3 =	simm.s32 $0x0;
	s12 =	simm.s32 $0x11;
	s13 =	simm.s32 $0x2780  }
0x4: {  	s14 =	simm.s32 $0x80;
	s15 =	simm.s32 $0x4F00;
	s28 =	simm.s32 $0x380  }
0x5: {  	s29 =	simm.s32 $0xBF00;
	s30 =	simm.s32 $0x1;
	s31 =	simm.s32 $0xF  }
0x6: {  	s0 =	sand.u32 $0x1, s0;
	s6 =	smul.u32 $0xA000, s10;
	[smem:$0x7FF] =	sst s3  }
0x7: {  	s26 =	sshll.u32 s10, $0x6;
	s1 =	sshll.u32 s0, $0x4;
	s4 =	smul.u32 $0xA0000, s0  }
0x8: {  	_ =	strace $0x8000004A;
	s0 =	ssub.s32 $0x2, s0;
	s1 =	sor.u32 s10, s1  }
0x9: {  	s8 =	sshrl.u32 s0, $0x1;
	s24 =	sshrl.u32 s6, $0x1;
	s25 =	sshrl.u32 s6, $0x4  }
0xa: {  	s1 =	smul.u32 $0x4F0, s1;
	s7 =	sadd.s32 s6, s4;
	s4 =	sadd.s32 $0x2A00, s5  }
0xb: {  	s0 =	ssub.s32 s0, s8;
	s11 =	sadd.s32 s24, s2;
	s6 =	sor.u32 $0x1C11, s26  }
0xc: {  	s26 =	simm.s32 $0xAF00;
	s7 =	sshrl.u32 s7, $0x4;
	s10 =	smax.u32 s0, $0x1  }
0xd: {  	s11 =	sshrl.u32 s11, $0x3;
	s1 =	sadd.s32 s1, s5;
	s9 =	sadd.s32 s7, s5  }
0xe: {  	s5 =	sadd.s32 s4, s25;
	s25 =	simm.s32 $0x300;
	s7 =	sadd.s32 $0x16800, s1  }
0xf: {  	s8 =	sadd.s32 $0x20600, s1;
	s9 =	sadd.s32 $0x2A400, s9;
	s1 =	simm.s32 $0x0  }
.LBB2_1:
0x10: {  	[spmem:s11], [sflag:s6] =	dma.local [hbm:s5], $0xA00  }
0x11: {  	_ =	swait.ge [sflag:s12], $0xA00  }
0x12: {  	[sflag:s12] =	ssyncset.done $0x0  }
0x13: {  	[sflag:s12] =	ssyncadd.s32 $0xFFFFF600  }
0x14: {  	[bflag:$0x0] =	sbarrier.arrive $0xFFFF  }
0x15: {  	[tilespmem:s3], [sflag:$0x11] =	stream.linear.gather [hbm4b:s7+s3], $0x2780, $0x38;
	[tilespmem:$0x11F00] =	vst v63  }
0x16: {  	_ =	swait.ge [sflag:s12], $0x2780  }
0x17: {  	[sflag:s12] =	ssyncset.done $0x0  }
0x18: {  	[sflag:s12] =	ssyncadd.s32 $0xFFFFD880  }
0x19: {  	[tilespmem:s13], [sflag:$0x11] =	stream.linear.gather [hbm4b:s8+s3], $0x2780, $0x38;
	[tilespmem:$0x11F00] =	vst v63  }
0x1a: {  	_ =	swait.ge [sflag:s12], $0x2780  }
0x1b: {  	[sflag:s12] =	ssyncset.done $0x0  }
0x1c: {  	[sflag:s12] =	ssyncadd.s32 $0xFFFFD880  }
0x1d: {  	[tilespmem:s15], [sflag:$0x1] =	stream.indirect.gather [hbm4b:s4+s14], $0x20, s3, s14, $0xb8;
	[tilespmem:$0x11F00] =	vst v63  }
0x1e: {  	s0 =	simm.s32 $0x5F00  }
0x1f: {  	[tilespmem:s0], [sflag:$0x2] =	stream.indirect.gather [hbm4b:s4+s14], $0x20, s14, s14, $0xb8;
	[tilespmem:$0x11F00] =	vst v63  }
0x20: {  	s24 =	simm.s32 $0x100;
	s16 =	simm.s32 $0x6F00  }
0x21: {  	[tilespmem:s16], [sflag:$0x3] =	stream.indirect.gather [hbm4b:s4+s14], $0x20, s24, s14, $0xb8;
	[tilespmem:$0x11F00] =	vst v63  }
0x22: {  	s17 =	simm.s32 $0x180;
	s18 =	simm.s32 $0x7F00  }
0x23: {  	[tilespmem:s18], [sflag:$0x4] =	stream.indirect.gather [hbm4b:s4+s14], $0x20, s17, s14, $0xb8;
	[tilespmem:$0x11F00] =	vst v63  }
0x24: {  	s19 =	simm.s32 $0x200;
	s20 =	simm.s32 $0x8F00  }
0x25: {  	[tilespmem:s20], [sflag:$0x5] =	stream.indirect.gather [hbm4b:s4+s14], $0x20, s19, s14, $0xb8;
	[tilespmem:$0x11F00] =	vst v63  }
0x26: {  	s21 =	simm.s32 $0x280;
	s22 =	simm.s32 $0x9F00  }
0x27: {  	[tilespmem:s22], [sflag:$0x6] =	stream.indirect.gather [hbm4b:s4+s14], $0x20, s21, s14, $0xb8;
	[tilespmem:$0x11F00] =	vst v63  }
0x28: {  	_ = 	snop  }
0x29: {  	[tilespmem:s26], [sflag:$0x7] =	stream.indirect.gather [hbm4b:s4+s14], $0x20, s25, s14, $0xb8;
	[tilespmem:$0x11F00] =	vst v63  }
0x2a: {  	_ = 	snop  }
0x2b: {  	[tilespmem:s29], [sflag:$0x8] =	stream.indirect.gather [hbm4b:s4+s14], $0x20, s28, s14, $0xb8;
	[tilespmem:$0x11F00] =	vst v63  }
0x2c: {  	s23 =	simm.s32 $0x8;
	p0 =	por $0x0, $0x0;
	_ =	swait.ge [sflag:s30], $0x1000  }
0x2d: {  	s0 =	simm.s32 $0x2800;
	s16 =	sand.u32 $0x7, s23;
	[sflag:s30] =	ssyncset.done $0x0  }
0x2e: {  	s18 =	simm.s32 $0x1;
	s19 =	sadd.s32 $0x9, s16;
	[sflag:s30] =	ssyncadd.s32 $0xFFFFF000  }
0x2f: {  	[spmem:s2] =	stream.indirect.scatter.add.bf16 [tilespmem:s15], [sflag:$0x9], $0x20, s13, s14, $0xb8;
	[tilespmem:$0x11F00] =	vst v63  }
0x30: {  	s17 =	simm.s32 $0x400;
	s18 =	sand.u32 $0x7, s18;
	_ =	swait.ge [sflag:s19], $0x1000  }
0x31: {  	s20 =	sadd.s32 @!p0 $0x1, s16;
	s16 =	sshll.u32 @!p0 s16, $0xC;
	[sflag:s19] =	ssyncset.done $0x0  }
0x32: {  	s16 =	sadd.s32 @!p0 $0x4F00, s16;
	s21 =	simm.s32 @!p0 $0x80;
	[sflag:s19] =	ssyncadd.s32 $0xFFFFF000  }
0x33: {  	[tilespmem:s16], [sflag:s20] =	stream.indirect.gather @!p0 [hbm4b:s4+s21], $0x20, s17, s21, $0xb8;
	[tilespmem:$0x11F00] =	vst v63  }
0x34: {  	s24 =	sshll.u32 s18, $0xC;
	s19 =	sadd.s32 $0x1, s18;
	s16 =	simm.s32 $0x9  }
0x35: {  	s17 =	simm.s32 $0x480;
	s20 =	sadd.s32 $0x4F00, s24;
	_ =	swait.ge [sflag:s19], $0x1000  }
0x36: {  	s21 =	sadd.s32 $0x9, s18;
	s18 =	simm.s32 $0x2800;
	[sflag:s19] =	ssyncset.done $0x0  }
.LBB2_2:
0x37: {  	[sflag:s19] =	ssyncadd.s32 $0xFFFFF000  }
0x38: {  	s0 =	sadd.s32 $0x80, s0;
	s19 =	smov.u32 s16;
	s16 =	sadd.s32 $0x1, s16  }
0x39: {  	[spmem:s2] =	stream.indirect.scatter.add.bf16 [tilespmem:s20], [sflag:s21], $0x20, s18, s14, $0xb8;
	[tilespmem:$0x11F00] =	vst v63  }
0x3a: {  	s20 =	sand.u32 $0x7, s19  }
0x3b: {  	p0 =	sne.s32 s16, $0x56;
	s18 =	smov.u32 s0;
	s19 =	sadd.s32 $0xFFFFFFF9, s19  }
0x3c: {  	s21 =	sadd.s32 $0x9, s20;
	p1 =	sgt.u32 s19, $0x47  }
0x3d: {  	s22 =	sand.u32 $0x7, s19;
	s23 =	sadd.s32 @!p1 $0x1, s20;
	_ =	swait.ge [sflag:s21], $0x1000  }
0x3e: {  	s24 =	simm.s32 @!p1 $0x80;
	s19 =	sshll.u32 @!p1 s20, $0xC;
	[sflag:s21] =	ssyncset.done $0x0  }
.Ltmp0:
0x3f: {  	s20 =	sshll.u32 s22, $0xC;
	[sflag:s21] =	ssyncadd.s32 $0xFFFFF000;
	(pc) =	sbr.rel @p0 .LBB2_2-.Ltmp0, $4  }
0x40: {  	s21 =	sadd.s32 @!p1 $0x4F00, s19;
	s19 =	sadd.s32 $0x1, s22  }
0x41: {  	[tilespmem:s21], [sflag:s23] =	stream.indirect.gather @!p1 [hbm4b:s4+s24], $0x20, s17, s24, $0xb8;
	[tilespmem:$0x11F00] =	vst v63  }
0x42: {  	s17 =	sadd.s32 $0x80, s17;
	_ =	swait.ge [sflag:s19], $0x1000  }
0x43: {  	s20 =	sadd.s32 $0x4F00, s20;
	s21 =	sadd.s32 $0x9, s22;
	[sflag:s19] =	ssyncset.done $0x0  }
0x44: {  	[sflag:s19] =	ssyncadd.s32 $0xFFFFF000  }
0x45: {  	[spmem:s2] =	stream.indirect.scatter.add.bf16 [tilespmem:s20], [sflag:s21], $0x20, s18, s14, $0xb8;
	[tilespmem:$0x11F00] =	vst v63  }
0x46: {  	_ =	swait.ge [sflag:s31], $0x1000  }
0x47: {  	s1 =	sadd.s32 $0x1, s1;
	[sflag:s31] =	ssyncset.done $0x0  }
0x48: {  	p0 =	sne.s32 s1, s10;
	[sflag:s31] =	ssyncadd.s32 $0xFFFFF000  }
.Ltmp1:
0x49: {  	[bflag:$0x0] =	sbarrier.arrive $0xFFFF;
	(pc) =	sbr.rel @p0 .LBB2_1-.Ltmp1, $4  }
0x4a: {  	[hbm:s9], [sflag:s6] =	dma.local [spmem:s11], $0xA00  }
0x4b: {  	_ =	swait.ge [sflag:s12], $0xA00  }
0x4c: {  	[sflag:s12] =	ssyncset.done $0x0  }
0x4d: {  	[sflag:s12] =	ssyncadd.s32 $0xFFFFF600  }
0x4e: {  	_ =	sfence.sel $0x180000  }
0x4f: {  	[bflag:$0x0] =	sbarrier.arrive $0xFFFF  }
0x50: {  	_ =	strace $0x9000004A  }
0x51: {  	s0 =	stileid.u32;
	[bflag:$0x2] =	sbarrier.arrive $0xFFFF  }
0x52: {  	p0 =	sne.s32 s0, $0x0;
	s0 =	rddreg [dreg:$0x2]  }
0x53: {  	s0 =	sadd.s32 @!p0 $0x100000, s0  }
0x54: {  	[sflag:s0] =	ssyncadd.tile.s32 @!p0 $0x1;
	_ =	shalt  }
.Lfunc_end2:
_tile_overlayer_lowered:
.L_overlay_start_2:
0x55: {  	(tag) =	ssettag $0x2  }
0x56: {  	s0 =	rddreg [dreg:$0x0];
	s2 =	stileid.u32  }
0x57: {  	s1 =	rddreg [dreg:$0x1];
	p0 =	sne.s32 s2, $0x0  }
0x58: {  	s3 =	rddreg [dreg:$0x2];
	[bflag:$0x3] =	sbarrier.arrive $0xFFFF;
	s2 =	simm.s32 @!p0 $0x1C11  }
0x59: {  	[timem:s3], [sflag:s2] =	dma.local @!p0 [hbm:s0], s1  }
0x5a: {  	s0 =	simm.s32 @!p0 $0x11  }
0x5b: {  	_ =	swait.ge @!p0 [sflag:s0], s1  }
0x5c: {  	s1 =	ssub.s32 @!p0 $0x0, s1;
	[sflag:s0] =	ssyncset.done @!p0 $0x0  }
0x5d: {  	[sflag:s0] =	ssyncadd.s32 @!p0 s1  }
0x5e: {  	[bflag:$0x3] =	sbarrier.arrive $0xFFFF  }
0x5f: {  	_ =	shalt  }

// kernel: kernel.16.cloned.1.call-start
scs
__scs_entry_jumppad:
0x0: {  	(pc) =	sbr.rel $0x88, $3  }
0x1: {  	(tag) =	ssettag $0x0;
	lr =	simm.s32 $0x1  }
0x2: {  	[smem:$0x3F98] =	sst lr;
	_ =	strace $0xD0000000  }
0x3: {  	_ = 	snop  }
0x4: {  	_ = 	snop  }
0x5: {  	_ = 	snop  }
0x6: {  	_ = 	snop  }
0x7: {  	_ = 	snop  }
__scs_overlays_trampoline_lowered:
0x8: {  	[smem:$0x3FA7] =	sst s0  }
0x9: {  	[smem:$0x3FA8] =	sst s1  }
0xa: {  	[smem:$0x3FA9] =	sst s2  }
0xb: {  	[smem:$0x3FAA] =	sst s3  }
0xc: {  	[smem:$0x3FAB] =	sst s4  }
0xd: {  	[smem:$0x3FAC] =	sst s5  }
0xe: {  	[smem:$0x3FAD] =	sst s6  }
0xf: {  	[smem:$0x3FAE] =	sst s7  }
0x10: {  	[smem:$0x3FAF] =	sst s8  }
0x11: {  	[smem:$0x3FB0] =	sst s9;
	s0 =	simm.s32 @!p0 $0x0  }
0x12: {  	s1 =	sld [smem:$0x3F96];
	s0 =	simm.s32 @p0 $0x1  }
0x13: {  	[smem:$0x3FB1] =	sst s0;
	s0 =	simm.s32 @!p1 $0x0  }
0x14: {  	s2 =	sld [smem:$0x3F95];
	s0 =	simm.s32 @p1 $0x1  }
0x15: {  	[smem:$0x3FB2] =	sst s0;
	s0 =	simm.s32 @!p2 $0x0  }
0x16: {  	s3 =	sld [smem:$0x3FDB];
	s0 =	simm.s32 @p2 $0x1  }
0x17: {  	s4 =	simm.s32 $0x1BF5;
	[smem:$0x3FB4] =	sst s0  }
0x18: {  	s0 =	sld [smem:$0x3F97];
	_ =	swait.ge [sflag:s4], $0x0  }
0x19: {  	s7 =	sld [smem:$0x3F98]  }
0x1a: {  	s8 =	sadd.s32 $0xFFFFE003, lr  }
0x1b: {  	s9 =	sadd.s32 $0xFFFFFEF7, lr;
	s5 =	simm.s32 $0xFFFFFFFF;
	p2 =	slt.u32 s8, $0xFFFFF086  }
0x1c: {  	p1 =	slt.u32 s9, $0xF7A;
	s5 =	simm.s32 @!p2 $0x0  }
0x1d: {  	s5 =	simm.s32 @p1 $0x1;
	p0 =	seq.s32 s7, s2  }
0x1e: {  	s7 =	smul.u32 @!p0 $0xF7A, s2;
	p2 =	seq.s32 @!p0 s5, $0x0  }
0x1f: {  	s9 =	smul.u32 $0xF7A, s1;
	s8 =	simm.s32 @!p0 $0x1BF5;
	p2 =	por !p2, p0  }
0x20: {  	[sflag:s8] =	ssyncset.s32 @!p0 $0xFFFFF086;
	s6 =	sadd.s32 @!p0 s3, s7;
	s7 =	simm.s32 @!p0 $0x108  }
0x21: {  	s3 =	sadd.s32 s3, s9;
	s6 =	sadd.s32 @!p0 $0x88, s6;
	s7 =	simm.s32 @p2 $0x1082  }
0x22: {  	[simem:s7], [sflag:s8] =	dma.local @!p0 [hbm:s6], $0xF7A  }
0x23: {  	s9 =	sor.u32 $0xD0000000, s2;
	s6 =	simm.s32 $0x108;
	_ =	swait.ge @!p0 [sflag:s8], $0x0  }
0x24: {  	s3 =	sadd.s32 $0x88, s3;
	s6 =	simm.s32 @!p1 $0x1082;
	[sflag:s4] =	ssyncset.s32 $0xFFFFF086  }
0x25: {  	[simem:s6], [sflag:s4] =	dma.local [hbm:s3], $0xF7A  }
0x26: {  	[smem:$0x3F98] =	sst s1;
	(tag) =	ssettag s2;
	_ =	strace s9  }
0x27: {  	s1 =	sld [smem:$0x3FA8]  }
0x28: {  	s2 =	sld [smem:$0x3FA9]  }
0x29: {  	s4 =	sld [smem:$0x3FAB]  }
0x2a: {  	p0 =	seq.s32 s5, $0x0;
	s5 =	sld [smem:$0x3FAC]  }
0x2b: {  	s6 =	sld [smem:$0x3FAD]  }
0x2c: {  	s7 =	sld [smem:$0x3FAE]  }
0x2d: {  	s3 =	simm.s32 $0x108;
	s8 =	sld [smem:$0x3FAF]  }
0x2e: {  	s3 =	simm.s32 @!p0 $0x1082;
	s9 =	sld [smem:$0x3FB0]  }
0x2f: {  	lr =	sadd.s32 s0, s3;
	s0 =	sld [smem:$0x3FA7]  }
0x30: {  	s3 =	sld [smem:$0x3FAA]  }
0x31: {  	[smem:$0x3FB3] =	sst s10  }
0x32: {  	s10 =	sld [smem:$0x3FB1];
	_ =	sdelay $0x3  }
0x33: {  	p0 =	seq.s32 s10, $0x1;
	s10 =	sld [smem:$0x3FB3];
	_ =	sdelay $0x3  }
0x34: {  	[smem:$0x3FB3] =	sst s10  }
0x35: {  	s10 =	sld [smem:$0x3FB2];
	_ =	sdelay $0x3  }
0x36: {  	p1 =	seq.s32 s10, $0x1;
	s10 =	sld [smem:$0x3FB3];
	_ =	sdelay $0x3  }
0x37: {  	[smem:$0x3FB3] =	sst s10  }
0x38: {  	s10 =	sld [smem:$0x3FB4]  }
0x39: {  	_ = 	snop;
	(pc) =	sbr.ind lr, $3  }
0x3a: {  	_ = 	snop  }
0x3b: {  	_ = 	snop  }
0x3c: {  	p2 =	seq.s32 s10, $0x1;
	s10 =	sld [smem:$0x3FB3]  }
0x3d: {  	_ =	shalt  }
0x3e: {  	_ =	shalt  }
0x3f: {  	_ =	shalt  }
0x40: {  	_ =	shalt  }
0x41: {  	_ =	shalt  }
0x42: {  	_ =	shalt  }
0x43: {  	_ =	shalt  }
0x44: {  	_ =	shalt  }
0x45: {  	_ =	shalt  }
0x46: {  	_ =	shalt  }
0x47: {  	_ =	shalt  }
0x48: {  	_ =	shalt  }
0x49: {  	_ =	shalt  }
0x4a: {  	_ =	shalt  }
0x4b: {  	_ =	shalt  }
0x4c: {  	_ =	shalt  }
0x4d: {  	_ =	shalt  }
0x4e: {  	_ =	shalt  }
0x4f: {  	_ =	shalt  }
0x50: {  	_ =	shalt  }
0x51: {  	_ =	shalt  }
0x52: {  	_ =	shalt  }
0x53: {  	_ =	shalt  }
0x54: {  	_ =	shalt  }
0x55: {  	_ =	shalt  }
0x56: {  	_ =	shalt  }
0x57: {  	_ =	shalt  }
0x58: {  	_ =	shalt  }
0x59: {  	_ =	shalt  }
0x5a: {  	_ =	shalt  }
0x5b: {  	_ =	shalt  }
0x5c: {  	_ =	shalt  }
0x5d: {  	_ =	shalt  }
0x5e: {  	_ =	shalt  }
0x5f: {  	_ =	shalt  }
0x60: {  	_ =	shalt  }
0x61: {  	_ =	shalt  }
0x62: {  	_ =	shalt  }
0x63: {  	_ =	shalt  }
0x64: {  	_ =	shalt  }
0x65: {  	_ =	shalt  }
0x66: {  	_ =	shalt  }
0x67: {  	_ =	shalt  }
0x68: {  	_ =	shalt  }
0x69: {  	_ =	shalt  }
0x6a: {  	_ =	shalt  }
0x6b: {  	_ =	shalt  }
0x6c: {  	_ =	shalt  }
0x6d: {  	_ =	shalt  }
0x6e: {  	_ =	shalt  }
0x6f: {  	_ =	shalt  }
0x70: {  	_ =	shalt  }
0x71: {  	_ =	shalt  }
0x72: {  	_ =	shalt  }
0x73: {  	_ =	shalt  }
0x74: {  	_ =	shalt  }
0x75: {  	_ =	shalt  }
0x76: {  	_ =	shalt  }
0x77: {  	_ =	shalt  }
0x78: {  	_ =	shalt  }
0x79: {  	_ =	shalt  }
0x7a: {  	_ =	shalt  }
0x7b: {  	_ =	shalt  }
0x7c: {  	_ =	shalt  }
0x7d: {  	_ =	shalt  }
0x7e: {  	_ =	shalt  }
0x7f: {  	_ =	shalt  }
0x80: {  	_ =	shalt  }
0x81: {  	_ =	shalt  }
0x82: {  	_ =	shalt  }
0x83: {  	_ =	shalt  }
0x84: {  	_ =	shalt  }
0x85: {  	_ =	shalt  }
0x86: {  	_ =	shalt  }
0x87: {  	_ =	shalt  }
.Lfunc_end0:
.L_simem_size_0:
called_computation.2_lowered:
.L_overlay_start_0:
0x88: {  	s2 =	sld [smem:$0x3FD9]  }
0x89: {  	s3 =	sld [smem:$0x3FFE];
	_ =	sdelay $0x1  }
0x8a: {  	s1 =	srdreg.scid  }
0x8b: {  	s0 =	sand.u32 $0x1, s1  }
0x8c: {  	s16 =	sshll.u32 s0, $0xA;
	s2 =	sadd.s32 s3, s2  }
0x8d: {  	s2 =	sadd.s32 s2, s16  }
0x8e: {  	[smem:$0x3FBF] =	sst s2  }
0x8f: {  	_ = 	snop  }
0x90: {  	(tm) =	ssettm $0x1  }
0x91: {  	s17 =	sld [smem:$0x3FFB];
	_ =	sdelay $0x3  }
0x92: {  	_ =	strace s17  }
0x93: {  	s2 =	sld [smem:$0x3FFC];
	_ =	sdelay $0x3  }
0x94: {  	_ =	strace s2  }
0x95: {  	s2 =	sld [smem:$0x3FFD];
	_ =	sdelay $0x3  }
0x96: {  	_ =	strace s2  }
0x97: {  	_ =	strace $0x8FFFFFFF  }
0x98: {  	s18 =	sld [smem:$0x3FDB];
	_ =	sdelay $0x1  }
0x99: {  	s19 =	simm.s32 $_scs_section_size  }
0x9a: {  	s4 =	simm.s32 $_size__tile_overlayer_lowered;
	s5 =	simm.s32 $_tile_overlayer_lowered  }
0x9b: {  	s22 =	simm.s32 $0x1BFF;
	s21 =	sshll.u32 s5, $0x1;
	s2 =	sadd.s32 s19, s18  }
0x9c: {  	s6 =	simm.s32 $0x0;
	s20 =	sshll.u32 s4, $0x1;
	s4 =	sadd.s32 s21, s2  }
0x9d: {  	[timem:s6], [sflag:s22] =	dma.local [hbm:s4], s20  }
0x9e: {  	_ =	swait.ge [sflag:s22], s20  }
0x9f: {  	s3 =	ssub.s32 $0x0, s20;
	[sflag:s22] =	ssyncset.done $0x0  }
0xa0: {  	[sflag:s22] =	ssyncadd.s32 s3;
	_ =	sdelay $0x1  }
0xa1: {  	s23 =	simm.s32 $0x1B8B  }
0xa2: {  	_ =	swait.ge [sflag:s23], $0x1  }
0xa3: {  	[sflag:s23] =	ssyncset.done $0x0  }
0xa4: {  	s25 =	simm.s32 $0x1B8E;
	s24 =	sld [smem:$0x3FFE];
	[sflag:s23] =	ssyncadd.s32 $0xFFFFFFFF  }
0xa5: {  	s26 =	simm.s32 $execute0_lowered;
	[smem:$0x3FD2] =	sst s25  }
0xa6: {  	s4 =	sshll.u32 s26, $0x1;
	_ =	strace $0x8000004C;
	[dreg:$0x1] =	wrdreg $0xFFFFFFFF  }
0xa7: {  	s28 =	simm.s32 $_size_execute0_lowered;
	s2 =	sadd.s32 s2, s4;
	[dreg:$0x0] =	wrdreg $0x0  }
0xa8: {  	s4 =	sshll.u32 s28, $0x1;
	[dreg:$0x2] =	wrdreg s2  }
0xa9: {  	[dreg:$0x3] =	wrdreg s4  }
0xaa: {  	[dreg:$0x4] =	wrdreg $0xC0  }
0xab: {  	_ =	task [dreg:s6], $0x5FFFF  }
0xac: {  	[dreg:$0x1] =	wrdreg $0xFFFFFFFF  }
0xad: {  	[dreg:$0x0] =	wrdreg $0x60  }
0xae: {  	[dreg:$0x2] =	wrdreg s24  }
0xaf: {  	[dreg:$0x3] =	wrdreg $0xCF000  }
0xb0: {  	[dreg:$0x4] =	wrdreg $0x9  }
0xb1: {  	_ =	task.clear_ibuf [dreg:s6], $0x5FFFF;
	_ =	strace $0x9000004C  }
0xb2: {  	s29 =	simm.s32 $0x9;
	_ =	strace $0x8000004E  }
0xb3: {  	_ =	swait.ge [sflag:s29], $0x1  }
0xb4: {  	[sflag:s29] =	ssyncadd.s32 $0xFFFFFFFF  }
0xb5: {  	_ =	strace $0x9000004E  }
0xb6: {  	_ =	sfence  }
0xb7: {  	s30 =	sld [smem:$0x0];
	_ =	sdelay $0x2  }
0xb8: {  	s31 =	sshll.u32 s1, $0xD;
	s1 =	sshrl.u32 s1, $0x2  }
0xb9: {  	s3 =	sand.u32 $0x4000, s31;
	s1 =	sadd.s32 s1, s30  }
0xba: {  	s0 =	sor.u32 s3, s0;
	s1 =	sshll.u32 s1, $0x11  }
0xbb: {  	s0 =	sor.u32 s1, s0  }
0xbc: {  	s0 =	sadd.s32 $0x8F2B, s0  }
0xbd: {  	[sflag:s0] =	ssyncadd.remote.s32 $0x1  }
0xbe: {  	_ =	sfence.sel $0xFFFF  }
0xbf: {  	[dreg:$0x0] =	wrdreg $0xFFFFFFFF;
	(pc) =	sbr.abs _section_cstart, $3  }
0xc0: {  	[dreg:$0x1] =	wrdreg $0xFFFFFFFF  }
0xc1: {  	_ =	task.clear_ibuf [dreg:s6], $0x2FFFF;
	_ =	strace $0x9FFFFFFF  }
0xc2: {  	(tm) =	ssettm $0x7FFFFFFF  }
0xc3: {  	_ =	shalt  }
tec
execute0_lowered:
.L_overlay_start_1:
0x0: {  	(tag) =	ssettag $0x1  }
0x1: {  	s0 =	srdreg.scid;
	s5 =	rddreg [dreg:$0x0]  }
0x2: {  	s10 =	stileid.u32;
	s2 =	rddreg [dreg:$0x1]  }
0x3: {  	s3 =	simm.s32 $0x0;
	s12 =	simm.s32 $0x11;
	s13 =	simm.s32 $0x2780  }
0x4: {  	s14 =	simm.s32 $0x80;
	s15 =	simm.s32 $0x4F00;
	s28 =	simm.s32 $0x380  }
0x5: {  	s29 =	simm.s32 $0xBF00;
	s30 =	simm.s32 $0x1;
	s31 =	simm.s32 $0xF  }
0x6: {  	s0 =	sand.u32 $0x1, s0;
	s6 =	smul.u32 $0xA000, s10;
	[smem:$0x7FF] =	sst s3  }
0x7: {  	s26 =	sshll.u32 s10, $0x6;
	s1 =	sshll.u32 s0, $0x4;
	s4 =	smul.u32 $0xA0000, s0  }
0x8: {  	_ =	strace $0x8000004D;
	s0 =	ssub.s32 $0x2, s0;
	s1 =	sor.u32 s10, s1  }
0x9: {  	s8 =	sshrl.u32 s0, $0x1;
	s24 =	sshrl.u32 s6, $0x1;
	s25 =	sshrl.u32 s6, $0x4  }
0xa: {  	s1 =	smul.u32 $0x4F0, s1;
	s7 =	sadd.s32 s6, s4;
	s4 =	sadd.s32 $0x2A00, s5  }
0xb: {  	s0 =	ssub.s32 s0, s8;
	s11 =	sadd.s32 s24, s2;
	s6 =	sor.u32 $0x1C11, s26  }
0xc: {  	s26 =	simm.s32 $0xAF00;
	s7 =	sshrl.u32 s7, $0x4;
	s10 =	smax.u32 s0, $0x1  }
0xd: {  	s11 =	sshrl.u32 s11, $0x3;
	s1 =	sadd.s32 s1, s5;
	s9 =	sadd.s32 s7, s5  }
0xe: {  	s5 =	sadd.s32 s4, s25;
	s25 =	simm.s32 $0x300;
	s7 =	sadd.s32 $0x16800, s1  }
0xf: {  	s8 =	sadd.s32 $0x20600, s1;
	s9 =	sadd.s32 $0x2A400, s9;
	s1 =	simm.s32 $0x0  }
.LBB2_1:
0x10: {  	[spmem:s11], [sflag:s6] =	dma.local [hbm:s5], $0xA00  }
0x11: {  	_ =	swait.ge [sflag:s12], $0xA00  }
0x12: {  	[sflag:s12] =	ssyncset.done $0x0  }
0x13: {  	[sflag:s12] =	ssyncadd.s32 $0xFFFFF600  }
0x14: {  	[bflag:$0x0] =	sbarrier.arrive $0xFFFF  }
0x15: {  	[tilespmem:s3], [sflag:$0x11] =	stream.linear.gather [hbm4b:s7+s3], $0x2780, $0x38;
	[tilespmem:$0x11F00] =	vst v63  }
0x16: {  	_ =	swait.ge [sflag:s12], $0x2780  }
0x17: {  	[sflag:s12] =	ssyncset.done $0x0  }
0x18: {  	[sflag:s12] =	ssyncadd.s32 $0xFFFFD880  }
0x19: {  	[tilespmem:s13], [sflag:$0x11] =	stream.linear.gather [hbm4b:s8+s3], $0x2780, $0x38;
	[tilespmem:$0x11F00] =	vst v63  }
0x1a: {  	_ =	swait.ge [sflag:s12], $0x2780  }
0x1b: {  	[sflag:s12] =	ssyncset.done $0x0  }
0x1c: {  	[sflag:s12] =	ssyncadd.s32 $0xFFFFD880  }
0x1d: {  	[tilespmem:s15], [sflag:$0x1] =	stream.indirect.gather [hbm4b:s4+s14], $0x20, s3, s14, $0xb8;
	[tilespmem:$0x11F00] =	vst v63  }
0x1e: {  	s0 =	simm.s32 $0x5F00  }
0x1f: {  	[tilespmem:s0], [sflag:$0x2] =	stream.indirect.gather [hbm4b:s4+s14], $0x20, s14, s14, $0xb8;
	[tilespmem:$0x11F00] =	vst v63  }
0x20: {  	s24 =	simm.s32 $0x100;
	s16 =	simm.s32 $0x6F00  }
0x21: {  	[tilespmem:s16], [sflag:$0x3] =	stream.indirect.gather [hbm4b:s4+s14], $0x20, s24, s14, $0xb8;
	[tilespmem:$0x11F00] =	vst v63  }
0x22: {  	s17 =	simm.s32 $0x180;
	s18 =	simm.s32 $0x7F00  }
0x23: {  	[tilespmem:s18], [sflag:$0x4] =	stream.indirect.gather [hbm4b:s4+s14], $0x20, s17, s14, $0xb8;
	[tilespmem:$0x11F00] =	vst v63  }
0x24: {  	s19 =	simm.s32 $0x200;
	s20 =	simm.s32 $0x8F00  }
0x25: {  	[tilespmem:s20], [sflag:$0x5] =	stream.indirect.gather [hbm4b:s4+s14], $0x20, s19, s14, $0xb8;
	[tilespmem:$0x11F00] =	vst v63  }
0x26: {  	s21 =	simm.s32 $0x280;
	s22 =	simm.s32 $0x9F00  }
0x27: {  	[tilespmem:s22], [sflag:$0x6] =	stream.indirect.gather [hbm4b:s4+s14], $0x20, s21, s14, $0xb8;
	[tilespmem:$0x11F00] =	vst v63  }
0x28: {  	_ = 	snop  }
0x29: {  	[tilespmem:s26], [sflag:$0x7] =	stream.indirect.gather [hbm4b:s4+s14], $0x20, s25, s14, $0xb8;
	[tilespmem:$0x11F00] =	vst v63  }
0x2a: {  	_ = 	snop  }
0x2b: {  	[tilespmem:s29], [sflag:$0x8] =	stream.indirect.gather [hbm4b:s4+s14], $0x20, s28, s14, $0xb8;
	[tilespmem:$0x11F00] =	vst v63  }
0x2c: {  	s23 =	simm.s32 $0x8;
	p0 =	por $0x0, $0x0;
	_ =	swait.ge [sflag:s30], $0x1000  }
0x2d: {  	s0 =	simm.s32 $0x2800;
	s16 =	sand.u32 $0x7, s23;
	[sflag:s30] =	ssyncset.done $0x0  }
0x2e: {  	s18 =	simm.s32 $0x1;
	s19 =	sadd.s32 $0x9, s16;
	[sflag:s30] =	ssyncadd.s32 $0xFFFFF000  }
0x2f: {  	[spmem:s2] =	stream.indirect.scatter.add.bf16 [tilespmem:s15], [sflag:$0x9], $0x20, s13, s14, $0xb8;
	[tilespmem:$0x11F00] =	vst v63  }
0x30: {  	s17 =	simm.s32 $0x400;
	s18 =	sand.u32 $0x7, s18;
	_ =	swait.ge [sflag:s19], $0x1000  }
0x31: {  	s20 =	sadd.s32 @!p0 $0x1, s16;
	s16 =	sshll.u32 @!p0 s16, $0xC;
	[sflag:s19] =	ssyncset.done $0x0  }
0x32: {  	s16 =	sadd.s32 @!p0 $0x4F00, s16;
	s21 =	simm.s32 @!p0 $0x80;
	[sflag:s19] =	ssyncadd.s32 $0xFFFFF000  }
0x33: {  	[tilespmem:s16], [sflag:s20] =	stream.indirect.gather @!p0 [hbm4b:s4+s21], $0x20, s17, s21, $0xb8;
	[tilespmem:$0x11F00] =	vst v63  }
0x34: {  	s24 =	sshll.u32 s18, $0xC;
	s19 =	sadd.s32 $0x1, s18;
	s16 =	simm.s32 $0x9  }
0x35: {  	s17 =	simm.s32 $0x480;
	s20 =	sadd.s32 $0x4F00, s24;
	_ =	swait.ge [sflag:s19], $0x1000  }
0x36: {  	s21 =	sadd.s32 $0x9, s18;
	s18 =	simm.s32 $0x2800;
	[sflag:s19] =	ssyncset.done $0x0  }
.LBB2_2:
0x37: {  	[sflag:s19] =	ssyncadd.s32 $0xFFFFF000  }
0x38: {  	s0 =	sadd.s32 $0x80, s0;
	s19 =	smov.u32 s16;
	s16 =	sadd.s32 $0x1, s16  }
0x39: {  	[spmem:s2] =	stream.indirect.scatter.add.bf16 [tilespmem:s20], [sflag:s21], $0x20, s18, s14, $0xb8;
	[tilespmem:$0x11F00] =	vst v63  }
0x3a: {  	s20 =	sand.u32 $0x7, s19  }
0x3b: {  	p0 =	sne.s32 s16, $0x56;
	s18 =	smov.u32 s0;
	s19 =	sadd.s32 $0xFFFFFFF9, s19  }
0x3c: {  	s21 =	sadd.s32 $0x9, s20;
	p1 =	sgt.u32 s19, $0x47  }
0x3d: {  	s22 =	sand.u32 $0x7, s19;
	s23 =	sadd.s32 @!p1 $0x1, s20;
	_ =	swait.ge [sflag:s21], $0x1000  }
0x3e: {  	s24 =	simm.s32 @!p1 $0x80;
	s19 =	sshll.u32 @!p1 s20, $0xC;
	[sflag:s21] =	ssyncset.done $0x0  }
.Ltmp0:
0x3f: {  	s20 =	sshll.u32 s22, $0xC;
	[sflag:s21] =	ssyncadd.s32 $0xFFFFF000;
	(pc) =	sbr.rel @p0 .LBB2_2-.Ltmp0, $4  }
0x40: {  	s21 =	sadd.s32 @!p1 $0x4F00, s19;
	s19 =	sadd.s32 $0x1, s22  }
0x41: {  	[tilespmem:s21], [sflag:s23] =	stream.indirect.gather @!p1 [hbm4b:s4+s24], $0x20, s17, s24, $0xb8;
	[tilespmem:$0x11F00] =	vst v63  }
0x42: {  	s17 =	sadd.s32 $0x80, s17;
	_ =	swait.ge [sflag:s19], $0x1000  }
0x43: {  	s20 =	sadd.s32 $0x4F00, s20;
	s21 =	sadd.s32 $0x9, s22;
	[sflag:s19] =	ssyncset.done $0x0  }
0x44: {  	[sflag:s19] =	ssyncadd.s32 $0xFFFFF000  }
0x45: {  	[spmem:s2] =	stream.indirect.scatter.add.bf16 [tilespmem:s20], [sflag:s21], $0x20, s18, s14, $0xb8;
	[tilespmem:$0x11F00] =	vst v63  }
0x46: {  	_ =	swait.ge [sflag:s31], $0x1000  }
0x47: {  	s1 =	sadd.s32 $0x1, s1;
	[sflag:s31] =	ssyncset.done $0x0  }
0x48: {  	p0 =	sne.s32 s1, s10;
	[sflag:s31] =	ssyncadd.s32 $0xFFFFF000  }
.Ltmp1:
0x49: {  	[bflag:$0x0] =	sbarrier.arrive $0xFFFF;
	(pc) =	sbr.rel @p0 .LBB2_1-.Ltmp1, $4  }
0x4a: {  	[hbm:s9], [sflag:s6] =	dma.local [spmem:s11], $0xA00  }
0x4b: {  	_ =	swait.ge [sflag:s12], $0xA00  }
0x4c: {  	[sflag:s12] =	ssyncset.done $0x0  }
0x4d: {  	[sflag:s12] =	ssyncadd.s32 $0xFFFFF600  }
0x4e: {  	_ =	sfence.sel $0x180000  }
0x4f: {  	[bflag:$0x0] =	sbarrier.arrive $0xFFFF  }
0x50: {  	_ =	strace $0x9000004D  }
0x51: {  	s0 =	stileid.u32;
	[bflag:$0x2] =	sbarrier.arrive $0xFFFF  }
0x52: {  	p0 =	sne.s32 s0, $0x0;
	s0 =	rddreg [dreg:$0x2]  }
0x53: {  	s0 =	sadd.s32 @!p0 $0x100000, s0  }
0x54: {  	[sflag:s0] =	ssyncadd.tile.s32 @!p0 $0x1;
	_ =	shalt  }
.Lfunc_end2:
_tile_overlayer_lowered:
.L_overlay_start_2:
0x55: {  	(tag) =	ssettag $0x2  }
0x56: {  	s0 =	rddreg [dreg:$0x0];
	s2 =	stileid.u32  }
0x57: {  	s1 =	rddreg [dreg:$0x1];
	p0 =	sne.s32 s2, $0x0  }
0x58: {  	s3 =	rddreg [dreg:$0x2];
	[bflag:$0x3] =	sbarrier.arrive $0xFFFF;
	s2 =	simm.s32 @!p0 $0x1C11  }
0x59: {  	[timem:s3], [sflag:s2] =	dma.local @!p0 [hbm:s0], s1  }
0x5a: {  	s0 =	simm.s32 @!p0 $0x11  }
0x5b: {  	_ =	swait.ge @!p0 [sflag:s0], s1  }
0x5c: {  	s1 =	ssub.s32 @!p0 $0x0, s1;
	[sflag:s0] =	ssyncset.done @!p0 $0x0  }
0x5d: {  	[sflag:s0] =	ssyncadd.s32 @!p0 s1  }
0x5e: {  	[bflag:$0x3] =	sbarrier.arrive $0xFFFF  }
0x5f: {  	_ =	shalt  }

// kernel: kernel.19.cloned.1.call-start
scs
__scs_entry_jumppad:
0x0: {  	(pc) =	sbr.rel $0x88, $3  }
0x1: {  	(tag) =	ssettag $0x0;
	lr =	simm.s32 $0x1  }
0x2: {  	[smem:$0x3F98] =	sst lr;
	_ =	strace $0xD0000000  }
0x3: {  	_ = 	snop  }
0x4: {  	_ = 	snop  }
0x5: {  	_ = 	snop  }
0x6: {  	_ = 	snop  }
0x7: {  	_ = 	snop  }
__scs_overlays_trampoline_lowered:
0x8: {  	[smem:$0x3FA7] =	sst s0  }
0x9: {  	[smem:$0x3FA8] =	sst s1  }
0xa: {  	[smem:$0x3FA9] =	sst s2  }
0xb: {  	[smem:$0x3FAA] =	sst s3  }
0xc: {  	[smem:$0x3FAB] =	sst s4  }
0xd: {  	[smem:$0x3FAC] =	sst s5  }
0xe: {  	[smem:$0x3FAD] =	sst s6  }
0xf: {  	[smem:$0x3FAE] =	sst s7  }
0x10: {  	[smem:$0x3FAF] =	sst s8  }
0x11: {  	[smem:$0x3FB0] =	sst s9;
	s0 =	simm.s32 @!p0 $0x0  }
0x12: {  	s1 =	sld [smem:$0x3F96];
	s0 =	simm.s32 @p0 $0x1  }
0x13: {  	[smem:$0x3FB1] =	sst s0;
	s0 =	simm.s32 @!p1 $0x0  }
0x14: {  	s2 =	sld [smem:$0x3F95];
	s0 =	simm.s32 @p1 $0x1  }
0x15: {  	[smem:$0x3FB2] =	sst s0;
	s0 =	simm.s32 @!p2 $0x0  }
0x16: {  	s3 =	sld [smem:$0x3FDB];
	s0 =	simm.s32 @p2 $0x1  }
0x17: {  	s4 =	simm.s32 $0x1BF5;
	[smem:$0x3FB4] =	sst s0  }
0x18: {  	s0 =	sld [smem:$0x3F97];
	_ =	swait.ge [sflag:s4], $0x0  }
0x19: {  	s7 =	sld [smem:$0x3F98]  }
0x1a: {  	s8 =	sadd.s32 $0xFFFFE003, lr  }
0x1b: {  	s9 =	sadd.s32 $0xFFFFFEF7, lr;
	s5 =	simm.s32 $0xFFFFFFFF;
	p2 =	slt.u32 s8, $0xFFFFF086  }
0x1c: {  	p1 =	slt.u32 s9, $0xF7A;
	s5 =	simm.s32 @!p2 $0x0  }
0x1d: {  	s5 =	simm.s32 @p1 $0x1;
	p0 =	seq.s32 s7, s2  }
0x1e: {  	s7 =	smul.u32 @!p0 $0xF7A, s2;
	p2 =	seq.s32 @!p0 s5, $0x0  }
0x1f: {  	s9 =	smul.u32 $0xF7A, s1;
	s8 =	simm.s32 @!p0 $0x1BF5;
	p2 =	por !p2, p0  }
0x20: {  	[sflag:s8] =	ssyncset.s32 @!p0 $0xFFFFF086;
	s6 =	sadd.s32 @!p0 s3, s7;
	s7 =	simm.s32 @!p0 $0x108  }
0x21: {  	s3 =	sadd.s32 s3, s9;
	s6 =	sadd.s32 @!p0 $0x88, s6;
	s7 =	simm.s32 @p2 $0x1082  }
0x22: {  	[simem:s7], [sflag:s8] =	dma.local @!p0 [hbm:s6], $0xF7A  }
0x23: {  	s9 =	sor.u32 $0xD0000000, s2;
	s6 =	simm.s32 $0x108;
	_ =	swait.ge @!p0 [sflag:s8], $0x0  }
0x24: {  	s3 =	sadd.s32 $0x88, s3;
	s6 =	simm.s32 @!p1 $0x1082;
	[sflag:s4] =	ssyncset.s32 $0xFFFFF086  }
0x25: {  	[simem:s6], [sflag:s4] =	dma.local [hbm:s3], $0xF7A  }
0x26: {  	[smem:$0x3F98] =	sst s1;
	(tag) =	ssettag s2;
	_ =	strace s9  }
0x27: {  	s1 =	sld [smem:$0x3FA8]  }
0x28: {  	s2 =	sld [smem:$0x3FA9]  }
0x29: {  	s4 =	sld [smem:$0x3FAB]  }
0x2a: {  	p0 =	seq.s32 s5, $0x0;
	s5 =	sld [smem:$0x3FAC]  }
0x2b: {  	s6 =	sld [smem:$0x3FAD]  }
0x2c: {  	s7 =	sld [smem:$0x3FAE]  }
0x2d: {  	s3 =	simm.s32 $0x108;
	s8 =	sld [smem:$0x3FAF]  }
0x2e: {  	s3 =	simm.s32 @!p0 $0x1082;
	s9 =	sld [smem:$0x3FB0]  }
0x2f: {  	lr =	sadd.s32 s0, s3;
	s0 =	sld [smem:$0x3FA7]  }
0x30: {  	s3 =	sld [smem:$0x3FAA]  }
0x31: {  	[smem:$0x3FB3] =	sst s10  }
0x32: {  	s10 =	sld [smem:$0x3FB1];
	_ =	sdelay $0x3  }
0x33: {  	p0 =	seq.s32 s10, $0x1;
	s10 =	sld [smem:$0x3FB3];
	_ =	sdelay $0x3  }
0x34: {  	[smem:$0x3FB3] =	sst s10  }
0x35: {  	s10 =	sld [smem:$0x3FB2];
	_ =	sdelay $0x3  }
0x36: {  	p1 =	seq.s32 s10, $0x1;
	s10 =	sld [smem:$0x3FB3];
	_ =	sdelay $0x3  }
0x37: {  	[smem:$0x3FB3] =	sst s10  }
0x38: {  	s10 =	sld [smem:$0x3FB4]  }
0x39: {  	_ = 	snop;
	(pc) =	sbr.ind lr, $3  }
0x3a: {  	_ = 	snop  }
0x3b: {  	_ = 	snop  }
0x3c: {  	p2 =	seq.s32 s10, $0x1;
	s10 =	sld [smem:$0x3FB3]  }
0x3d: {  	_ =	shalt  }
0x3e: {  	_ =	shalt  }
0x3f: {  	_ =	shalt  }
0x40: {  	_ =	shalt  }
0x41: {  	_ =	shalt  }
0x42: {  	_ =	shalt  }
0x43: {  	_ =	shalt  }
0x44: {  	_ =	shalt  }
0x45: {  	_ =	shalt  }
0x46: {  	_ =	shalt  }
0x47: {  	_ =	shalt  }
0x48: {  	_ =	shalt  }
0x49: {  	_ =	shalt  }
0x4a: {  	_ =	shalt  }
0x4b: {  	_ =	shalt  }
0x4c: {  	_ =	shalt  }
0x4d: {  	_ =	shalt  }
0x4e: {  	_ =	shalt  }
0x4f: {  	_ =	shalt  }
0x50: {  	_ =	shalt  }
0x51: {  	_ =	shalt  }
0x52: {  	_ =	shalt  }
0x53: {  	_ =	shalt  }
0x54: {  	_ =	shalt  }
0x55: {  	_ =	shalt  }
0x56: {  	_ =	shalt  }
0x57: {  	_ =	shalt  }
0x58: {  	_ =	shalt  }
0x59: {  	_ =	shalt  }
0x5a: {  	_ =	shalt  }
0x5b: {  	_ =	shalt  }
0x5c: {  	_ =	shalt  }
0x5d: {  	_ =	shalt  }
0x5e: {  	_ =	shalt  }
0x5f: {  	_ =	shalt  }
0x60: {  	_ =	shalt  }
0x61: {  	_ =	shalt  }
0x62: {  	_ =	shalt  }
0x63: {  	_ =	shalt  }
0x64: {  	_ =	shalt  }
0x65: {  	_ =	shalt  }
0x66: {  	_ =	shalt  }
0x67: {  	_ =	shalt  }
0x68: {  	_ =	shalt  }
0x69: {  	_ =	shalt  }
0x6a: {  	_ =	shalt  }
0x6b: {  	_ =	shalt  }
0x6c: {  	_ =	shalt  }
0x6d: {  	_ =	shalt  }
0x6e: {  	_ =	shalt  }
0x6f: {  	_ =	shalt  }
0x70: {  	_ =	shalt  }
0x71: {  	_ =	shalt  }
0x72: {  	_ =	shalt  }
0x73: {  	_ =	shalt  }
0x74: {  	_ =	shalt  }
0x75: {  	_ =	shalt  }
0x76: {  	_ =	shalt  }
0x77: {  	_ =	shalt  }
0x78: {  	_ =	shalt  }
0x79: {  	_ =	shalt  }
0x7a: {  	_ =	shalt  }
0x7b: {  	_ =	shalt  }
0x7c: {  	_ =	shalt  }
0x7d: {  	_ =	shalt  }
0x7e: {  	_ =	shalt  }
0x7f: {  	_ =	shalt  }
0x80: {  	_ =	shalt  }
0x81: {  	_ =	shalt  }
0x82: {  	_ =	shalt  }
0x83: {  	_ =	shalt  }
0x84: {  	_ =	shalt  }
0x85: {  	_ =	shalt  }
0x86: {  	_ =	shalt  }
0x87: {  	_ =	shalt  }
.Lfunc_end0:
.L_simem_size_0:
called_computation.3_lowered:
.L_overlay_start_0:
0x88: {  	s2 =	sld [smem:$0x3FD9]  }
0x89: {  	s3 =	sld [smem:$0x3FFE];
	_ =	sdelay $0x1  }
0x8a: {  	s1 =	srdreg.scid  }
0x8b: {  	s0 =	sand.u32 $0x1, s1  }
0x8c: {  	s16 =	sshll.u32 s0, $0xA;
	s2 =	sadd.s32 s3, s2  }
0x8d: {  	s2 =	sadd.s32 s2, s16  }
0x8e: {  	[smem:$0x3FBF] =	sst s2  }
0x8f: {  	_ = 	snop  }
0x90: {  	(tm) =	ssettm $0x1  }
0x91: {  	s17 =	sld [smem:$0x3FFB];
	_ =	sdelay $0x3  }
0x92: {  	_ =	strace s17  }
0x93: {  	s2 =	sld [smem:$0x3FFC];
	_ =	sdelay $0x3  }
0x94: {  	_ =	strace s2  }
0x95: {  	s2 =	sld [smem:$0x3FFD];
	_ =	sdelay $0x3  }
0x96: {  	_ =	strace s2  }
0x97: {  	_ =	strace $0x8FFFFFFF  }
0x98: {  	s18 =	sld [smem:$0x3FDB];
	_ =	sdelay $0x1  }
0x99: {  	s19 =	simm.s32 $_scs_section_size  }
0x9a: {  	s4 =	simm.s32 $_size__tile_overlayer_lowered;
	s5 =	simm.s32 $_tile_overlayer_lowered  }
0x9b: {  	s22 =	simm.s32 $0x1BFF;
	s21 =	sshll.u32 s5, $0x1;
	s2 =	sadd.s32 s19, s18  }
0x9c: {  	s6 =	simm.s32 $0x0;
	s20 =	sshll.u32 s4, $0x1;
	s4 =	sadd.s32 s21, s2  }
0x9d: {  	[timem:s6], [sflag:s22] =	dma.local [hbm:s4], s20  }
0x9e: {  	_ =	swait.ge [sflag:s22], s20  }
0x9f: {  	s3 =	ssub.s32 $0x0, s20;
	[sflag:s22] =	ssyncset.done $0x0  }
0xa0: {  	[sflag:s22] =	ssyncadd.s32 s3;
	_ =	sdelay $0x1  }
0xa1: {  	s23 =	simm.s32 $0x1B8B  }
0xa2: {  	_ =	swait.ge [sflag:s23], $0x1  }
0xa3: {  	[sflag:s23] =	ssyncset.done $0x0  }
0xa4: {  	s25 =	simm.s32 $0x1B8E;
	s24 =	sld [smem:$0x3FFE];
	[sflag:s23] =	ssyncadd.s32 $0xFFFFFFFF  }
0xa5: {  	s26 =	simm.s32 $execute0_lowered;
	[smem:$0x3FD2] =	sst s25  }
0xa6: {  	s4 =	sshll.u32 s26, $0x1;
	_ =	strace $0x8000004F;
	[dreg:$0x1] =	wrdreg $0xFFFFFFFF  }
0xa7: {  	s28 =	simm.s32 $_size_execute0_lowered;
	s2 =	sadd.s32 s2, s4;
	[dreg:$0x0] =	wrdreg $0x0  }
0xa8: {  	s4 =	sshll.u32 s28, $0x1;
	[dreg:$0x2] =	wrdreg s2  }
0xa9: {  	[dreg:$0x3] =	wrdreg s4  }
0xaa: {  	[dreg:$0x4] =	wrdreg $0xC0  }
0xab: {  	_ =	task [dreg:s6], $0x5FFFF  }
0xac: {  	[dreg:$0x1] =	wrdreg $0xFFFFFFFF  }
0xad: {  	[dreg:$0x0] =	wrdreg $0x60  }
0xae: {  	[dreg:$0x2] =	wrdreg s24  }
0xaf: {  	[dreg:$0x3] =	wrdreg $0x14F000  }
0xb0: {  	[dreg:$0x4] =	wrdreg $0x9  }
0xb1: {  	_ =	task.clear_ibuf [dreg:s6], $0x5FFFF;
	_ =	strace $0x9000004F  }
0xb2: {  	s29 =	simm.s32 $0x9;
	_ =	strace $0x80000051  }
0xb3: {  	_ =	swait.ge [sflag:s29], $0x1  }
0xb4: {  	[sflag:s29] =	ssyncadd.s32 $0xFFFFFFFF  }
0xb5: {  	_ =	strace $0x90000051  }
0xb6: {  	_ =	sfence  }
0xb7: {  	s30 =	sld [smem:$0x0];
	_ =	sdelay $0x2  }
0xb8: {  	s31 =	sshll.u32 s1, $0xD;
	s1 =	sshrl.u32 s1, $0x2  }
0xb9: {  	s3 =	sand.u32 $0x4000, s31;
	s1 =	sadd.s32 s1, s30  }
0xba: {  	s0 =	sor.u32 s3, s0;
	s1 =	sshll.u32 s1, $0x11  }
0xbb: {  	s0 =	sor.u32 s1, s0  }
0xbc: {  	s0 =	sadd.s32 $0x8F2B, s0  }
0xbd: {  	[sflag:s0] =	ssyncadd.remote.s32 $0x1  }
0xbe: {  	_ =	sfence.sel $0xFFFF  }
0xbf: {  	[dreg:$0x0] =	wrdreg $0xFFFFFFFF;
	(pc) =	sbr.abs _section_cstart, $3  }
0xc0: {  	[dreg:$0x1] =	wrdreg $0xFFFFFFFF  }
0xc1: {  	_ =	task.clear_ibuf [dreg:s6], $0x2FFFF;
	_ =	strace $0x9FFFFFFF  }
0xc2: {  	(tm) =	ssettm $0x7FFFFFFF  }
0xc3: {  	_ =	shalt  }
tec
execute0_lowered:
.L_overlay_start_1:
0x0: {  	(tag) =	ssettag $0x1  }
0x1: {  	s0 =	srdreg.scid;
	s5 =	rddreg [dreg:$0x0]  }
0x2: {  	s10 =	stileid.u32;
	s2 =	rddreg [dreg:$0x1]  }
0x3: {  	s3 =	simm.s32 $0x0;
	s12 =	simm.s32 $0x11;
	s13 =	simm.s32 $0x2780  }
0x4: {  	s14 =	simm.s32 $0x80;
	s15 =	simm.s32 $0x4F00;
	s28 =	simm.s32 $0x380  }
0x5: {  	s29 =	simm.s32 $0x12F00;
	s30 =	simm.s32 $0x1;
	s31 =	simm.s32 $0xF  }
0x6: {  	s0 =	sand.u32 $0x1, s0;
	s6 =	smul.u32 $0x14000, s10;
	[smem:$0x7FF] =	sst s3  }
0x7: {  	s26 =	sshll.u32 s10, $0x6;
	s1 =	sshll.u32 s0, $0x4;
	s4 =	smul.u32 $0x140000, s0  }
0x8: {  	_ =	strace $0x80000050;
	s0 =	ssub.s32 $0x2, s0;
	s1 =	sor.u32 s10, s1  }
0x9: {  	s8 =	sshrl.u32 s0, $0x1;
	s24 =	sshrl.u32 s6, $0x1;
	s25 =	sshrl.u32 s6, $0x4  }
0xa: {  	s1 =	smul.u32 $0x4F0, s1;
	s7 =	sadd.s32 s6, s4;
	s4 =	sadd.s32 $0x2A400, s5  }
0xb: {  	s0 =	ssub.s32 s0, s8;
	s11 =	sadd.s32 s24, s2;
	s6 =	sor.u32 $0x1C11, s26  }
0xc: {  	s26 =	simm.s32 $0x10F00;
	s7 =	sshrl.u32 s7, $0x4;
	s10 =	smax.u32 s0, $0x1  }
0xd: {  	s11 =	sshrl.u32 s11, $0x3;
	s1 =	sadd.s32 s1, s5;
	s9 =	sadd.s32 s7, s5  }
0xe: {  	s5 =	sadd.s32 s4, s25;
	s25 =	simm.s32 $0x300;
	s7 =	sadd.s32 $0x16800, s1  }
0xf: {  	s8 =	sadd.s32 $0x20600, s1;
	s9 =	sadd.s32 $0x3E400, s9;
	s1 =	simm.s32 $0x0  }
.LBB2_1:
0x10: {  	[spmem:s11], [sflag:s6] =	dma.local [hbm:s5], $0x1400  }
0x11: {  	_ =	swait.ge [sflag:s12], $0x1400  }
0x12: {  	[sflag:s12] =	ssyncset.done $0x0  }
0x13: {  	[sflag:s12] =	ssyncadd.s32 $0xFFFFEC00  }
0x14: {  	[bflag:$0x0] =	sbarrier.arrive $0xFFFF  }
0x15: {  	[tilespmem:s3], [sflag:$0x11] =	stream.linear.gather [hbm4b:s7+s3], $0x2780, $0x38;
	[tilespmem:$0x1EF00] =	vst v63  }
0x16: {  	_ =	swait.ge [sflag:s12], $0x2780  }
0x17: {  	[sflag:s12] =	ssyncset.done $0x0  }
0x18: {  	[sflag:s12] =	ssyncadd.s32 $0xFFFFD880  }
0x19: {  	[tilespmem:s13], [sflag:$0x11] =	stream.linear.gather [hbm4b:s8+s3], $0x2780, $0x38;
	[tilespmem:$0x1EF00] =	vst v63  }
0x1a: {  	_ =	swait.ge [sflag:s12], $0x2780  }
0x1b: {  	[sflag:s12] =	ssyncset.done $0x0  }
0x1c: {  	[sflag:s12] =	ssyncadd.s32 $0xFFFFD880  }
0x1d: {  	[tilespmem:s15], [sflag:$0x1] =	stream.indirect.gather [hbm4b:s4+s14], $0x40, s3, s14, $0xb8;
	[tilespmem:$0x1EF00] =	vst v63  }
0x1e: {  	s0 =	simm.s32 $0x6F00  }
0x1f: {  	[tilespmem:s0], [sflag:$0x2] =	stream.indirect.gather [hbm4b:s4+s14], $0x40, s14, s14, $0xb8;
	[tilespmem:$0x1EF00] =	vst v63  }
0x20: {  	s24 =	simm.s32 $0x100;
	s16 =	simm.s32 $0x8F00  }
0x21: {  	[tilespmem:s16], [sflag:$0x3] =	stream.indirect.gather [hbm4b:s4+s14], $0x40, s24, s14, $0xb8;
	[tilespmem:$0x1EF00] =	vst v63  }
0x22: {  	s17 =	simm.s32 $0x180;
	s18 =	simm.s32 $0xAF00  }
0x23: {  	[tilespmem:s18], [sflag:$0x4] =	stream.indirect.gather [hbm4b:s4+s14], $0x40, s17, s14, $0xb8;
	[tilespmem:$0x1EF00] =	vst v63  }
0x24: {  	s19 =	simm.s32 $0x200;
	s20 =	simm.s32 $0xCF00  }
0x25: {  	[tilespmem:s20], [sflag:$0x5] =	stream.indirect.gather [hbm4b:s4+s14], $0x40, s19, s14, $0xb8;
	[tilespmem:$0x1EF00] =	vst v63  }
0x26: {  	s21 =	simm.s32 $0x280;
	s22 =	simm.s32 $0xEF00  }
0x27: {  	[tilespmem:s22], [sflag:$0x6] =	stream.indirect.gather [hbm4b:s4+s14], $0x40, s21, s14, $0xb8;
	[tilespmem:$0x1EF00] =	vst v63  }
0x28: {  	_ = 	snop  }
0x29: {  	[tilespmem:s26], [sflag:$0x7] =	stream.indirect.gather [hbm4b:s4+s14], $0x40, s25, s14, $0xb8;
	[tilespmem:$0x1EF00] =	vst v63  }
0x2a: {  	_ = 	snop  }
0x2b: {  	[tilespmem:s29], [sflag:$0x8] =	stream.indirect.gather [hbm4b:s4+s14], $0x40, s28, s14, $0xb8;
	[tilespmem:$0x1EF00] =	vst v63  }
0x2c: {  	s23 =	simm.s32 $0x8;
	p0 =	por $0x0, $0x0;
	_ =	swait.ge [sflag:s30], $0x2000  }
0x2d: {  	s0 =	simm.s32 $0x2800;
	s16 =	sand.u32 $0x7, s23;
	[sflag:s30] =	ssyncset.done $0x0  }
0x2e: {  	s18 =	simm.s32 $0x1;
	s19 =	sadd.s32 $0x9, s16;
	[sflag:s30] =	ssyncadd.s32 $0xFFFFE000  }
0x2f: {  	[spmem:s2] =	stream.indirect.scatter.add.bf16 [tilespmem:s15], [sflag:$0x9], $0x40, s13, s14, $0xb8;
	[tilespmem:$0x1EF00] =	vst v63  }
0x30: {  	s17 =	simm.s32 $0x400;
	s18 =	sand.u32 $0x7, s18;
	_ =	swait.ge [sflag:s19], $0x2000  }
0x31: {  	s20 =	sadd.s32 @!p0 $0x1, s16;
	s16 =	sshll.u32 @!p0 s16, $0xD;
	[sflag:s19] =	ssyncset.done $0x0  }
0x32: {  	s16 =	sadd.s32 @!p0 $0x4F00, s16;
	s21 =	simm.s32 @!p0 $0x80;
	[sflag:s19] =	ssyncadd.s32 $0xFFFFE000  }
0x33: {  	[tilespmem:s16], [sflag:s20] =	stream.indirect.gather @!p0 [hbm4b:s4+s21], $0x40, s17, s21, $0xb8;
	[tilespmem:$0x1EF00] =	vst v63  }
0x34: {  	s24 =	sshll.u32 s18, $0xD;
	s19 =	sadd.s32 $0x1, s18;
	s16 =	simm.s32 $0x9  }
0x35: {  	s17 =	simm.s32 $0x480;
	s20 =	sadd.s32 $0x4F00, s24;
	_ =	swait.ge [sflag:s19], $0x2000  }
0x36: {  	s21 =	sadd.s32 $0x9, s18;
	s18 =	simm.s32 $0x2800;
	[sflag:s19] =	ssyncset.done $0x0  }
.LBB2_2:
0x37: {  	[sflag:s19] =	ssyncadd.s32 $0xFFFFE000  }
0x38: {  	s0 =	sadd.s32 $0x80, s0;
	s19 =	smov.u32 s16;
	s16 =	sadd.s32 $0x1, s16  }
0x39: {  	[spmem:s2] =	stream.indirect.scatter.add.bf16 [tilespmem:s20], [sflag:s21], $0x40, s18, s14, $0xb8;
	[tilespmem:$0x1EF00] =	vst v63  }
0x3a: {  	s20 =	sand.u32 $0x7, s19  }
0x3b: {  	p0 =	sne.s32 s16, $0x56;
	s18 =	smov.u32 s0;
	s19 =	sadd.s32 $0xFFFFFFF9, s19  }
0x3c: {  	s21 =	sadd.s32 $0x9, s20;
	p1 =	sgt.u32 s19, $0x47  }
0x3d: {  	s22 =	sand.u32 $0x7, s19;
	s23 =	sadd.s32 @!p1 $0x1, s20;
	_ =	swait.ge [sflag:s21], $0x2000  }
0x3e: {  	s24 =	simm.s32 @!p1 $0x80;
	s19 =	sshll.u32 @!p1 s20, $0xD;
	[sflag:s21] =	ssyncset.done $0x0  }
.Ltmp0:
0x3f: {  	s20 =	sshll.u32 s22, $0xD;
	[sflag:s21] =	ssyncadd.s32 $0xFFFFE000;
	(pc) =	sbr.rel @p0 .LBB2_2-.Ltmp0, $4  }
0x40: {  	s21 =	sadd.s32 @!p1 $0x4F00, s19;
	s19 =	sadd.s32 $0x1, s22  }
0x41: {  	[tilespmem:s21], [sflag:s23] =	stream.indirect.gather @!p1 [hbm4b:s4+s24], $0x40, s17, s24, $0xb8;
	[tilespmem:$0x1EF00] =	vst v63  }
0x42: {  	s17 =	sadd.s32 $0x80, s17;
	_ =	swait.ge [sflag:s19], $0x2000  }
0x43: {  	s20 =	sadd.s32 $0x4F00, s20;
	s21 =	sadd.s32 $0x9, s22;
	[sflag:s19] =	ssyncset.done $0x0  }
0x44: {  	[sflag:s19] =	ssyncadd.s32 $0xFFFFE000  }
0x45: {  	[spmem:s2] =	stream.indirect.scatter.add.bf16 [tilespmem:s20], [sflag:s21], $0x40, s18, s14, $0xb8;
	[tilespmem:$0x1EF00] =	vst v63  }
0x46: {  	_ =	swait.ge [sflag:s31], $0x2000  }
0x47: {  	s1 =	sadd.s32 $0x1, s1;
	[sflag:s31] =	ssyncset.done $0x0  }
0x48: {  	p0 =	sne.s32 s1, s10;
	[sflag:s31] =	ssyncadd.s32 $0xFFFFE000  }
.Ltmp1:
0x49: {  	[bflag:$0x0] =	sbarrier.arrive $0xFFFF;
	(pc) =	sbr.rel @p0 .LBB2_1-.Ltmp1, $4  }
0x4a: {  	[hbm:s9], [sflag:s6] =	dma.local [spmem:s11], $0x1400  }
0x4b: {  	_ =	swait.ge [sflag:s12], $0x1400  }
0x4c: {  	[sflag:s12] =	ssyncset.done $0x0  }
0x4d: {  	[sflag:s12] =	ssyncadd.s32 $0xFFFFEC00  }
0x4e: {  	_ =	sfence.sel $0x180000  }
0x4f: {  	[bflag:$0x0] =	sbarrier.arrive $0xFFFF  }
0x50: {  	_ =	strace $0x90000050  }
0x51: {  	s0 =	stileid.u32;
	[bflag:$0x2] =	sbarrier.arrive $0xFFFF  }
0x52: {  	p0 =	sne.s32 s0, $0x0;
	s0 =	rddreg [dreg:$0x2]  }
0x53: {  	s0 =	sadd.s32 @!p0 $0x100000, s0  }
0x54: {  	[sflag:s0] =	ssyncadd.tile.s32 @!p0 $0x1;
	_ =	shalt  }
.Lfunc_end2:
_tile_overlayer_lowered:
.L_overlay_start_2:
0x55: {  	(tag) =	ssettag $0x2  }
0x56: {  	s0 =	rddreg [dreg:$0x0];
	s2 =	stileid.u32  }
0x57: {  	s1 =	rddreg [dreg:$0x1];
	p0 =	sne.s32 s2, $0x0  }
0x58: {  	s3 =	rddreg [dreg:$0x2];
	[bflag:$0x3] =	sbarrier.arrive $0xFFFF;
	s2 =	simm.s32 @!p0 $0x1C11  }
0x59: {  	[timem:s3], [sflag:s2] =	dma.local @!p0 [hbm:s0], s1  }
0x5a: {  	s0 =	simm.s32 @!p0 $0x11  }
0x5b: {  	_ =	swait.ge @!p0 [sflag:s0], s1  }
0x5c: {  	s1 =	ssub.s32 @!p0 $0x0, s1;
	[sflag:s0] =	ssyncset.done @!p0 $0x0  }
0x5d: {  	[sflag:s0] =	ssyncadd.s32 @!p0 s1  }
0x5e: {  	[bflag:$0x3] =	sbarrier.arrive $0xFFFF  }
0x5f: {  	_ =	shalt  }

</sc_bundles>
